<compile_context>
chip_gen: v7x
topology: tpu7x:2x2x1
jax: 0.10.2.dev20260603
libtpu: 0.0.44.dev20260713+nightly
codegen_flags: <defaults>
</compile_context>

<pallas_src>
import functools

import jax
import jax.numpy as jnp
from jax import lax
from jax.experimental import pallas as pl
from jax.experimental.pallas import tpu as pltpu
from jax.experimental.pallas import tpu_sc as plsc

N_NODES = 10000
N_EDGES = 320000
DIM = 128

NC = 2
NS = 16
NW = NC * NS
K = 128
CHUNKS = -(-N_EDGES // (NW * K))
E_PAD = NW * CHUNKS * K
N_ACC = 10240
RPT = N_ACC // NS
PUB = RPT // K

CCHUNKS = 80
CE_PAD = NW * CCHUNKS * K
CGRP = 8

RB = 2000


def _sc_sum_body(x_hbm, src_hbm, dst_hbm, iota_hbm, zrow_hbm,
                 part_hbm,
                 sidx_v, didx_v, rows_v, acc_sh, sem, sem2):
    c = lax.axis_index("c")
    s = lax.axis_index("s")
    wid = c * NS + s
    r0 = s * RPT
    pltpu.sync_copy(zrow_hbm, rows_v)
    for j in range(PUB):
        pltpu.sync_copy(iota_hbm.at[pl.ds(r0 + j * K, K)], sidx_v)
        pltpu.sync_copy(rows_v, acc_sh.at[sidx_v])
    plsc.subcore_barrier()

    base = wid * (CHUNKS * K)

    def body(i, carry):
        off = base + i * K
        pltpu.sync_copy(src_hbm.at[pl.ds(off, K)], sidx_v)
        dload = pltpu.async_copy(dst_hbm.at[pl.ds(off, K)], didx_v, sem2)
        pltpu.async_copy(x_hbm.at[sidx_v], rows_v, sem).wait()
        dload.wait()
        pltpu.sync_copy(rows_v, acc_sh.at[didx_v], add=True)
        return carry

    lax.fori_loop(0, CHUNKS, body, 0)
    plsc.subcore_barrier()
    for j in range(PUB):
        pltpu.sync_copy(iota_hbm.at[pl.ds(r0 + j * K, K)], sidx_v)
        pltpu.sync_copy(acc_sh.at[sidx_v], rows_v)
        pltpu.sync_copy(rows_v, part_hbm.at[c, pl.ds(r0 + j * K, K)])


def _sc_cnt_body(dstg_hbm, iota_hbm, zrow_hbm, ones_hbm,
                 cnt_hbm,
                 didx_v, pidx_v, rows_v, ones_v, acc_sh, sem, ssem):
    c = lax.axis_index("c")
    s = lax.axis_index("s")
    wid = c * NS + s
    r0 = s * RPT
    idx_load = pltpu.async_copy(dstg_hbm.at[wid], didx_v, sem)
    pltpu.sync_copy(zrow_hbm, rows_v)
    pltpu.sync_copy(ones_hbm, ones_v)
    for j in range(PUB):
        pltpu.sync_copy(iota_hbm.at[pl.ds(r0 + j * K, K)], pidx_v)
        pltpu.sync_copy(rows_v, acc_sh.at[pidx_v])
    idx_load.wait()
    plsc.subcore_barrier()

    def body(g, carry):
        base = g * CGRP
        for j in range(CGRP):
            pltpu.async_copy(ones_v, acc_sh.at[didx_v.at[base + j]], ssem,
                             add=True)
        for j in range(CGRP):
            pltpu.make_async_copy(
                ones_v, acc_sh.at[didx_v.at[base + j]], ssem).wait()
        return carry

    lax.fori_loop(0, CCHUNKS // CGRP, body, 0)
    plsc.subcore_barrier()
    for j in range(PUB):
        pltpu.sync_copy(iota_hbm.at[pl.ds(r0 + j * K, K)], pidx_v)
        pltpu.sync_copy(acc_sh.at[pidx_v], rows_v)
        pltpu.sync_copy(rows_v, cnt_hbm.at[c, pl.ds(r0 + j * K, K)])


@functools.cache
def _make_mesh():
    return plsc.VectorSubcoreMesh(
        core_axis_name="c", subcore_axis_name="s", num_cores=NC,
        num_subcores=NS)


@functools.cache
def _make_sc_sum():
    return pl.kernel(
        _sc_sum_body,
        out_type=jax.ShapeDtypeStruct((NC, N_ACC, DIM), jnp.float32),
        mesh=_make_mesh(),
        scratch_types=[
            pltpu.VMEM((K,), jnp.int32),
            pltpu.VMEM((K,), jnp.int32),
            pltpu.VMEM((K, DIM), jnp.float32),
            pltpu.VMEM_SHARED((N_ACC, DIM), jnp.float32),
            pltpu.SemaphoreType.DMA,
            pltpu.SemaphoreType.DMA,
        ],
        name="sage_segment_sum_sc",
    )


@functools.cache
def _make_sc_cnt():
    return pl.kernel(
        _sc_cnt_body,
        out_type=jax.ShapeDtypeStruct((NC, N_ACC, DIM), jnp.float32),
        mesh=_make_mesh(),
        scratch_types=[
            pltpu.VMEM((CCHUNKS, K), jnp.int32),
            pltpu.VMEM((K,), jnp.int32),
            pltpu.VMEM((K, DIM), jnp.float32),
            pltpu.VMEM((K, DIM), jnp.float32),
            pltpu.VMEM_SHARED((N_ACC, DIM), jnp.float32),
            pltpu.SemaphoreType.DMA,
            pltpu.SemaphoreType.DMA,
        ],
        name="sage_degree_count_sc",
    )


def _tc_layer_kernel(part_ref, cnt_ref, x_ref, wl_ref, wr_ref, b_ref, o_ref):
    cnt = cnt_ref[0, :, 0:1] + cnt_ref[1, :, 0:1]
    recip = 1.0 / jnp.maximum(cnt, 1.0)
    mean = (part_ref[0] + part_ref[1]) * recip
    acc = lax.dot_general(mean, wl_ref[...], (((1,), (1,)), ((), ())),
                          preferred_element_type=jnp.float32)
    acc = acc + lax.dot_general(x_ref[...], wr_ref[...],
                                (((1,), (1,)), ((), ())),
                                preferred_element_type=jnp.float32)
    o_ref[...] = jnp.maximum(acc + b_ref[...], 0.0)


def _tc_layer(part, cnt, x, W_l, W_r, b):
    grid = N_NODES // RB
    return pl.pallas_call(
        _tc_layer_kernel,
        grid=(grid,),
        in_specs=[
            pl.BlockSpec((NC, RB, DIM), lambda i: (0, i, 0)),
            pl.BlockSpec((NC, RB, DIM), lambda i: (0, i, 0)),
            pl.BlockSpec((RB, DIM), lambda i: (i, 0)),
            pl.BlockSpec((DIM, DIM), lambda i: (0, 0)),
            pl.BlockSpec((DIM, DIM), lambda i: (0, 0)),
            pl.BlockSpec((1, DIM), lambda i: (0, 0)),
        ],
        out_specs=pl.BlockSpec((RB, DIM), lambda i: (i, 0)),
        out_shape=jax.ShapeDtypeStruct((N_NODES, DIM), jnp.float32),
        name="sage_dense_tc",
    )(part, cnt, x, W_l, W_r, b.reshape(1, DIM))


def kernel(x, edge_index, W1_l, b1_l, W1_r, W2_l, b2_l, W2_r):
    src = edge_index[0].astype(jnp.int32)
    dst = edge_index[1].astype(jnp.int32)
    srcf = jnp.concatenate(
        [src, jnp.zeros((E_PAD - N_EDGES,), jnp.int32)])
    dstf = jnp.concatenate(
        [dst, jnp.full((E_PAD - N_EDGES,), N_NODES, jnp.int32)])
    dstg = jnp.concatenate(
        [dst, jnp.full((CE_PAD - N_EDGES,), N_NODES, jnp.int32)]
    ).reshape(NW, CCHUNKS, K)
    iota = jnp.arange(N_ACC, dtype=jnp.int32)
    zrow = jnp.zeros((K, DIM), jnp.float32)
    ones = jnp.ones((K, DIM), jnp.float32)

    cnt = _make_sc_cnt()(dstg, iota, zrow, ones)
    part1 = _make_sc_sum()(x, srcf, dstf, iota, zrow)
    h1 = _tc_layer(part1, cnt, x, W1_l, W1_r, b1_l)
    part2 = _make_sc_sum()(h1, srcf, dstf, iota, zrow)
    h2 = _tc_layer(part2, cnt, h1, W2_l, W2_r, b2_l)
    return h2

# --- scband reference (transcript-rebuilt; emitter-appended) ---
"""Pipeline reference for scband-policy-network-17549236371850 (READ-ONLY COPY).

The authoritative reference and input builder live on the scoring server;
editing this copy changes nothing except your own understanding.
"""

import jax, jax.numpy as jnp
import numpy as np

N_NODES = 10000
N_EDGES = 320000
IN_DIM = 128
HIDDEN = 128


def _sage_conv(x, src, dst, W_l, b_l, W_r, num_nodes):
    # PyG SAGEConv with mean aggregation:
    #   out = lin_l(mean_{j in N(i)} x_j) + lin_r(x_i)
    msgs = jnp.take(x, src, axis=0)
    summed = jax.ops.segment_sum(msgs, dst, num_segments=num_nodes)
    counts = jax.ops.segment_sum(jnp.ones((msgs.shape[0],), dtype=x.dtype), dst, num_segments=num_nodes)
    mean = summed / jnp.clip(counts, 1.0, None)[:, None]
    return mean @ W_l.T + b_l + x @ W_r.T


def setup_inputs(seed: int = 0) -> dict:
    key = jax.random.key(seed)
    k_x, k_e, k1, k2, k3, k4, k5 = jax.random.split(key, 7)
    x = jax.random.normal(k_x, (N_NODES, IN_DIM), dtype=jnp.float32)
    edge_index = jax.random.randint(k_e, (2, N_EDGES), 0, N_NODES, dtype=jnp.int64)
    s1 = 1.0 / np.sqrt(IN_DIM)
    s2 = 1.0 / np.sqrt(HIDDEN)
    W1_l = jax.random.uniform(k1, (HIDDEN, IN_DIM), minval=-s1, maxval=s1, dtype=jnp.float32)
    b1_l = jnp.zeros((HIDDEN,), dtype=jnp.float32)
    W1_r = jax.random.uniform(k2, (HIDDEN, IN_DIM), minval=-s1, maxval=s1, dtype=jnp.float32)
    W2_l = jax.random.uniform(k3, (HIDDEN, HIDDEN), minval=-s2, maxval=s2, dtype=jnp.float32)
    b2_l = jnp.zeros((HIDDEN,), dtype=jnp.float32)
    W2_r = jax.random.uniform(k4, (HIDDEN, HIDDEN), minval=-s2, maxval=s2, dtype=jnp.float32)
    return {"x": x, "edge_index": edge_index, "W1_l": W1_l, "b1_l": b1_l, "W1_r": W1_r,
            "W2_l": W2_l, "b2_l": b2_l, "W2_r": W2_r}


def reference(x, edge_index, W1_l, b1_l, W1_r, W2_l, b2_l, W2_r):
    src = edge_index[0]
    dst = edge_index[1]
    h = _sage_conv(x, src, dst, W1_l, b1_l, W1_r, N_NODES)
    h = jax.nn.relu(h)
    h = _sage_conv(h, src, dst, W2_l, b2_l, W2_r, N_NODES)
    h = jax.nn.relu(h)
    return h

if __name__ == "__main__":
    import jax
    _d = setup_inputs()
    print(jax.jit(kernel)(*tuple(_d.values())))

</pallas_src>

<mosaic_0001>
#map = affine_map<(d0, d1) -> (0, 0, 0)>
#map1 = affine_map<(d0, d1) -> (0)>
#map2 = affine_map<(d0, d1) -> (0, 0)>
module attributes {stable_mosaic.version = 14 : i64} {
  func.func @sage_degree_count_sc(%arg0: i32, %arg1: i32, %arg2: memref<32x80x128xi32, #tpu.memory_space<hbm>>, %arg3: memref<10240xi32, #tpu.memory_space<hbm>>, %arg4: memref<128x128xf32, #tpu.memory_space<hbm>>, %arg5: memref<128x128xf32, #tpu.memory_space<hbm>>, %arg6: memref<2x10240x128xf32, #tpu.memory_space<hbm>>, %arg7: memref<80x128xi32, #tpu.memory_space<vmem>>, %arg8: memref<128xi32, #tpu.memory_space<vmem>>, %arg9: memref<128x128xf32, #tpu.memory_space<vmem>>, %arg10: memref<128x128xf32, #tpu.memory_space<vmem>>, %arg11: memref<10240x128xf32, #tpu.memory_space<vmem_shared>>, %arg12: memref<!tpu.dma_semaphore, #tpu.memory_space<semaphore_mem>>, %arg13: memref<!tpu.dma_semaphore, #tpu.memory_space<semaphore_mem>>) attributes {dimension_semantics = [#tpu.dimension_semantics<core_parallel>, #tpu.dimension_semantics<subcore_parallel>], iteration_bounds = array<i64: 2, 16>, scalar_prefetch = 0 : i64, scratch_operands = 7 : i64, tpu.core_type = #tpu.core_type<sc_vector_subcore>, window_params = [{transform_indices = #map}, {transform_indices = #map1}, {transform_indices = #map2}, {transform_indices = #map2}, {transform_indices = #map}]} {
    %mul3A = arith.constant 16 : i32
    %mul3A_0 = arith.muli %arg0, %mul3A : i32
    %add3A = arith.addi %mul3A_0, %arg1 : i32
    %mul3A_1 = arith.constant 640 : i32
    %mul3A_2 = arith.muli %arg1, %mul3A_1 : i32
    %dma_start3A = arith.constant 0 : i32
    %dma_start3A_3 = arith.constant 0 : i32
    %dma_start3A_4 = tpu.memref_slice %arg2[%add3A, %dma_start3A, %dma_start3A_3] : memref<32x80x128xi32, #tpu.memory_space<hbm>> -> memref<1x80x128xi32, #tpu.memory_space<hbm>>
    %dma_start3A_5 = tpu.memref_squeeze %dma_start3A_4 : memref<1x80x128xi32, #tpu.memory_space<hbm>> -> memref<80x128xi32, #tpu.memory_space<hbm>>
    %dma_start3A_6 = arith.constant 0 : i32
    %dma_start3A_7 = arith.constant 0 : i32
    %dma_start3A_8 = tpu.memref_slice %arg2[%add3A, %dma_start3A_6, %dma_start3A_7] : memref<32x80x128xi32, #tpu.memory_space<hbm>> -> memref<1x80x128xi32, #tpu.memory_space<hbm>>
    %dma_start3A_9 = tpu.memref_squeeze %dma_start3A_8 : memref<1x80x128xi32, #tpu.memory_space<hbm>> -> memref<80x128xi32, #tpu.memory_space<hbm>>
    tpu.enqueue_dma source(%dma_start3A_9 : memref<80x128xi32, #tpu.memory_space<hbm>>) target(%arg7 : memref<80x128xi32, #tpu.memory_space<vmem>>) target_semaphore(%arg12 : memref<!tpu.dma_semaphore, #tpu.memory_space<semaphore_mem>>)
    "tpu.region"() ({
      %run_scoped3A = tpu.sem_alloc : memref<!tpu.dma_semaphore, #tpu.memory_space<semaphore_mem>>
      tpu.enqueue_dma source(%arg4 : memref<128x128xf32, #tpu.memory_space<hbm>>) target(%arg9 : memref<128x128xf32, #tpu.memory_space<vmem>>) target_semaphore(%run_scoped3A : memref<!tpu.dma_semaphore, #tpu.memory_space<semaphore_mem>>)
      tpu.wait_dma2 semaphore(%run_scoped3A : memref<!tpu.dma_semaphore, #tpu.memory_space<semaphore_mem>>) src(%arg4 : memref<128x128xf32, #tpu.memory_space<hbm>>) dst(%arg9 : memref<128x128xf32, #tpu.memory_space<vmem>>)
      tpu.yield
    }) : () -> ()
    "tpu.region"() ({
      %run_scoped3A = tpu.sem_alloc : memref<!tpu.dma_semaphore, #tpu.memory_space<semaphore_mem>>
      tpu.enqueue_dma source(%arg5 : memref<128x128xf32, #tpu.memory_space<hbm>>) target(%arg10 : memref<128x128xf32, #tpu.memory_space<vmem>>) target_semaphore(%run_scoped3A : memref<!tpu.dma_semaphore, #tpu.memory_space<semaphore_mem>>)
      tpu.wait_dma2 semaphore(%run_scoped3A : memref<!tpu.dma_semaphore, #tpu.memory_space<semaphore_mem>>) src(%arg5 : memref<128x128xf32, #tpu.memory_space<hbm>>) dst(%arg10 : memref<128x128xf32, #tpu.memory_space<vmem>>)
      tpu.yield
    }) : () -> ()
    %add3A_10 = arith.constant 0 : i32
    %add3A_11 = arith.addi %mul3A_2, %add3A_10 : i32
    "tpu.region"() ({
      %run_scoped3A = tpu.sem_alloc : memref<!tpu.dma_semaphore, #tpu.memory_space<semaphore_mem>>
      %dma_start3A_53 = tpu.memref_slice %arg3[%add3A_11] : memref<10240xi32, #tpu.memory_space<hbm>> -> memref<128xi32, #tpu.memory_space<hbm>>
      %dma_start3A_54 = tpu.memref_slice %arg3[%add3A_11] : memref<10240xi32, #tpu.memory_space<hbm>> -> memref<128xi32, #tpu.memory_space<hbm>>
      tpu.enqueue_dma source(%dma_start3A_54 : memref<128xi32, #tpu.memory_space<hbm>>) target(%arg8 : memref<128xi32, #tpu.memory_space<vmem>>) target_semaphore(%run_scoped3A : memref<!tpu.dma_semaphore, #tpu.memory_space<semaphore_mem>>)
      %dma_wait3A_55 = tpu.memref_slice %arg3[%add3A_11] : memref<10240xi32, #tpu.memory_space<hbm>> -> memref<128xi32, #tpu.memory_space<hbm>>
      %dma_wait3A_56 = tpu.memref_slice %arg3[%add3A_11] : memref<10240xi32, #tpu.memory_space<hbm>> -> memref<128xi32, #tpu.memory_space<hbm>>
      tpu.wait_dma2 semaphore(%run_scoped3A : memref<!tpu.dma_semaphore, #tpu.memory_space<semaphore_mem>>) src(%dma_wait3A_56 : memref<128xi32, #tpu.memory_space<hbm>>) dst(%arg8 : memref<128xi32, #tpu.memory_space<vmem>>)
      tpu.yield
    }) : () -> ()
    "tpu.region"() ({
      %run_scoped3A = tpu.sem_alloc : memref<!tpu.dma_semaphore, #tpu.memory_space<semaphore_mem>>
      %dma_start3A_53 = arith.constant 0 : i32
      %dma_start3A_54 = arith.constant 0 : i32
      %dma_start3A_55 = tpu.memref_slice %arg11[%dma_start3A_53, %dma_start3A_54] : memref<10240x128xf32, #tpu.memory_space<vmem_shared>> -> memref<10240x128xf32, #tpu.memory_space<vmem_shared>>
      tpu.enqueue_indirect_dma source(%arg9 : memref<128x128xf32, #tpu.memory_space<vmem>>) target(%dma_start3A_55 : memref<10240x128xf32, #tpu.memory_space<vmem_shared>>) offsets(%arg8 : memref<128xi32, #tpu.memory_space<vmem>>) semaphore(%run_scoped3A : memref<!tpu.dma_semaphore, #tpu.memory_space<semaphore_mem>>)
      %dma_wait3A_56 = arith.constant 0 : i32
      %dma_wait3A_57 = arith.constant 0 : i32
      %dma_wait3A_58 = tpu.memref_slice %arg11[%dma_wait3A_56, %dma_wait3A_57] : memref<10240x128xf32, #tpu.memory_space<vmem_shared>> -> memref<10240x128xf32, #tpu.memory_space<vmem_shared>>
      tpu.wait_indirect_dma semaphore(%run_scoped3A : memref<!tpu.dma_semaphore, #tpu.memory_space<semaphore_mem>>) src(%arg9 : memref<128x128xf32, #tpu.memory_space<vmem>>) dst(%dma_wait3A_58 : memref<10240x128xf32, #tpu.memory_space<vmem_shared>>)
      tpu.yield
    }) : () -> ()
    %add3A_12 = arith.constant 128 : i32
    %add3A_13 = arith.addi %mul3A_2, %add3A_12 : i32
    "tpu.region"() ({
      %run_scoped3A = tpu.sem_alloc : memref<!tpu.dma_semaphore, #tpu.memory_space<semaphore_mem>>
      %dma_start3A_53 = tpu.memref_slice %arg3[%add3A_13] : memref<10240xi32, #tpu.memory_space<hbm>> -> memref<128xi32, #tpu.memory_space<hbm>>
      %dma_start3A_54 = tpu.memref_slice %arg3[%add3A_13] : memref<10240xi32, #tpu.memory_space<hbm>> -> memref<128xi32, #tpu.memory_space<hbm>>
      tpu.enqueue_dma source(%dma_start3A_54 : memref<128xi32, #tpu.memory_space<hbm>>) target(%arg8 : memref<128xi32, #tpu.memory_space<vmem>>) target_semaphore(%run_scoped3A : memref<!tpu.dma_semaphore, #tpu.memory_space<semaphore_mem>>)
      %dma_wait3A_55 = tpu.memref_slice %arg3[%add3A_13] : memref<10240xi32, #tpu.memory_space<hbm>> -> memref<128xi32, #tpu.memory_space<hbm>>
      %dma_wait3A_56 = tpu.memref_slice %arg3[%add3A_13] : memref<10240xi32, #tpu.memory_space<hbm>> -> memref<128xi32, #tpu.memory_space<hbm>>
      tpu.wait_dma2 semaphore(%run_scoped3A : memref<!tpu.dma_semaphore, #tpu.memory_space<semaphore_mem>>) src(%dma_wait3A_56 : memref<128xi32, #tpu.memory_space<hbm>>) dst(%arg8 : memref<128xi32, #tpu.memory_space<vmem>>)
      tpu.yield
    }) : () -> ()
    "tpu.region"() ({
      %run_scoped3A = tpu.sem_alloc : memref<!tpu.dma_semaphore, #tpu.memory_space<semaphore_mem>>
      %dma_start3A_53 = arith.constant 0 : i32
      %dma_start3A_54 = arith.constant 0 : i32
      %dma_start3A_55 = tpu.memref_slice %arg11[%dma_start3A_53, %dma_start3A_54] : memref<10240x128xf32, #tpu.memory_space<vmem_shared>> -> memref<10240x128xf32, #tpu.memory_space<vmem_shared>>
      tpu.enqueue_indirect_dma source(%arg9 : memref<128x128xf32, #tpu.memory_space<vmem>>) target(%dma_start3A_55 : memref<10240x128xf32, #tpu.memory_space<vmem_shared>>) offsets(%arg8 : memref<128xi32, #tpu.memory_space<vmem>>) semaphore(%run_scoped3A : memref<!tpu.dma_semaphore, #tpu.memory_space<semaphore_mem>>)
      %dma_wait3A_56 = arith.constant 0 : i32
      %dma_wait3A_57 = arith.constant 0 : i32
      %dma_wait3A_58 = tpu.memref_slice %arg11[%dma_wait3A_56, %dma_wait3A_57] : memref<10240x128xf32, #tpu.memory_space<vmem_shared>> -> memref<10240x128xf32, #tpu.memory_space<vmem_shared>>
      tpu.wait_indirect_dma semaphore(%run_scoped3A : memref<!tpu.dma_semaphore, #tpu.memory_space<semaphore_mem>>) src(%arg9 : memref<128x128xf32, #tpu.memory_space<vmem>>) dst(%dma_wait3A_58 : memref<10240x128xf32, #tpu.memory_space<vmem_shared>>)
      tpu.yield
    }) : () -> ()
    %add3A_14 = arith.constant 256 : i32
    %add3A_15 = arith.addi %mul3A_2, %add3A_14 : i32
    "tpu.region"() ({
      %run_scoped3A = tpu.sem_alloc : memref<!tpu.dma_semaphore, #tpu.memory_space<semaphore_mem>>
      %dma_start3A_53 = tpu.memref_slice %arg3[%add3A_15] : memref<10240xi32, #tpu.memory_space<hbm>> -> memref<128xi32, #tpu.memory_space<hbm>>
      %dma_start3A_54 = tpu.memref_slice %arg3[%add3A_15] : memref<10240xi32, #tpu.memory_space<hbm>> -> memref<128xi32, #tpu.memory_space<hbm>>
      tpu.enqueue_dma source(%dma_start3A_54 : memref<128xi32, #tpu.memory_space<hbm>>) target(%arg8 : memref<128xi32, #tpu.memory_space<vmem>>) target_semaphore(%run_scoped3A : memref<!tpu.dma_semaphore, #tpu.memory_space<semaphore_mem>>)
      %dma_wait3A_55 = tpu.memref_slice %arg3[%add3A_15] : memref<10240xi32, #tpu.memory_space<hbm>> -> memref<128xi32, #tpu.memory_space<hbm>>
      %dma_wait3A_56 = tpu.memref_slice %arg3[%add3A_15] : memref<10240xi32, #tpu.memory_space<hbm>> -> memref<128xi32, #tpu.memory_space<hbm>>
      tpu.wait_dma2 semaphore(%run_scoped3A : memref<!tpu.dma_semaphore, #tpu.memory_space<semaphore_mem>>) src(%dma_wait3A_56 : memref<128xi32, #tpu.memory_space<hbm>>) dst(%arg8 : memref<128xi32, #tpu.memory_space<vmem>>)
      tpu.yield
    }) : () -> ()
    "tpu.region"() ({
      %run_scoped3A = tpu.sem_alloc : memref<!tpu.dma_semaphore, #tpu.memory_space<semaphore_mem>>
      %dma_start3A_53 = arith.constant 0 : i32
      %dma_start3A_54 = arith.constant 0 : i32
      %dma_start3A_55 = tpu.memref_slice %arg11[%dma_start3A_53, %dma_start3A_54] : memref<10240x128xf32, #tpu.memory_space<vmem_shared>> -> memref<10240x128xf32, #tpu.memory_space<vmem_shared>>
      tpu.enqueue_indirect_dma source(%arg9 : memref<128x128xf32, #tpu.memory_space<vmem>>) target(%dma_start3A_55 : memref<10240x128xf32, #tpu.memory_space<vmem_shared>>) offsets(%arg8 : memref<128xi32, #tpu.memory_space<vmem>>) semaphore(%run_scoped3A : memref<!tpu.dma_semaphore, #tpu.memory_space<semaphore_mem>>)
      %dma_wait3A_56 = arith.constant 0 : i32
      %dma_wait3A_57 = arith.constant 0 : i32
      %dma_wait3A_58 = tpu.memref_slice %arg11[%dma_wait3A_56, %dma_wait3A_57] : memref<10240x128xf32, #tpu.memory_space<vmem_shared>> -> memref<10240x128xf32, #tpu.memory_space<vmem_shared>>
      tpu.wait_indirect_dma semaphore(%run_scoped3A : memref<!tpu.dma_semaphore, #tpu.memory_space<semaphore_mem>>) src(%arg9 : memref<128x128xf32, #tpu.memory_space<vmem>>) dst(%dma_wait3A_58 : memref<10240x128xf32, #tpu.memory_space<vmem_shared>>)
      tpu.yield
    }) : () -> ()
    %add3A_16 = arith.constant 384 : i32
    %add3A_17 = arith.addi %mul3A_2, %add3A_16 : i32
    "tpu.region"() ({
      %run_scoped3A = tpu.sem_alloc : memref<!tpu.dma_semaphore, #tpu.memory_space<semaphore_mem>>
      %dma_start3A_53 = tpu.memref_slice %arg3[%add3A_17] : memref<10240xi32, #tpu.memory_space<hbm>> -> memref<128xi32, #tpu.memory_space<hbm>>
      %dma_start3A_54 = tpu.memref_slice %arg3[%add3A_17] : memref<10240xi32, #tpu.memory_space<hbm>> -> memref<128xi32, #tpu.memory_space<hbm>>
      tpu.enqueue_dma source(%dma_start3A_54 : memref<128xi32, #tpu.memory_space<hbm>>) target(%arg8 : memref<128xi32, #tpu.memory_space<vmem>>) target_semaphore(%run_scoped3A : memref<!tpu.dma_semaphore, #tpu.memory_space<semaphore_mem>>)
      %dma_wait3A_55 = tpu.memref_slice %arg3[%add3A_17] : memref<10240xi32, #tpu.memory_space<hbm>> -> memref<128xi32, #tpu.memory_space<hbm>>
      %dma_wait3A_56 = tpu.memref_slice %arg3[%add3A_17] : memref<10240xi32, #tpu.memory_space<hbm>> -> memref<128xi32, #tpu.memory_space<hbm>>
      tpu.wait_dma2 semaphore(%run_scoped3A : memref<!tpu.dma_semaphore, #tpu.memory_space<semaphore_mem>>) src(%dma_wait3A_56 : memref<128xi32, #tpu.memory_space<hbm>>) dst(%arg8 : memref<128xi32, #tpu.memory_space<vmem>>)
      tpu.yield
    }) : () -> ()
    "tpu.region"() ({
      %run_scoped3A = tpu.sem_alloc : memref<!tpu.dma_semaphore, #tpu.memory_space<semaphore_mem>>
      %dma_start3A_53 = arith.constant 0 : i32
      %dma_start3A_54 = arith.constant 0 : i32
      %dma_start3A_55 = tpu.memref_slice %arg11[%dma_start3A_53, %dma_start3A_54] : memref<10240x128xf32, #tpu.memory_space<vmem_shared>> -> memref<10240x128xf32, #tpu.memory_space<vmem_shared>>
      tpu.enqueue_indirect_dma source(%arg9 : memref<128x128xf32, #tpu.memory_space<vmem>>) target(%dma_start3A_55 : memref<10240x128xf32, #tpu.memory_space<vmem_shared>>) offsets(%arg8 : memref<128xi32, #tpu.memory_space<vmem>>) semaphore(%run_scoped3A : memref<!tpu.dma_semaphore, #tpu.memory_space<semaphore_mem>>)
      %dma_wait3A_56 = arith.constant 0 : i32
      %dma_wait3A_57 = arith.constant 0 : i32
      %dma_wait3A_58 = tpu.memref_slice %arg11[%dma_wait3A_56, %dma_wait3A_57] : memref<10240x128xf32, #tpu.memory_space<vmem_shared>> -> memref<10240x128xf32, #tpu.memory_space<vmem_shared>>
      tpu.wait_indirect_dma semaphore(%run_scoped3A : memref<!tpu.dma_semaphore, #tpu.memory_space<semaphore_mem>>) src(%arg9 : memref<128x128xf32, #tpu.memory_space<vmem>>) dst(%dma_wait3A_58 : memref<10240x128xf32, #tpu.memory_space<vmem_shared>>)
      tpu.yield
    }) : () -> ()
    %add3A_18 = arith.constant 512 : i32
    %add3A_19 = arith.addi %mul3A_2, %add3A_18 : i32
    "tpu.region"() ({
      %run_scoped3A = tpu.sem_alloc : memref<!tpu.dma_semaphore, #tpu.memory_space<semaphore_mem>>
      %dma_start3A_53 = tpu.memref_slice %arg3[%add3A_19] : memref<10240xi32, #tpu.memory_space<hbm>> -> memref<128xi32, #tpu.memory_space<hbm>>
      %dma_start3A_54 = tpu.memref_slice %arg3[%add3A_19] : memref<10240xi32, #tpu.memory_space<hbm>> -> memref<128xi32, #tpu.memory_space<hbm>>
      tpu.enqueue_dma source(%dma_start3A_54 : memref<128xi32, #tpu.memory_space<hbm>>) target(%arg8 : memref<128xi32, #tpu.memory_space<vmem>>) target_semaphore(%run_scoped3A : memref<!tpu.dma_semaphore, #tpu.memory_space<semaphore_mem>>)
      %dma_wait3A_55 = tpu.memref_slice %arg3[%add3A_19] : memref<10240xi32, #tpu.memory_space<hbm>> -> memref<128xi32, #tpu.memory_space<hbm>>
      %dma_wait3A_56 = tpu.memref_slice %arg3[%add3A_19] : memref<10240xi32, #tpu.memory_space<hbm>> -> memref<128xi32, #tpu.memory_space<hbm>>
      tpu.wait_dma2 semaphore(%run_scoped3A : memref<!tpu.dma_semaphore, #tpu.memory_space<semaphore_mem>>) src(%dma_wait3A_56 : memref<128xi32, #tpu.memory_space<hbm>>) dst(%arg8 : memref<128xi32, #tpu.memory_space<vmem>>)
      tpu.yield
    }) : () -> ()
    "tpu.region"() ({
      %run_scoped3A = tpu.sem_alloc : memref<!tpu.dma_semaphore, #tpu.memory_space<semaphore_mem>>
      %dma_start3A_53 = arith.constant 0 : i32
      %dma_start3A_54 = arith.constant 0 : i32
      %dma_start3A_55 = tpu.memref_slice %arg11[%dma_start3A_53, %dma_start3A_54] : memref<10240x128xf32, #tpu.memory_space<vmem_shared>> -> memref<10240x128xf32, #tpu.memory_space<vmem_shared>>
      tpu.enqueue_indirect_dma source(%arg9 : memref<128x128xf32, #tpu.memory_space<vmem>>) target(%dma_start3A_55 : memref<10240x128xf32, #tpu.memory_space<vmem_shared>>) offsets(%arg8 : memref<128xi32, #tpu.memory_space<vmem>>) semaphore(%run_scoped3A : memref<!tpu.dma_semaphore, #tpu.memory_space<semaphore_mem>>)
      %dma_wait3A_56 = arith.constant 0 : i32
      %dma_wait3A_57 = arith.constant 0 : i32
      %dma_wait3A_58 = tpu.memref_slice %arg11[%dma_wait3A_56, %dma_wait3A_57] : memref<10240x128xf32, #tpu.memory_space<vmem_shared>> -> memref<10240x128xf32, #tpu.memory_space<vmem_shared>>
      tpu.wait_indirect_dma semaphore(%run_scoped3A : memref<!tpu.dma_semaphore, #tpu.memory_space<semaphore_mem>>) src(%arg9 : memref<128x128xf32, #tpu.memory_space<vmem>>) dst(%dma_wait3A_58 : memref<10240x128xf32, #tpu.memory_space<vmem_shared>>)
      tpu.yield
    }) : () -> ()
    %dma_wait3A = arith.constant 0 : i32
    %dma_wait3A_20 = arith.constant 0 : i32
    %dma_wait3A_21 = tpu.memref_slice %arg2[%add3A, %dma_wait3A, %dma_wait3A_20] : memref<32x80x128xi32, #tpu.memory_space<hbm>> -> memref<1x80x128xi32, #tpu.memory_space<hbm>>
    %dma_wait3A_22 = tpu.memref_squeeze %dma_wait3A_21 : memref<1x80x128xi32, #tpu.memory_space<hbm>> -> memref<80x128xi32, #tpu.memory_space<hbm>>
    %dma_wait3A_23 = arith.constant 0 : i32
    %dma_wait3A_24 = arith.constant 0 : i32
    %dma_wait3A_25 = tpu.memref_slice %arg2[%add3A, %dma_wait3A_23, %dma_wait3A_24] : memref<32x80x128xi32, #tpu.memory_space<hbm>> -> memref<1x80x128xi32, #tpu.memory_space<hbm>>
    %dma_wait3A_26 = tpu.memref_squeeze %dma_wait3A_25 : memref<1x80x128xi32, #tpu.memory_space<hbm>> -> memref<80x128xi32, #tpu.memory_space<hbm>>
    tpu.wait_dma2 semaphore(%arg12 : memref<!tpu.dma_semaphore, #tpu.memory_space<semaphore_mem>>) src(%dma_wait3A_26 : memref<80x128xi32, #tpu.memory_space<hbm>>) dst(%arg7 : memref<80x128xi32, #tpu.memory_space<vmem>>)
    %barrier3A = arith.constant 0 : index
    tpu.barrier barrier_id(%barrier3A)
    %scan3A = arith.constant 0 : i32
    %scan3A_27 = arith.constant 0 : i32
    %scan3A_28 = arith.constant 10 : i32
    %scan3A_29 = arith.addi %scan3A_27, %scan3A_28 : i32
    %scan3A_30 = arith.constant 1 : i32
    scf.for %scan3A_53 = %scan3A_27 to %scan3A_29 step %scan3A_30  : i32 {
      %mul3A_54 = arith.constant 8 : i32
      %mul3A_55 = arith.muli %scan3A_53, %mul3A_54 : i32
      %add3A_56 = arith.constant 0 : i32
      %add3A_57 = arith.addi %mul3A_55, %add3A_56 : i32
      %dma_start3A_58 = arith.constant 0 : i32
      %dma_start3A_59 = tpu.memref_slice %arg7[%add3A_57, %dma_start3A_58] : memref<80x128xi32, #tpu.memory_space<vmem>> -> memref<1x128xi32, #tpu.memory_space<vmem>>
      %dma_start3A_60 = tpu.memref_squeeze %dma_start3A_59 : memref<1x128xi32, #tpu.memory_space<vmem>> -> memref<128xi32, #tpu.memory_space<vmem>>
      %dma_start3A_61 = arith.constant 0 : i32
      %dma_start3A_62 = arith.constant 0 : i32
      %dma_start3A_63 = tpu.memref_slice %arg11[%dma_start3A_61, %dma_start3A_62] : memref<10240x128xf32, #tpu.memory_space<vmem_shared>> -> memref<10240x128xf32, #tpu.memory_space<vmem_shared>>
      tpu.enqueue_indirect_dma source(%arg10 : memref<128x128xf32, #tpu.memory_space<vmem>>) target(%dma_start3A_63 : memref<10240x128xf32, #tpu.memory_space<vmem_shared>>) offsets(%dma_start3A_60 : memref<128xi32, #tpu.memory_space<vmem>>) semaphore(%arg13 : memref<!tpu.dma_semaphore, #tpu.memory_space<semaphore_mem>>) {add = true}
      %add3A_64 = arith.constant 1 : i32
      %add3A_65 = arith.addi %mul3A_55, %add3A_64 : i32
      %dma_start3A_66 = arith.constant 0 : i32
      %dma_start3A_67 = tpu.memref_slice %arg7[%add3A_65, %dma_start3A_66] : memref<80x128xi32, #tpu.memory_space<vmem>> -> memref<1x128xi32, #tpu.memory_space<vmem>>
      %dma_start3A_68 = tpu.memref_squeeze %dma_start3A_67 : memref<1x128xi32, #tpu.memory_space<vmem>> -> memref<128xi32, #tpu.memory_space<vmem>>
      %dma_start3A_69 = arith.constant 0 : i32
      %dma_start3A_70 = arith.constant 0 : i32
      %dma_start3A_71 = tpu.memref_slice %arg11[%dma_start3A_69, %dma_start3A_70] : memref<10240x128xf32, #tpu.memory_space<vmem_shared>> -> memref<10240x128xf32, #tpu.memory_space<vmem_shared>>
      tpu.enqueue_indirect_dma source(%arg10 : memref<128x128xf32, #tpu.memory_space<vmem>>) target(%dma_start3A_71 : memref<10240x128xf32, #tpu.memory_space<vmem_shared>>) offsets(%dma_start3A_68 : memref<128xi32, #tpu.memory_space<vmem>>) semaphore(%arg13 : memref<!tpu.dma_semaphore, #tpu.memory_space<semaphore_mem>>) {add = true}
      %add3A_72 = arith.constant 2 : i32
      %add3A_73 = arith.addi %mul3A_55, %add3A_72 : i32
      %dma_start3A_74 = arith.constant 0 : i32
      %dma_start3A_75 = tpu.memref_slice %arg7[%add3A_73, %dma_start3A_74] : memref<80x128xi32, #tpu.memory_space<vmem>> -> memref<1x128xi32, #tpu.memory_space<vmem>>
      %dma_start3A_76 = tpu.memref_squeeze %dma_start3A_75 : memref<1x128xi32, #tpu.memory_space<vmem>> -> memref<128xi32, #tpu.memory_space<vmem>>
      %dma_start3A_77 = arith.constant 0 : i32
      %dma_start3A_78 = arith.constant 0 : i32
      %dma_start3A_79 = tpu.memref_slice %arg11[%dma_start3A_77, %dma_start3A_78] : memref<10240x128xf32, #tpu.memory_space<vmem_shared>> -> memref<10240x128xf32, #tpu.memory_space<vmem_shared>>
      tpu.enqueue_indirect_dma source(%arg10 : memref<128x128xf32, #tpu.memory_space<vmem>>) target(%dma_start3A_79 : memref<10240x128xf32, #tpu.memory_space<vmem_shared>>) offsets(%dma_start3A_76 : memref<128xi32, #tpu.memory_space<vmem>>) semaphore(%arg13 : memref<!tpu.dma_semaphore, #tpu.memory_space<semaphore_mem>>) {add = true}
      %add3A_80 = arith.constant 3 : i32
      %add3A_81 = arith.addi %mul3A_55, %add3A_80 : i32
      %dma_start3A_82 = arith.constant 0 : i32
      %dma_start3A_83 = tpu.memref_slice %arg7[%add3A_81, %dma_start3A_82] : memref<80x128xi32, #tpu.memory_space<vmem>> -> memref<1x128xi32, #tpu.memory_space<vmem>>
      %dma_start3A_84 = tpu.memref_squeeze %dma_start3A_83 : memref<1x128xi32, #tpu.memory_space<vmem>> -> memref<128xi32, #tpu.memory_space<vmem>>
      %dma_start3A_85 = arith.constant 0 : i32
      %dma_start3A_86 = arith.constant 0 : i32
      %dma_start3A_87 = tpu.memref_slice %arg11[%dma_start3A_85, %dma_start3A_86] : memref<10240x128xf32, #tpu.memory_space<vmem_shared>> -> memref<10240x128xf32, #tpu.memory_space<vmem_shared>>
      tpu.enqueue_indirect_dma source(%arg10 : memref<128x128xf32, #tpu.memory_space<vmem>>) target(%dma_start3A_87 : memref<10240x128xf32, #tpu.memory_space<vmem_shared>>) offsets(%dma_start3A_84 : memref<128xi32, #tpu.memory_space<vmem>>) semaphore(%arg13 : memref<!tpu.dma_semaphore, #tpu.memory_space<semaphore_mem>>) {add = true}
      %add3A_88 = arith.constant 4 : i32
      %add3A_89 = arith.addi %mul3A_55, %add3A_88 : i32
      %dma_start3A_90 = arith.constant 0 : i32
      %dma_start3A_91 = tpu.memref_slice %arg7[%add3A_89, %dma_start3A_90] : memref<80x128xi32, #tpu.memory_space<vmem>> -> memref<1x128xi32, #tpu.memory_space<vmem>>
      %dma_start3A_92 = tpu.memref_squeeze %dma_start3A_91 : memref<1x128xi32, #tpu.memory_space<vmem>> -> memref<128xi32, #tpu.memory_space<vmem>>
      %dma_start3A_93 = arith.constant 0 : i32
      %dma_start3A_94 = arith.constant 0 : i32
      %dma_start3A_95 = tpu.memref_slice %arg11[%dma_start3A_93, %dma_start3A_94] : memref<10240x128xf32, #tpu.memory_space<vmem_shared>> -> memref<10240x128xf32, #tpu.memory_space<vmem_shared>>
      tpu.enqueue_indirect_dma source(%arg10 : memref<128x128xf32, #tpu.memory_space<vmem>>) target(%dma_start3A_95 : memref<10240x128xf32, #tpu.memory_space<vmem_shared>>) offsets(%dma_start3A_92 : memref<128xi32, #tpu.memory_space<vmem>>) semaphore(%arg13 : memref<!tpu.dma_semaphore, #tpu.memory_space<semaphore_mem>>) {add = true}
      %add3A_96 = arith.constant 5 : i32
      %add3A_97 = arith.addi %mul3A_55, %add3A_96 : i32
      %dma_start3A_98 = arith.constant 0 : i32
      %dma_start3A_99 = tpu.memref_slice %arg7[%add3A_97, %dma_start3A_98] : memref<80x128xi32, #tpu.memory_space<vmem>> -> memref<1x128xi32, #tpu.memory_space<vmem>>
      %dma_start3A_100 = tpu.memref_squeeze %dma_start3A_99 : memref<1x128xi32, #tpu.memory_space<vmem>> -> memref<128xi32, #tpu.memory_space<vmem>>
      %dma_start3A_101 = arith.constant 0 : i32
      %dma_start3A_102 = arith.constant 0 : i32
      %dma_start3A_103 = tpu.memref_slice %arg11[%dma_start3A_101, %dma_start3A_102] : memref<10240x128xf32, #tpu.memory_space<vmem_shared>> -> memref<10240x128xf32, #tpu.memory_space<vmem_shared>>
      tpu.enqueue_indirect_dma source(%arg10 : memref<128x128xf32, #tpu.memory_space<vmem>>) target(%dma_start3A_103 : memref<10240x128xf32, #tpu.memory_space<vmem_shared>>) offsets(%dma_start3A_100 : memref<128xi32, #tpu.memory_space<vmem>>) semaphore(%arg13 : memref<!tpu.dma_semaphore, #tpu.memory_space<semaphore_mem>>) {add = true}
      %add3A_104 = arith.constant 6 : i32
      %add3A_105 = arith.addi %mul3A_55, %add3A_104 : i32
      %dma_start3A_106 = arith.constant 0 : i32
      %dma_start3A_107 = tpu.memref_slice %arg7[%add3A_105, %dma_start3A_106] : memref<80x128xi32, #tpu.memory_space<vmem>> -> memref<1x128xi32, #tpu.memory_space<vmem>>
      %dma_start3A_108 = tpu.memref_squeeze %dma_start3A_107 : memref<1x128xi32, #tpu.memory_space<vmem>> -> memref<128xi32, #tpu.memory_space<vmem>>
      %dma_start3A_109 = arith.constant 0 : i32
      %dma_start3A_110 = arith.constant 0 : i32
      %dma_start3A_111 = tpu.memref_slice %arg11[%dma_start3A_109, %dma_start3A_110] : memref<10240x128xf32, #tpu.memory_space<vmem_shared>> -> memref<10240x128xf32, #tpu.memory_space<vmem_shared>>
      tpu.enqueue_indirect_dma source(%arg10 : memref<128x128xf32, #tpu.memory_space<vmem>>) target(%dma_start3A_111 : memref<10240x128xf32, #tpu.memory_space<vmem_shared>>) offsets(%dma_start3A_108 : memref<128xi32, #tpu.memory_space<vmem>>) semaphore(%arg13 : memref<!tpu.dma_semaphore, #tpu.memory_space<semaphore_mem>>) {add = true}
      %add3A_112 = arith.constant 7 : i32
      %add3A_113 = arith.addi %mul3A_55, %add3A_112 : i32
      %dma_start3A_114 = arith.constant 0 : i32
      %dma_start3A_115 = tpu.memref_slice %arg7[%add3A_113, %dma_start3A_114] : memref<80x128xi32, #tpu.memory_space<vmem>> -> memref<1x128xi32, #tpu.memory_space<vmem>>
      %dma_start3A_116 = tpu.memref_squeeze %dma_start3A_115 : memref<1x128xi32, #tpu.memory_space<vmem>> -> memref<128xi32, #tpu.memory_space<vmem>>
      %dma_start3A_117 = arith.constant 0 : i32
      %dma_start3A_118 = arith.constant 0 : i32
      %dma_start3A_119 = tpu.memref_slice %arg11[%dma_start3A_117, %dma_start3A_118] : memref<10240x128xf32, #tpu.memory_space<vmem_shared>> -> memref<10240x128xf32, #tpu.memory_space<vmem_shared>>
      tpu.enqueue_indirect_dma source(%arg10 : memref<128x128xf32, #tpu.memory_space<vmem>>) target(%dma_start3A_119 : memref<10240x128xf32, #tpu.memory_space<vmem_shared>>) offsets(%dma_start3A_116 : memref<128xi32, #tpu.memory_space<vmem>>) semaphore(%arg13 : memref<!tpu.dma_semaphore, #tpu.memory_space<semaphore_mem>>) {add = true}
      %add3A_120 = arith.constant 0 : i32
      %add3A_121 = arith.addi %mul3A_55, %add3A_120 : i32
      %dma_wait3A_122 = arith.constant 0 : i32
      %dma_wait3A_123 = tpu.memref_slice %arg7[%add3A_121, %dma_wait3A_122] : memref<80x128xi32, #tpu.memory_space<vmem>> -> memref<1x128xi32, #tpu.memory_space<vmem>>
      %dma_wait3A_124 = tpu.memref_squeeze %dma_wait3A_123 : memref<1x128xi32, #tpu.memory_space<vmem>> -> memref<128xi32, #tpu.memory_space<vmem>>
      %dma_wait3A_125 = arith.constant 0 : i32
      %dma_wait3A_126 = arith.constant 0 : i32
      %dma_wait3A_127 = tpu.memref_slice %arg11[%dma_wait3A_125, %dma_wait3A_126] : memref<10240x128xf32, #tpu.memory_space<vmem_shared>> -> memref<10240x128xf32, #tpu.memory_space<vmem_shared>>
      tpu.wait_indirect_dma semaphore(%arg13 : memref<!tpu.dma_semaphore, #tpu.memory_space<semaphore_mem>>) src(%arg10 : memref<128x128xf32, #tpu.memory_space<vmem>>) dst(%dma_wait3A_127 : memref<10240x128xf32, #tpu.memory_space<vmem_shared>>)
      %add3A_128 = arith.constant 1 : i32
      %add3A_129 = arith.addi %mul3A_55, %add3A_128 : i32
      %dma_wait3A_130 = arith.constant 0 : i32
      %dma_wait3A_131 = tpu.memref_slice %arg7[%add3A_129, %dma_wait3A_130] : memref<80x128xi32, #tpu.memory_space<vmem>> -> memref<1x128xi32, #tpu.memory_space<vmem>>
      %dma_wait3A_132 = tpu.memref_squeeze %dma_wait3A_131 : memref<1x128xi32, #tpu.memory_space<vmem>> -> memref<128xi32, #tpu.memory_space<vmem>>
      %dma_wait3A_133 = arith.constant 0 : i32
      %dma_wait3A_134 = arith.constant 0 : i32
      %dma_wait3A_135 = tpu.memref_slice %arg11[%dma_wait3A_133, %dma_wait3A_134] : memref<10240x128xf32, #tpu.memory_space<vmem_shared>> -> memref<10240x128xf32, #tpu.memory_space<vmem_shared>>
      tpu.wait_indirect_dma semaphore(%arg13 : memref<!tpu.dma_semaphore, #tpu.memory_space<semaphore_mem>>) src(%arg10 : memref<128x128xf32, #tpu.memory_space<vmem>>) dst(%dma_wait3A_135 : memref<10240x128xf32, #tpu.memory_space<vmem_shared>>)
      %add3A_136 = arith.constant 2 : i32
      %add3A_137 = arith.addi %mul3A_55, %add3A_136 : i32
      %dma_wait3A_138 = arith.constant 0 : i32
      %dma_wait3A_139 = tpu.memref_slice %arg7[%add3A_137, %dma_wait3A_138] : memref<80x128xi32, #tpu.memory_space<vmem>> -> memref<1x128xi32, #tpu.memory_space<vmem>>
      %dma_wait3A_140 = tpu.memref_squeeze %dma_wait3A_139 : memref<1x128xi32, #tpu.memory_space<vmem>> -> memref<128xi32, #tpu.memory_space<vmem>>
      %dma_wait3A_141 = arith.constant 0 : i32
      %dma_wait3A_142 = arith.constant 0 : i32
      %dma_wait3A_143 = tpu.memref_slice %arg11[%dma_wait3A_141, %dma_wait3A_142] : memref<10240x128xf32, #tpu.memory_space<vmem_shared>> -> memref<10240x128xf32, #tpu.memory_space<vmem_shared>>
      tpu.wait_indirect_dma semaphore(%arg13 : memref<!tpu.dma_semaphore, #tpu.memory_space<semaphore_mem>>) src(%arg10 : memref<128x128xf32, #tpu.memory_space<vmem>>) dst(%dma_wait3A_143 : memref<10240x128xf32, #tpu.memory_space<vmem_shared>>)
      %add3A_144 = arith.constant 3 : i32
      %add3A_145 = arith.addi %mul3A_55, %add3A_144 : i32
      %dma_wait3A_146 = arith.constant 0 : i32
      %dma_wait3A_147 = tpu.memref_slice %arg7[%add3A_145, %dma_wait3A_146] : memref<80x128xi32, #tpu.memory_space<vmem>> -> memref<1x128xi32, #tpu.memory_space<vmem>>
      %dma_wait3A_148 = tpu.memref_squeeze %dma_wait3A_147 : memref<1x128xi32, #tpu.memory_space<vmem>> -> memref<128xi32, #tpu.memory_space<vmem>>
      %dma_wait3A_149 = arith.constant 0 : i32
      %dma_wait3A_150 = arith.constant 0 : i32
      %dma_wait3A_151 = tpu.memref_slice %arg11[%dma_wait3A_149, %dma_wait3A_150] : memref<10240x128xf32, #tpu.memory_space<vmem_shared>> -> memref<10240x128xf32, #tpu.memory_space<vmem_shared>>
      tpu.wait_indirect_dma semaphore(%arg13 : memref<!tpu.dma_semaphore, #tpu.memory_space<semaphore_mem>>) src(%arg10 : memref<128x128xf32, #tpu.memory_space<vmem>>) dst(%dma_wait3A_151 : memref<10240x128xf32, #tpu.memory_space<vmem_shared>>)
      %add3A_152 = arith.constant 4 : i32
      %add3A_153 = arith.addi %mul3A_55, %add3A_152 : i32
      %dma_wait3A_154 = arith.constant 0 : i32
      %dma_wait3A_155 = tpu.memref_slice %arg7[%add3A_153, %dma_wait3A_154] : memref<80x128xi32, #tpu.memory_space<vmem>> -> memref<1x128xi32, #tpu.memory_space<vmem>>
      %dma_wait3A_156 = tpu.memref_squeeze %dma_wait3A_155 : memref<1x128xi32, #tpu.memory_space<vmem>> -> memref<128xi32, #tpu.memory_space<vmem>>
      %dma_wait3A_157 = arith.constant 0 : i32
      %dma_wait3A_158 = arith.constant 0 : i32
      %dma_wait3A_159 = tpu.memref_slice %arg11[%dma_wait3A_157, %dma_wait3A_158] : memref<10240x128xf32, #tpu.memory_space<vmem_shared>> -> memref<10240x128xf32, #tpu.memory_space<vmem_shared>>
      tpu.wait_indirect_dma semaphore(%arg13 : memref<!tpu.dma_semaphore, #tpu.memory_space<semaphore_mem>>) src(%arg10 : memref<128x128xf32, #tpu.memory_space<vmem>>) dst(%dma_wait3A_159 : memref<10240x128xf32, #tpu.memory_space<vmem_shared>>)
      %add3A_160 = arith.constant 5 : i32
      %add3A_161 = arith.addi %mul3A_55, %add3A_160 : i32
      %dma_wait3A_162 = arith.constant 0 : i32
      %dma_wait3A_163 = tpu.memref_slice %arg7[%add3A_161, %dma_wait3A_162] : memref<80x128xi32, #tpu.memory_space<vmem>> -> memref<1x128xi32, #tpu.memory_space<vmem>>
      %dma_wait3A_164 = tpu.memref_squeeze %dma_wait3A_163 : memref<1x128xi32, #tpu.memory_space<vmem>> -> memref<128xi32, #tpu.memory_space<vmem>>
      %dma_wait3A_165 = arith.constant 0 : i32
      %dma_wait3A_166 = arith.constant 0 : i32
      %dma_wait3A_167 = tpu.memref_slice %arg11[%dma_wait3A_165, %dma_wait3A_166] : memref<10240x128xf32, #tpu.memory_space<vmem_shared>> -> memref<10240x128xf32, #tpu.memory_space<vmem_shared>>
      tpu.wait_indirect_dma semaphore(%arg13 : memref<!tpu.dma_semaphore, #tpu.memory_space<semaphore_mem>>) src(%arg10 : memref<128x128xf32, #tpu.memory_space<vmem>>) dst(%dma_wait3A_167 : memref<10240x128xf32, #tpu.memory_space<vmem_shared>>)
      %add3A_168 = arith.constant 6 : i32
      %add3A_169 = arith.addi %mul3A_55, %add3A_168 : i32
      %dma_wait3A_170 = arith.constant 0 : i32
      %dma_wait3A_171 = tpu.memref_slice %arg7[%add3A_169, %dma_wait3A_170] : memref<80x128xi32, #tpu.memory_space<vmem>> -> memref<1x128xi32, #tpu.memory_space<vmem>>
      %dma_wait3A_172 = tpu.memref_squeeze %dma_wait3A_171 : memref<1x128xi32, #tpu.memory_space<vmem>> -> memref<128xi32, #tpu.memory_space<vmem>>
      %dma_wait3A_173 = arith.constant 0 : i32
      %dma_wait3A_174 = arith.constant 0 : i32
      %dma_wait3A_175 = tpu.memref_slice %arg11[%dma_wait3A_173, %dma_wait3A_174] : memref<10240x128xf32, #tpu.memory_space<vmem_shared>> -> memref<10240x128xf32, #tpu.memory_space<vmem_shared>>
      tpu.wait_indirect_dma semaphore(%arg13 : memref<!tpu.dma_semaphore, #tpu.memory_space<semaphore_mem>>) src(%arg10 : memref<128x128xf32, #tpu.memory_space<vmem>>) dst(%dma_wait3A_175 : memref<10240x128xf32, #tpu.memory_space<vmem_shared>>)
      %add3A_176 = arith.constant 7 : i32
      %add3A_177 = arith.addi %mul3A_55, %add3A_176 : i32
      %dma_wait3A_178 = arith.constant 0 : i32
      %dma_wait3A_179 = tpu.memref_slice %arg7[%add3A_177, %dma_wait3A_178] : memref<80x128xi32, #tpu.memory_space<vmem>> -> memref<1x128xi32, #tpu.memory_space<vmem>>
      %dma_wait3A_180 = tpu.memref_squeeze %dma_wait3A_179 : memref<1x128xi32, #tpu.memory_space<vmem>> -> memref<128xi32, #tpu.memory_space<vmem>>
      %dma_wait3A_181 = arith.constant 0 : i32
      %dma_wait3A_182 = arith.constant 0 : i32
      %dma_wait3A_183 = tpu.memref_slice %arg11[%dma_wait3A_181, %dma_wait3A_182] : memref<10240x128xf32, #tpu.memory_space<vmem_shared>> -> memref<10240x128xf32, #tpu.memory_space<vmem_shared>>
      tpu.wait_indirect_dma semaphore(%arg13 : memref<!tpu.dma_semaphore, #tpu.memory_space<semaphore_mem>>) src(%arg10 : memref<128x128xf32, #tpu.memory_space<vmem>>) dst(%dma_wait3A_183 : memref<10240x128xf32, #tpu.memory_space<vmem_shared>>)
    }
    %scan3A_31 = arith.constant 10 : i32
    %barrier3A_32 = arith.constant 0 : index
    tpu.barrier barrier_id(%barrier3A_32)
    %add3A_33 = arith.constant 0 : i32
    %add3A_34 = arith.addi %mul3A_2, %add3A_33 : i32
    "tpu.region"() ({
      %run_scoped3A = tpu.sem_alloc : memref<!tpu.dma_semaphore, #tpu.memory_space<semaphore_mem>>
      %dma_start3A_53 = tpu.memref_slice %arg3[%add3A_34] : memref<10240xi32, #tpu.memory_space<hbm>> -> memref<128xi32, #tpu.memory_space<hbm>>
      %dma_start3A_54 = tpu.memref_slice %arg3[%add3A_34] : memref<10240xi32, #tpu.memory_space<hbm>> -> memref<128xi32, #tpu.memory_space<hbm>>
      tpu.enqueue_dma source(%dma_start3A_54 : memref<128xi32, #tpu.memory_space<hbm>>) target(%arg8 : memref<128xi32, #tpu.memory_space<vmem>>) target_semaphore(%run_scoped3A : memref<!tpu.dma_semaphore, #tpu.memory_space<semaphore_mem>>)
      %dma_wait3A_55 = tpu.memref_slice %arg3[%add3A_34] : memref<10240xi32, #tpu.memory_space<hbm>> -> memref<128xi32, #tpu.memory_space<hbm>>
      %dma_wait3A_56 = tpu.memref_slice %arg3[%add3A_34] : memref<10240xi32, #tpu.memory_space<hbm>> -> memref<128xi32, #tpu.memory_space<hbm>>
      tpu.wait_dma2 semaphore(%run_scoped3A : memref<!tpu.dma_semaphore, #tpu.memory_space<semaphore_mem>>) src(%dma_wait3A_56 : memref<128xi32, #tpu.memory_space<hbm>>) dst(%arg8 : memref<128xi32, #tpu.memory_space<vmem>>)
      tpu.yield
    }) : () -> ()
    "tpu.region"() ({
      %run_scoped3A = tpu.sem_alloc : memref<!tpu.dma_semaphore, #tpu.memory_space<semaphore_mem>>
      %dma_start3A_53 = arith.constant 0 : i32
      %dma_start3A_54 = arith.constant 0 : i32
      %dma_start3A_55 = tpu.memref_slice %arg11[%dma_start3A_53, %dma_start3A_54] : memref<10240x128xf32, #tpu.memory_space<vmem_shared>> -> memref<10240x128xf32, #tpu.memory_space<vmem_shared>>
      tpu.enqueue_indirect_dma source(%dma_start3A_55 : memref<10240x128xf32, #tpu.memory_space<vmem_shared>>) target(%arg9 : memref<128x128xf32, #tpu.memory_space<vmem>>) offsets(%arg8 : memref<128xi32, #tpu.memory_space<vmem>>) semaphore(%run_scoped3A : memref<!tpu.dma_semaphore, #tpu.memory_space<semaphore_mem>>)
      %dma_wait3A_56 = arith.constant 0 : i32
      %dma_wait3A_57 = arith.constant 0 : i32
      %dma_wait3A_58 = tpu.memref_slice %arg11[%dma_wait3A_56, %dma_wait3A_57] : memref<10240x128xf32, #tpu.memory_space<vmem_shared>> -> memref<10240x128xf32, #tpu.memory_space<vmem_shared>>
      tpu.wait_indirect_dma semaphore(%run_scoped3A : memref<!tpu.dma_semaphore, #tpu.memory_space<semaphore_mem>>) src(%dma_wait3A_58 : memref<10240x128xf32, #tpu.memory_space<vmem_shared>>) dst(%arg9 : memref<128x128xf32, #tpu.memory_space<vmem>>)
      tpu.yield
    }) : () -> ()
    %add3A_35 = arith.constant 0 : i32
    %add3A_36 = arith.addi %mul3A_2, %add3A_35 : i32
    "tpu.region"() ({
      %run_scoped3A = tpu.sem_alloc : memref<!tpu.dma_semaphore, #tpu.memory_space<semaphore_mem>>
      %dma_start3A_53 = arith.constant 0 : i32
      %dma_start3A_54 = tpu.memref_slice %arg6[%arg0, %add3A_36, %dma_start3A_53] : memref<2x10240x128xf32, #tpu.memory_space<hbm>> -> memref<1x128x128xf32, #tpu.memory_space<hbm>>
      %dma_start3A_55 = tpu.memref_squeeze %dma_start3A_54 : memref<1x128x128xf32, #tpu.memory_space<hbm>> -> memref<128x128xf32, #tpu.memory_space<hbm>>
      %dma_start3A_56 = arith.constant 0 : i32
      %dma_start3A_57 = tpu.memref_slice %arg6[%arg0, %add3A_36, %dma_start3A_56] : memref<2x10240x128xf32, #tpu.memory_space<hbm>> -> memref<1x128x128xf32, #tpu.memory_space<hbm>>
      %dma_start3A_58 = tpu.memref_squeeze %dma_start3A_57 : memref<1x128x128xf32, #tpu.memory_space<hbm>> -> memref<128x128xf32, #tpu.memory_space<hbm>>
      tpu.enqueue_dma source(%arg9 : memref<128x128xf32, #tpu.memory_space<vmem>>) target(%dma_start3A_58 : memref<128x128xf32, #tpu.memory_space<hbm>>) target_semaphore(%run_scoped3A : memref<!tpu.dma_semaphore, #tpu.memory_space<semaphore_mem>>)
      %dma_wait3A_59 = arith.constant 0 : i32
      %dma_wait3A_60 = tpu.memref_slice %arg6[%arg0, %add3A_36, %dma_wait3A_59] : memref<2x10240x128xf32, #tpu.memory_space<hbm>> -> memref<1x128x128xf32, #tpu.memory_space<hbm>>
      %dma_wait3A_61 = tpu.memref_squeeze %dma_wait3A_60 : memref<1x128x128xf32, #tpu.memory_space<hbm>> -> memref<128x128xf32, #tpu.memory_space<hbm>>
      %dma_wait3A_62 = arith.constant 0 : i32
      %dma_wait3A_63 = tpu.memref_slice %arg6[%arg0, %add3A_36, %dma_wait3A_62] : memref<2x10240x128xf32, #tpu.memory_space<hbm>> -> memref<1x128x128xf32, #tpu.memory_space<hbm>>
      %dma_wait3A_64 = tpu.memref_squeeze %dma_wait3A_63 : memref<1x128x128xf32, #tpu.memory_space<hbm>> -> memref<128x128xf32, #tpu.memory_space<hbm>>
      tpu.wait_dma2 semaphore(%run_scoped3A : memref<!tpu.dma_semaphore, #tpu.memory_space<semaphore_mem>>) src(%arg9 : memref<128x128xf32, #tpu.memory_space<vmem>>) dst(%dma_wait3A_64 : memref<128x128xf32, #tpu.memory_space<hbm>>)
      tpu.yield
    }) : () -> ()
    %add3A_37 = arith.constant 128 : i32
    %add3A_38 = arith.addi %mul3A_2, %add3A_37 : i32
    "tpu.region"() ({
      %run_scoped3A = tpu.sem_alloc : memref<!tpu.dma_semaphore, #tpu.memory_space<semaphore_mem>>
      %dma_start3A_53 = tpu.memref_slice %arg3[%add3A_38] : memref<10240xi32, #tpu.memory_space<hbm>> -> memref<128xi32, #tpu.memory_space<hbm>>
      %dma_start3A_54 = tpu.memref_slice %arg3[%add3A_38] : memref<10240xi32, #tpu.memory_space<hbm>> -> memref<128xi32, #tpu.memory_space<hbm>>
      tpu.enqueue_dma source(%dma_start3A_54 : memref<128xi32, #tpu.memory_space<hbm>>) target(%arg8 : memref<128xi32, #tpu.memory_space<vmem>>) target_semaphore(%run_scoped3A : memref<!tpu.dma_semaphore, #tpu.memory_space<semaphore_mem>>)
      %dma_wait3A_55 = tpu.memref_slice %arg3[%add3A_38] : memref<10240xi32, #tpu.memory_space<hbm>> -> memref<128xi32, #tpu.memory_space<hbm>>
      %dma_wait3A_56 = tpu.memref_slice %arg3[%add3A_38] : memref<10240xi32, #tpu.memory_space<hbm>> -> memref<128xi32, #tpu.memory_space<hbm>>
      tpu.wait_dma2 semaphore(%run_scoped3A : memref<!tpu.dma_semaphore, #tpu.memory_space<semaphore_mem>>) src(%dma_wait3A_56 : memref<128xi32, #tpu.memory_space<hbm>>) dst(%arg8 : memref<128xi32, #tpu.memory_space<vmem>>)
      tpu.yield
    }) : () -> ()
    "tpu.region"() ({
      %run_scoped3A = tpu.sem_alloc : memref<!tpu.dma_semaphore, #tpu.memory_space<semaphore_mem>>
      %dma_start3A_53 = arith.constant 0 : i32
      %dma_start3A_54 = arith.constant 0 : i32
      %dma_start3A_55 = tpu.memref_slice %arg11[%dma_start3A_53, %dma_start3A_54] : memref<10240x128xf32, #tpu.memory_space<vmem_shared>> -> memref<10240x128xf32, #tpu.memory_space<vmem_shared>>
      tpu.enqueue_indirect_dma source(%dma_start3A_55 : memref<10240x128xf32, #tpu.memory_space<vmem_shared>>) target(%arg9 : memref<128x128xf32, #tpu.memory_space<vmem>>) offsets(%arg8 : memref<128xi32, #tpu.memory_space<vmem>>) semaphore(%run_scoped3A : memref<!tpu.dma_semaphore, #tpu.memory_space<semaphore_mem>>)
      %dma_wait3A_56 = arith.constant 0 : i32
      %dma_wait3A_57 = arith.constant 0 : i32
      %dma_wait3A_58 = tpu.memref_slice %arg11[%dma_wait3A_56, %dma_wait3A_57] : memref<10240x128xf32, #tpu.memory_space<vmem_shared>> -> memref<10240x128xf32, #tpu.memory_space<vmem_shared>>
      tpu.wait_indirect_dma semaphore(%run_scoped3A : memref<!tpu.dma_semaphore, #tpu.memory_space<semaphore_mem>>) src(%dma_wait3A_58 : memref<10240x128xf32, #tpu.memory_space<vmem_shared>>) dst(%arg9 : memref<128x128xf32, #tpu.memory_space<vmem>>)
      tpu.yield
    }) : () -> ()
    %add3A_39 = arith.constant 128 : i32
    %add3A_40 = arith.addi %mul3A_2, %add3A_39 : i32
    "tpu.region"() ({
      %run_scoped3A = tpu.sem_alloc : memref<!tpu.dma_semaphore, #tpu.memory_space<semaphore_mem>>
      %dma_start3A_53 = arith.constant 0 : i32
      %dma_start3A_54 = tpu.memref_slice %arg6[%arg0, %add3A_40, %dma_start3A_53] : memref<2x10240x128xf32, #tpu.memory_space<hbm>> -> memref<1x128x128xf32, #tpu.memory_space<hbm>>
      %dma_start3A_55 = tpu.memref_squeeze %dma_start3A_54 : memref<1x128x128xf32, #tpu.memory_space<hbm>> -> memref<128x128xf32, #tpu.memory_space<hbm>>
      %dma_start3A_56 = arith.constant 0 : i32
      %dma_start3A_57 = tpu.memref_slice %arg6[%arg0, %add3A_40, %dma_start3A_56] : memref<2x10240x128xf32, #tpu.memory_space<hbm>> -> memref<1x128x128xf32, #tpu.memory_space<hbm>>
      %dma_start3A_58 = tpu.memref_squeeze %dma_start3A_57 : memref<1x128x128xf32, #tpu.memory_space<hbm>> -> memref<128x128xf32, #tpu.memory_space<hbm>>
      tpu.enqueue_dma source(%arg9 : memref<128x128xf32, #tpu.memory_space<vmem>>) target(%dma_start3A_58 : memref<128x128xf32, #tpu.memory_space<hbm>>) target_semaphore(%run_scoped3A : memref<!tpu.dma_semaphore, #tpu.memory_space<semaphore_mem>>)
      %dma_wait3A_59 = arith.constant 0 : i32
      %dma_wait3A_60 = tpu.memref_slice %arg6[%arg0, %add3A_40, %dma_wait3A_59] : memref<2x10240x128xf32, #tpu.memory_space<hbm>> -> memref<1x128x128xf32, #tpu.memory_space<hbm>>
      %dma_wait3A_61 = tpu.memref_squeeze %dma_wait3A_60 : memref<1x128x128xf32, #tpu.memory_space<hbm>> -> memref<128x128xf32, #tpu.memory_space<hbm>>
      %dma_wait3A_62 = arith.constant 0 : i32
      %dma_wait3A_63 = tpu.memref_slice %arg6[%arg0, %add3A_40, %dma_wait3A_62] : memref<2x10240x128xf32, #tpu.memory_space<hbm>> -> memref<1x128x128xf32, #tpu.memory_space<hbm>>
      %dma_wait3A_64 = tpu.memref_squeeze %dma_wait3A_63 : memref<1x128x128xf32, #tpu.memory_space<hbm>> -> memref<128x128xf32, #tpu.memory_space<hbm>>
      tpu.wait_dma2 semaphore(%run_scoped3A : memref<!tpu.dma_semaphore, #tpu.memory_space<semaphore_mem>>) src(%arg9 : memref<128x128xf32, #tpu.memory_space<vmem>>) dst(%dma_wait3A_64 : memref<128x128xf32, #tpu.memory_space<hbm>>)
      tpu.yield
    }) : () -> ()
    %add3A_41 = arith.constant 256 : i32
    %add3A_42 = arith.addi %mul3A_2, %add3A_41 : i32
    "tpu.region"() ({
      %run_scoped3A = tpu.sem_alloc : memref<!tpu.dma_semaphore, #tpu.memory_space<semaphore_mem>>
      %dma_start3A_53 = tpu.memref_slice %arg3[%add3A_42] : memref<10240xi32, #tpu.memory_space<hbm>> -> memref<128xi32, #tpu.memory_space<hbm>>
      %dma_start3A_54 = tpu.memref_slice %arg3[%add3A_42] : memref<10240xi32, #tpu.memory_space<hbm>> -> memref<128xi32, #tpu.memory_space<hbm>>
      tpu.enqueue_dma source(%dma_start3A_54 : memref<128xi32, #tpu.memory_space<hbm>>) target(%arg8 : memref<128xi32, #tpu.memory_space<vmem>>) target_semaphore(%run_scoped3A : memref<!tpu.dma_semaphore, #tpu.memory_space<semaphore_mem>>)
      %dma_wait3A_55 = tpu.memref_slice %arg3[%add3A_42] : memref<10240xi32, #tpu.memory_space<hbm>> -> memref<128xi32, #tpu.memory_space<hbm>>
      %dma_wait3A_56 = tpu.memref_slice %arg3[%add3A_42] : memref<10240xi32, #tpu.memory_space<hbm>> -> memref<128xi32, #tpu.memory_space<hbm>>
      tpu.wait_dma2 semaphore(%run_scoped3A : memref<!tpu.dma_semaphore, #tpu.memory_space<semaphore_mem>>) src(%dma_wait3A_56 : memref<128xi32, #tpu.memory_space<hbm>>) dst(%arg8 : memref<128xi32, #tpu.memory_space<vmem>>)
      tpu.yield
    }) : () -> ()
    "tpu.region"() ({
      %run_scoped3A = tpu.sem_alloc : memref<!tpu.dma_semaphore, #tpu.memory_space<semaphore_mem>>
      %dma_start3A_53 = arith.constant 0 : i32
      %dma_start3A_54 = arith.constant 0 : i32
      %dma_start3A_55 = tpu.memref_slice %arg11[%dma_start3A_53, %dma_start3A_54] : memref<10240x128xf32, #tpu.memory_space<vmem_shared>> -> memref<10240x128xf32, #tpu.memory_space<vmem_shared>>
      tpu.enqueue_indirect_dma source(%dma_start3A_55 : memref<10240x128xf32, #tpu.memory_space<vmem_shared>>) target(%arg9 : memref<128x128xf32, #tpu.memory_space<vmem>>) offsets(%arg8 : memref<128xi32, #tpu.memory_space<vmem>>) semaphore(%run_scoped3A : memref<!tpu.dma_semaphore, #tpu.memory_space<semaphore_mem>>)
      %dma_wait3A_56 = arith.constant 0 : i32
      %dma_wait3A_57 = arith.constant 0 : i32
      %dma_wait3A_58 = tpu.memref_slice %arg11[%dma_wait3A_56, %dma_wait3A_57] : memref<10240x128xf32, #tpu.memory_space<vmem_shared>> -> memref<10240x128xf32, #tpu.memory_space<vmem_shared>>
      tpu.wait_indirect_dma semaphore(%run_scoped3A : memref<!tpu.dma_semaphore, #tpu.memory_space<semaphore_mem>>) src(%dma_wait3A_58 : memref<10240x128xf32, #tpu.memory_space<vmem_shared>>) dst(%arg9 : memref<128x128xf32, #tpu.memory_space<vmem>>)
      tpu.yield
    }) : () -> ()
    %add3A_43 = arith.constant 256 : i32
    %add3A_44 = arith.addi %mul3A_2, %add3A_43 : i32
    "tpu.region"() ({
      %run_scoped3A = tpu.sem_alloc : memref<!tpu.dma_semaphore, #tpu.memory_space<semaphore_mem>>
      %dma_start3A_53 = arith.constant 0 : i32
      %dma_start3A_54 = tpu.memref_slice %arg6[%arg0, %add3A_44, %dma_start3A_53] : memref<2x10240x128xf32, #tpu.memory_space<hbm>> -> memref<1x128x128xf32, #tpu.memory_space<hbm>>
      %dma_start3A_55 = tpu.memref_squeeze %dma_start3A_54 : memref<1x128x128xf32, #tpu.memory_space<hbm>> -> memref<128x128xf32, #tpu.memory_space<hbm>>
      %dma_start3A_56 = arith.constant 0 : i32
      %dma_start3A_57 = tpu.memref_slice %arg6[%arg0, %add3A_44, %dma_start3A_56] : memref<2x10240x128xf32, #tpu.memory_space<hbm>> -> memref<1x128x128xf32, #tpu.memory_space<hbm>>
      %dma_start3A_58 = tpu.memref_squeeze %dma_start3A_57 : memref<1x128x128xf32, #tpu.memory_space<hbm>> -> memref<128x128xf32, #tpu.memory_space<hbm>>
      tpu.enqueue_dma source(%arg9 : memref<128x128xf32, #tpu.memory_space<vmem>>) target(%dma_start3A_58 : memref<128x128xf32, #tpu.memory_space<hbm>>) target_semaphore(%run_scoped3A : memref<!tpu.dma_semaphore, #tpu.memory_space<semaphore_mem>>)
      %dma_wait3A_59 = arith.constant 0 : i32
      %dma_wait3A_60 = tpu.memref_slice %arg6[%arg0, %add3A_44, %dma_wait3A_59] : memref<2x10240x128xf32, #tpu.memory_space<hbm>> -> memref<1x128x128xf32, #tpu.memory_space<hbm>>
      %dma_wait3A_61 = tpu.memref_squeeze %dma_wait3A_60 : memref<1x128x128xf32, #tpu.memory_space<hbm>> -> memref<128x128xf32, #tpu.memory_space<hbm>>
      %dma_wait3A_62 = arith.constant 0 : i32
      %dma_wait3A_63 = tpu.memref_slice %arg6[%arg0, %add3A_44, %dma_wait3A_62] : memref<2x10240x128xf32, #tpu.memory_space<hbm>> -> memref<1x128x128xf32, #tpu.memory_space<hbm>>
      %dma_wait3A_64 = tpu.memref_squeeze %dma_wait3A_63 : memref<1x128x128xf32, #tpu.memory_space<hbm>> -> memref<128x128xf32, #tpu.memory_space<hbm>>
      tpu.wait_dma2 semaphore(%run_scoped3A : memref<!tpu.dma_semaphore, #tpu.memory_space<semaphore_mem>>) src(%arg9 : memref<128x128xf32, #tpu.memory_space<vmem>>) dst(%dma_wait3A_64 : memref<128x128xf32, #tpu.memory_space<hbm>>)
      tpu.yield
    }) : () -> ()
    %add3A_45 = arith.constant 384 : i32
    %add3A_46 = arith.addi %mul3A_2, %add3A_45 : i32
    "tpu.region"() ({
      %run_scoped3A = tpu.sem_alloc : memref<!tpu.dma_semaphore, #tpu.memory_space<semaphore_mem>>
      %dma_start3A_53 = tpu.memref_slice %arg3[%add3A_46] : memref<10240xi32, #tpu.memory_space<hbm>> -> memref<128xi32, #tpu.memory_space<hbm>>
      %dma_start3A_54 = tpu.memref_slice %arg3[%add3A_46] : memref<10240xi32, #tpu.memory_space<hbm>> -> memref<128xi32, #tpu.memory_space<hbm>>
      tpu.enqueue_dma source(%dma_start3A_54 : memref<128xi32, #tpu.memory_space<hbm>>) target(%arg8 : memref<128xi32, #tpu.memory_space<vmem>>) target_semaphore(%run_scoped3A : memref<!tpu.dma_semaphore, #tpu.memory_space<semaphore_mem>>)
      %dma_wait3A_55 = tpu.memref_slice %arg3[%add3A_46] : memref<10240xi32, #tpu.memory_space<hbm>> -> memref<128xi32, #tpu.memory_space<hbm>>
      %dma_wait3A_56 = tpu.memref_slice %arg3[%add3A_46] : memref<10240xi32, #tpu.memory_space<hbm>> -> memref<128xi32, #tpu.memory_space<hbm>>
      tpu.wait_dma2 semaphore(%run_scoped3A : memref<!tpu.dma_semaphore, #tpu.memory_space<semaphore_mem>>) src(%dma_wait3A_56 : memref<128xi32, #tpu.memory_space<hbm>>) dst(%arg8 : memref<128xi32, #tpu.memory_space<vmem>>)
      tpu.yield
    }) : () -> ()
    "tpu.region"() ({
      %run_scoped3A = tpu.sem_alloc : memref<!tpu.dma_semaphore, #tpu.memory_space<semaphore_mem>>
      %dma_start3A_53 = arith.constant 0 : i32
      %dma_start3A_54 = arith.constant 0 : i32
      %dma_start3A_55 = tpu.memref_slice %arg11[%dma_start3A_53, %dma_start3A_54] : memref<10240x128xf32, #tpu.memory_space<vmem_shared>> -> memref<10240x128xf32, #tpu.memory_space<vmem_shared>>
      tpu.enqueue_indirect_dma source(%dma_start3A_55 : memref<10240x128xf32, #tpu.memory_space<vmem_shared>>) target(%arg9 : memref<128x128xf32, #tpu.memory_space<vmem>>) offsets(%arg8 : memref<128xi32, #tpu.memory_space<vmem>>) semaphore(%run_scoped3A : memref<!tpu.dma_semaphore, #tpu.memory_space<semaphore_mem>>)
      %dma_wait3A_56 = arith.constant 0 : i32
      %dma_wait3A_57 = arith.constant 0 : i32
      %dma_wait3A_58 = tpu.memref_slice %arg11[%dma_wait3A_56, %dma_wait3A_57] : memref<10240x128xf32, #tpu.memory_space<vmem_shared>> -> memref<10240x128xf32, #tpu.memory_space<vmem_shared>>
      tpu.wait_indirect_dma semaphore(%run_scoped3A : memref<!tpu.dma_semaphore, #tpu.memory_space<semaphore_mem>>) src(%dma_wait3A_58 : memref<10240x128xf32, #tpu.memory_space<vmem_shared>>) dst(%arg9 : memref<128x128xf32, #tpu.memory_space<vmem>>)
      tpu.yield
    }) : () -> ()
    %add3A_47 = arith.constant 384 : i32
    %add3A_48 = arith.addi %mul3A_2, %add3A_47 : i32
    "tpu.region"() ({
      %run_scoped3A = tpu.sem_alloc : memref<!tpu.dma_semaphore, #tpu.memory_space<semaphore_mem>>
      %dma_start3A_53 = arith.constant 0 : i32
      %dma_start3A_54 = tpu.memref_slice %arg6[%arg0, %add3A_48, %dma_start3A_53] : memref<2x10240x128xf32, #tpu.memory_space<hbm>> -> memref<1x128x128xf32, #tpu.memory_space<hbm>>
      %dma_start3A_55 = tpu.memref_squeeze %dma_start3A_54 : memref<1x128x128xf32, #tpu.memory_space<hbm>> -> memref<128x128xf32, #tpu.memory_space<hbm>>
      %dma_start3A_56 = arith.constant 0 : i32
      %dma_start3A_57 = tpu.memref_slice %arg6[%arg0, %add3A_48, %dma_start3A_56] : memref<2x10240x128xf32, #tpu.memory_space<hbm>> -> memref<1x128x128xf32, #tpu.memory_space<hbm>>
      %dma_start3A_58 = tpu.memref_squeeze %dma_start3A_57 : memref<1x128x128xf32, #tpu.memory_space<hbm>> -> memref<128x128xf32, #tpu.memory_space<hbm>>
      tpu.enqueue_dma source(%arg9 : memref<128x128xf32, #tpu.memory_space<vmem>>) target(%dma_start3A_58 : memref<128x128xf32, #tpu.memory_space<hbm>>) target_semaphore(%run_scoped3A : memref<!tpu.dma_semaphore, #tpu.memory_space<semaphore_mem>>)
      %dma_wait3A_59 = arith.constant 0 : i32
      %dma_wait3A_60 = tpu.memref_slice %arg6[%arg0, %add3A_48, %dma_wait3A_59] : memref<2x10240x128xf32, #tpu.memory_space<hbm>> -> memref<1x128x128xf32, #tpu.memory_space<hbm>>
      %dma_wait3A_61 = tpu.memref_squeeze %dma_wait3A_60 : memref<1x128x128xf32, #tpu.memory_space<hbm>> -> memref<128x128xf32, #tpu.memory_space<hbm>>
      %dma_wait3A_62 = arith.constant 0 : i32
      %dma_wait3A_63 = tpu.memref_slice %arg6[%arg0, %add3A_48, %dma_wait3A_62] : memref<2x10240x128xf32, #tpu.memory_space<hbm>> -> memref<1x128x128xf32, #tpu.memory_space<hbm>>
      %dma_wait3A_64 = tpu.memref_squeeze %dma_wait3A_63 : memref<1x128x128xf32, #tpu.memory_space<hbm>> -> memref<128x128xf32, #tpu.memory_space<hbm>>
      tpu.wait_dma2 semaphore(%run_scoped3A : memref<!tpu.dma_semaphore, #tpu.memory_space<semaphore_mem>>) src(%arg9 : memref<128x128xf32, #tpu.memory_space<vmem>>) dst(%dma_wait3A_64 : memref<128x128xf32, #tpu.memory_space<hbm>>)
      tpu.yield
    }) : () -> ()
    %add3A_49 = arith.constant 512 : i32
    %add3A_50 = arith.addi %mul3A_2, %add3A_49 : i32
    "tpu.region"() ({
      %run_scoped3A = tpu.sem_alloc : memref<!tpu.dma_semaphore, #tpu.memory_space<semaphore_mem>>
      %dma_start3A_53 = tpu.memref_slice %arg3[%add3A_50] : memref<10240xi32, #tpu.memory_space<hbm>> -> memref<128xi32, #tpu.memory_space<hbm>>
      %dma_start3A_54 = tpu.memref_slice %arg3[%add3A_50] : memref<10240xi32, #tpu.memory_space<hbm>> -> memref<128xi32, #tpu.memory_space<hbm>>
      tpu.enqueue_dma source(%dma_start3A_54 : memref<128xi32, #tpu.memory_space<hbm>>) target(%arg8 : memref<128xi32, #tpu.memory_space<vmem>>) target_semaphore(%run_scoped3A : memref<!tpu.dma_semaphore, #tpu.memory_space<semaphore_mem>>)
      %dma_wait3A_55 = tpu.memref_slice %arg3[%add3A_50] : memref<10240xi32, #tpu.memory_space<hbm>> -> memref<128xi32, #tpu.memory_space<hbm>>
      %dma_wait3A_56 = tpu.memref_slice %arg3[%add3A_50] : memref<10240xi32, #tpu.memory_space<hbm>> -> memref<128xi32, #tpu.memory_space<hbm>>
      tpu.wait_dma2 semaphore(%run_scoped3A : memref<!tpu.dma_semaphore, #tpu.memory_space<semaphore_mem>>) src(%dma_wait3A_56 : memref<128xi32, #tpu.memory_space<hbm>>) dst(%arg8 : memref<128xi32, #tpu.memory_space<vmem>>)
      tpu.yield
    }) : () -> ()
    "tpu.region"() ({
      %run_scoped3A = tpu.sem_alloc : memref<!tpu.dma_semaphore, #tpu.memory_space<semaphore_mem>>
      %dma_start3A_53 = arith.constant 0 : i32
      %dma_start3A_54 = arith.constant 0 : i32
      %dma_start3A_55 = tpu.memref_slice %arg11[%dma_start3A_53, %dma_start3A_54] : memref<10240x128xf32, #tpu.memory_space<vmem_shared>> -> memref<10240x128xf32, #tpu.memory_space<vmem_shared>>
      tpu.enqueue_indirect_dma source(%dma_start3A_55 : memref<10240x128xf32, #tpu.memory_space<vmem_shared>>) target(%arg9 : memref<128x128xf32, #tpu.memory_space<vmem>>) offsets(%arg8 : memref<128xi32, #tpu.memory_space<vmem>>) semaphore(%run_scoped3A : memref<!tpu.dma_semaphore, #tpu.memory_space<semaphore_mem>>)
      %dma_wait3A_56 = arith.constant 0 : i32
      %dma_wait3A_57 = arith.constant 0 : i32
      %dma_wait3A_58 = tpu.memref_slice %arg11[%dma_wait3A_56, %dma_wait3A_57] : memref<10240x128xf32, #tpu.memory_space<vmem_shared>> -> memref<10240x128xf32, #tpu.memory_space<vmem_shared>>
      tpu.wait_indirect_dma semaphore(%run_scoped3A : memref<!tpu.dma_semaphore, #tpu.memory_space<semaphore_mem>>) src(%dma_wait3A_58 : memref<10240x128xf32, #tpu.memory_space<vmem_shared>>) dst(%arg9 : memref<128x128xf32, #tpu.memory_space<vmem>>)
      tpu.yield
    }) : () -> ()
    %add3A_51 = arith.constant 512 : i32
    %add3A_52 = arith.addi %mul3A_2, %add3A_51 : i32
    "tpu.region"() ({
      %run_scoped3A = tpu.sem_alloc : memref<!tpu.dma_semaphore, #tpu.memory_space<semaphore_mem>>
      %dma_start3A_53 = arith.constant 0 : i32
      %dma_start3A_54 = tpu.memref_slice %arg6[%arg0, %add3A_52, %dma_start3A_53] : memref<2x10240x128xf32, #tpu.memory_space<hbm>> -> memref<1x128x128xf32, #tpu.memory_space<hbm>>
      %dma_start3A_55 = tpu.memref_squeeze %dma_start3A_54 : memref<1x128x128xf32, #tpu.memory_space<hbm>> -> memref<128x128xf32, #tpu.memory_space<hbm>>
      %dma_start3A_56 = arith.constant 0 : i32
      %dma_start3A_57 = tpu.memref_slice %arg6[%arg0, %add3A_52, %dma_start3A_56] : memref<2x10240x128xf32, #tpu.memory_space<hbm>> -> memref<1x128x128xf32, #tpu.memory_space<hbm>>
      %dma_start3A_58 = tpu.memref_squeeze %dma_start3A_57 : memref<1x128x128xf32, #tpu.memory_space<hbm>> -> memref<128x128xf32, #tpu.memory_space<hbm>>
      tpu.enqueue_dma source(%arg9 : memref<128x128xf32, #tpu.memory_space<vmem>>) target(%dma_start3A_58 : memref<128x128xf32, #tpu.memory_space<hbm>>) target_semaphore(%run_scoped3A : memref<!tpu.dma_semaphore, #tpu.memory_space<semaphore_mem>>)
      %dma_wait3A_59 = arith.constant 0 : i32
      %dma_wait3A_60 = tpu.memref_slice %arg6[%arg0, %add3A_52, %dma_wait3A_59] : memref<2x10240x128xf32, #tpu.memory_space<hbm>> -> memref<1x128x128xf32, #tpu.memory_space<hbm>>
      %dma_wait3A_61 = tpu.memref_squeeze %dma_wait3A_60 : memref<1x128x128xf32, #tpu.memory_space<hbm>> -> memref<128x128xf32, #tpu.memory_space<hbm>>
      %dma_wait3A_62 = arith.constant 0 : i32
      %dma_wait3A_63 = tpu.memref_slice %arg6[%arg0, %add3A_52, %dma_wait3A_62] : memref<2x10240x128xf32, #tpu.memory_space<hbm>> -> memref<1x128x128xf32, #tpu.memory_space<hbm>>
      %dma_wait3A_64 = tpu.memref_squeeze %dma_wait3A_63 : memref<1x128x128xf32, #tpu.memory_space<hbm>> -> memref<128x128xf32, #tpu.memory_space<hbm>>
      tpu.wait_dma2 semaphore(%run_scoped3A : memref<!tpu.dma_semaphore, #tpu.memory_space<semaphore_mem>>) src(%arg9 : memref<128x128xf32, #tpu.memory_space<vmem>>) dst(%dma_wait3A_64 : memref<128x128xf32, #tpu.memory_space<hbm>>)
      tpu.yield
    }) : () -> ()
    return
  }
}

#map = affine_map<(d0, d1) -> (0, 0)>
#map1 = affine_map<(d0, d1) -> (0)>
#map2 = affine_map<(d0, d1) -> (0, 0, 0)>
module attributes {stable_mosaic.version = 14 : i64} {
  func.func @sage_segment_sum_sc(%arg0: i32, %arg1: i32, %arg2: memref<10000x128xf32, #tpu.memory_space<hbm>>, %arg3: memref<323584xi32, #tpu.memory_space<hbm>>, %arg4: memref<323584xi32, #tpu.memory_space<hbm>>, %arg5: memref<10240xi32, #tpu.memory_space<hbm>>, %arg6: memref<128x128xf32, #tpu.memory_space<hbm>>, %arg7: memref<2x10240x128xf32, #tpu.memory_space<hbm>>, %arg8: memref<128xi32, #tpu.memory_space<vmem>>, %arg9: memref<128xi32, #tpu.memory_space<vmem>>, %arg10: memref<128x128xf32, #tpu.memory_space<vmem>>, %arg11: memref<10240x128xf32, #tpu.memory_space<vmem_shared>>, %arg12: memref<!tpu.dma_semaphore, #tpu.memory_space<semaphore_mem>>, %arg13: memref<!tpu.dma_semaphore, #tpu.memory_space<semaphore_mem>>) attributes {dimension_semantics = [#tpu.dimension_semantics<core_parallel>, #tpu.dimension_semantics<subcore_parallel>], iteration_bounds = array<i64: 2, 16>, scalar_prefetch = 0 : i64, scratch_operands = 6 : i64, tpu.core_type = #tpu.core_type<sc_vector_subcore>, window_params = [{transform_indices = #map}, {transform_indices = #map1}, {transform_indices = #map1}, {transform_indices = #map1}, {transform_indices = #map}, {transform_indices = #map2}]} {
    %mul3A = arith.constant 16 : i32
    %mul3A_0 = arith.muli %arg0, %mul3A : i32
    %add3A = arith.addi %mul3A_0, %arg1 : i32
    %mul3A_1 = arith.constant 640 : i32
    %mul3A_2 = arith.muli %arg1, %mul3A_1 : i32
    "tpu.region"() ({
      %run_scoped3A = tpu.sem_alloc : memref<!tpu.dma_semaphore, #tpu.memory_space<semaphore_mem>>
      tpu.enqueue_dma source(%arg6 : memref<128x128xf32, #tpu.memory_space<hbm>>) target(%arg10 : memref<128x128xf32, #tpu.memory_space<vmem>>) target_semaphore(%run_scoped3A : memref<!tpu.dma_semaphore, #tpu.memory_space<semaphore_mem>>)
      tpu.wait_dma2 semaphore(%run_scoped3A : memref<!tpu.dma_semaphore, #tpu.memory_space<semaphore_mem>>) src(%arg6 : memref<128x128xf32, #tpu.memory_space<hbm>>) dst(%arg10 : memref<128x128xf32, #tpu.memory_space<vmem>>)
      tpu.yield
    }) : () -> ()
    %add3A_3 = arith.constant 0 : i32
    %add3A_4 = arith.addi %mul3A_2, %add3A_3 : i32
    "tpu.region"() ({
      %run_scoped3A = tpu.sem_alloc : memref<!tpu.dma_semaphore, #tpu.memory_space<semaphore_mem>>
      %dma_start3A = tpu.memref_slice %arg5[%add3A_4] : memref<10240xi32, #tpu.memory_space<hbm>> -> memref<128xi32, #tpu.memory_space<hbm>>
      %dma_start3A_41 = tpu.memref_slice %arg5[%add3A_4] : memref<10240xi32, #tpu.memory_space<hbm>> -> memref<128xi32, #tpu.memory_space<hbm>>
      tpu.enqueue_dma source(%dma_start3A_41 : memref<128xi32, #tpu.memory_space<hbm>>) target(%arg8 : memref<128xi32, #tpu.memory_space<vmem>>) target_semaphore(%run_scoped3A : memref<!tpu.dma_semaphore, #tpu.memory_space<semaphore_mem>>)
      %dma_wait3A = tpu.memref_slice %arg5[%add3A_4] : memref<10240xi32, #tpu.memory_space<hbm>> -> memref<128xi32, #tpu.memory_space<hbm>>
      %dma_wait3A_42 = tpu.memref_slice %arg5[%add3A_4] : memref<10240xi32, #tpu.memory_space<hbm>> -> memref<128xi32, #tpu.memory_space<hbm>>
      tpu.wait_dma2 semaphore(%run_scoped3A : memref<!tpu.dma_semaphore, #tpu.memory_space<semaphore_mem>>) src(%dma_wait3A_42 : memref<128xi32, #tpu.memory_space<hbm>>) dst(%arg8 : memref<128xi32, #tpu.memory_space<vmem>>)
      tpu.yield
    }) : () -> ()
    "tpu.region"() ({
      %run_scoped3A = tpu.sem_alloc : memref<!tpu.dma_semaphore, #tpu.memory_space<semaphore_mem>>
      %dma_start3A = arith.constant 0 : i32
      %dma_start3A_41 = arith.constant 0 : i32
      %dma_start3A_42 = tpu.memref_slice %arg11[%dma_start3A, %dma_start3A_41] : memref<10240x128xf32, #tpu.memory_space<vmem_shared>> -> memref<10240x128xf32, #tpu.memory_space<vmem_shared>>
      tpu.enqueue_indirect_dma source(%arg10 : memref<128x128xf32, #tpu.memory_space<vmem>>) target(%dma_start3A_42 : memref<10240x128xf32, #tpu.memory_space<vmem_shared>>) offsets(%arg8 : memref<128xi32, #tpu.memory_space<vmem>>) semaphore(%run_scoped3A : memref<!tpu.dma_semaphore, #tpu.memory_space<semaphore_mem>>)
      %dma_wait3A = arith.constant 0 : i32
      %dma_wait3A_43 = arith.constant 0 : i32
      %dma_wait3A_44 = tpu.memref_slice %arg11[%dma_wait3A, %dma_wait3A_43] : memref<10240x128xf32, #tpu.memory_space<vmem_shared>> -> memref<10240x128xf32, #tpu.memory_space<vmem_shared>>
      tpu.wait_indirect_dma semaphore(%run_scoped3A : memref<!tpu.dma_semaphore, #tpu.memory_space<semaphore_mem>>) src(%arg10 : memref<128x128xf32, #tpu.memory_space<vmem>>) dst(%dma_wait3A_44 : memref<10240x128xf32, #tpu.memory_space<vmem_shared>>)
      tpu.yield
    }) : () -> ()
    %add3A_5 = arith.constant 128 : i32
    %add3A_6 = arith.addi %mul3A_2, %add3A_5 : i32
    "tpu.region"() ({
      %run_scoped3A = tpu.sem_alloc : memref<!tpu.dma_semaphore, #tpu.memory_space<semaphore_mem>>
      %dma_start3A = tpu.memref_slice %arg5[%add3A_6] : memref<10240xi32, #tpu.memory_space<hbm>> -> memref<128xi32, #tpu.memory_space<hbm>>
      %dma_start3A_41 = tpu.memref_slice %arg5[%add3A_6] : memref<10240xi32, #tpu.memory_space<hbm>> -> memref<128xi32, #tpu.memory_space<hbm>>
      tpu.enqueue_dma source(%dma_start3A_41 : memref<128xi32, #tpu.memory_space<hbm>>) target(%arg8 : memref<128xi32, #tpu.memory_space<vmem>>) target_semaphore(%run_scoped3A : memref<!tpu.dma_semaphore, #tpu.memory_space<semaphore_mem>>)
      %dma_wait3A = tpu.memref_slice %arg5[%add3A_6] : memref<10240xi32, #tpu.memory_space<hbm>> -> memref<128xi32, #tpu.memory_space<hbm>>
      %dma_wait3A_42 = tpu.memref_slice %arg5[%add3A_6] : memref<10240xi32, #tpu.memory_space<hbm>> -> memref<128xi32, #tpu.memory_space<hbm>>
      tpu.wait_dma2 semaphore(%run_scoped3A : memref<!tpu.dma_semaphore, #tpu.memory_space<semaphore_mem>>) src(%dma_wait3A_42 : memref<128xi32, #tpu.memory_space<hbm>>) dst(%arg8 : memref<128xi32, #tpu.memory_space<vmem>>)
      tpu.yield
    }) : () -> ()
    "tpu.region"() ({
      %run_scoped3A = tpu.sem_alloc : memref<!tpu.dma_semaphore, #tpu.memory_space<semaphore_mem>>
      %dma_start3A = arith.constant 0 : i32
      %dma_start3A_41 = arith.constant 0 : i32
      %dma_start3A_42 = tpu.memref_slice %arg11[%dma_start3A, %dma_start3A_41] : memref<10240x128xf32, #tpu.memory_space<vmem_shared>> -> memref<10240x128xf32, #tpu.memory_space<vmem_shared>>
      tpu.enqueue_indirect_dma source(%arg10 : memref<128x128xf32, #tpu.memory_space<vmem>>) target(%dma_start3A_42 : memref<10240x128xf32, #tpu.memory_space<vmem_shared>>) offsets(%arg8 : memref<128xi32, #tpu.memory_space<vmem>>) semaphore(%run_scoped3A : memref<!tpu.dma_semaphore, #tpu.memory_space<semaphore_mem>>)
      %dma_wait3A = arith.constant 0 : i32
      %dma_wait3A_43 = arith.constant 0 : i32
      %dma_wait3A_44 = tpu.memref_slice %arg11[%dma_wait3A, %dma_wait3A_43] : memref<10240x128xf32, #tpu.memory_space<vmem_shared>> -> memref<10240x128xf32, #tpu.memory_space<vmem_shared>>
      tpu.wait_indirect_dma semaphore(%run_scoped3A : memref<!tpu.dma_semaphore, #tpu.memory_space<semaphore_mem>>) src(%arg10 : memref<128x128xf32, #tpu.memory_space<vmem>>) dst(%dma_wait3A_44 : memref<10240x128xf32, #tpu.memory_space<vmem_shared>>)
      tpu.yield
    }) : () -> ()
    %add3A_7 = arith.constant 256 : i32
    %add3A_8 = arith.addi %mul3A_2, %add3A_7 : i32
    "tpu.region"() ({
      %run_scoped3A = tpu.sem_alloc : memref<!tpu.dma_semaphore, #tpu.memory_space<semaphore_mem>>
      %dma_start3A = tpu.memref_slice %arg5[%add3A_8] : memref<10240xi32, #tpu.memory_space<hbm>> -> memref<128xi32, #tpu.memory_space<hbm>>
      %dma_start3A_41 = tpu.memref_slice %arg5[%add3A_8] : memref<10240xi32, #tpu.memory_space<hbm>> -> memref<128xi32, #tpu.memory_space<hbm>>
      tpu.enqueue_dma source(%dma_start3A_41 : memref<128xi32, #tpu.memory_space<hbm>>) target(%arg8 : memref<128xi32, #tpu.memory_space<vmem>>) target_semaphore(%run_scoped3A : memref<!tpu.dma_semaphore, #tpu.memory_space<semaphore_mem>>)
      %dma_wait3A = tpu.memref_slice %arg5[%add3A_8] : memref<10240xi32, #tpu.memory_space<hbm>> -> memref<128xi32, #tpu.memory_space<hbm>>
      %dma_wait3A_42 = tpu.memref_slice %arg5[%add3A_8] : memref<10240xi32, #tpu.memory_space<hbm>> -> memref<128xi32, #tpu.memory_space<hbm>>
      tpu.wait_dma2 semaphore(%run_scoped3A : memref<!tpu.dma_semaphore, #tpu.memory_space<semaphore_mem>>) src(%dma_wait3A_42 : memref<128xi32, #tpu.memory_space<hbm>>) dst(%arg8 : memref<128xi32, #tpu.memory_space<vmem>>)
      tpu.yield
    }) : () -> ()
    "tpu.region"() ({
      %run_scoped3A = tpu.sem_alloc : memref<!tpu.dma_semaphore, #tpu.memory_space<semaphore_mem>>
      %dma_start3A = arith.constant 0 : i32
      %dma_start3A_41 = arith.constant 0 : i32
      %dma_start3A_42 = tpu.memref_slice %arg11[%dma_start3A, %dma_start3A_41] : memref<10240x128xf32, #tpu.memory_space<vmem_shared>> -> memref<10240x128xf32, #tpu.memory_space<vmem_shared>>
      tpu.enqueue_indirect_dma source(%arg10 : memref<128x128xf32, #tpu.memory_space<vmem>>) target(%dma_start3A_42 : memref<10240x128xf32, #tpu.memory_space<vmem_shared>>) offsets(%arg8 : memref<128xi32, #tpu.memory_space<vmem>>) semaphore(%run_scoped3A : memref<!tpu.dma_semaphore, #tpu.memory_space<semaphore_mem>>)
      %dma_wait3A = arith.constant 0 : i32
      %dma_wait3A_43 = arith.constant 0 : i32
      %dma_wait3A_44 = tpu.memref_slice %arg11[%dma_wait3A, %dma_wait3A_43] : memref<10240x128xf32, #tpu.memory_space<vmem_shared>> -> memref<10240x128xf32, #tpu.memory_space<vmem_shared>>
      tpu.wait_indirect_dma semaphore(%run_scoped3A : memref<!tpu.dma_semaphore, #tpu.memory_space<semaphore_mem>>) src(%arg10 : memref<128x128xf32, #tpu.memory_space<vmem>>) dst(%dma_wait3A_44 : memref<10240x128xf32, #tpu.memory_space<vmem_shared>>)
      tpu.yield
    }) : () -> ()
    %add3A_9 = arith.constant 384 : i32
    %add3A_10 = arith.addi %mul3A_2, %add3A_9 : i32
    "tpu.region"() ({
      %run_scoped3A = tpu.sem_alloc : memref<!tpu.dma_semaphore, #tpu.memory_space<semaphore_mem>>
      %dma_start3A = tpu.memref_slice %arg5[%add3A_10] : memref<10240xi32, #tpu.memory_space<hbm>> -> memref<128xi32, #tpu.memory_space<hbm>>
      %dma_start3A_41 = tpu.memref_slice %arg5[%add3A_10] : memref<10240xi32, #tpu.memory_space<hbm>> -> memref<128xi32, #tpu.memory_space<hbm>>
      tpu.enqueue_dma source(%dma_start3A_41 : memref<128xi32, #tpu.memory_space<hbm>>) target(%arg8 : memref<128xi32, #tpu.memory_space<vmem>>) target_semaphore(%run_scoped3A : memref<!tpu.dma_semaphore, #tpu.memory_space<semaphore_mem>>)
      %dma_wait3A = tpu.memref_slice %arg5[%add3A_10] : memref<10240xi32, #tpu.memory_space<hbm>> -> memref<128xi32, #tpu.memory_space<hbm>>
      %dma_wait3A_42 = tpu.memref_slice %arg5[%add3A_10] : memref<10240xi32, #tpu.memory_space<hbm>> -> memref<128xi32, #tpu.memory_space<hbm>>
      tpu.wait_dma2 semaphore(%run_scoped3A : memref<!tpu.dma_semaphore, #tpu.memory_space<semaphore_mem>>) src(%dma_wait3A_42 : memref<128xi32, #tpu.memory_space<hbm>>) dst(%arg8 : memref<128xi32, #tpu.memory_space<vmem>>)
      tpu.yield
    }) : () -> ()
    "tpu.region"() ({
      %run_scoped3A = tpu.sem_alloc : memref<!tpu.dma_semaphore, #tpu.memory_space<semaphore_mem>>
      %dma_start3A = arith.constant 0 : i32
      %dma_start3A_41 = arith.constant 0 : i32
      %dma_start3A_42 = tpu.memref_slice %arg11[%dma_start3A, %dma_start3A_41] : memref<10240x128xf32, #tpu.memory_space<vmem_shared>> -> memref<10240x128xf32, #tpu.memory_space<vmem_shared>>
      tpu.enqueue_indirect_dma source(%arg10 : memref<128x128xf32, #tpu.memory_space<vmem>>) target(%dma_start3A_42 : memref<10240x128xf32, #tpu.memory_space<vmem_shared>>) offsets(%arg8 : memref<128xi32, #tpu.memory_space<vmem>>) semaphore(%run_scoped3A : memref<!tpu.dma_semaphore, #tpu.memory_space<semaphore_mem>>)
      %dma_wait3A = arith.constant 0 : i32
      %dma_wait3A_43 = arith.constant 0 : i32
      %dma_wait3A_44 = tpu.memref_slice %arg11[%dma_wait3A, %dma_wait3A_43] : memref<10240x128xf32, #tpu.memory_space<vmem_shared>> -> memref<10240x128xf32, #tpu.memory_space<vmem_shared>>
      tpu.wait_indirect_dma semaphore(%run_scoped3A : memref<!tpu.dma_semaphore, #tpu.memory_space<semaphore_mem>>) src(%arg10 : memref<128x128xf32, #tpu.memory_space<vmem>>) dst(%dma_wait3A_44 : memref<10240x128xf32, #tpu.memory_space<vmem_shared>>)
      tpu.yield
    }) : () -> ()
    %add3A_11 = arith.constant 512 : i32
    %add3A_12 = arith.addi %mul3A_2, %add3A_11 : i32
    "tpu.region"() ({
      %run_scoped3A = tpu.sem_alloc : memref<!tpu.dma_semaphore, #tpu.memory_space<semaphore_mem>>
      %dma_start3A = tpu.memref_slice %arg5[%add3A_12] : memref<10240xi32, #tpu.memory_space<hbm>> -> memref<128xi32, #tpu.memory_space<hbm>>
      %dma_start3A_41 = tpu.memref_slice %arg5[%add3A_12] : memref<10240xi32, #tpu.memory_space<hbm>> -> memref<128xi32, #tpu.memory_space<hbm>>
      tpu.enqueue_dma source(%dma_start3A_41 : memref<128xi32, #tpu.memory_space<hbm>>) target(%arg8 : memref<128xi32, #tpu.memory_space<vmem>>) target_semaphore(%run_scoped3A : memref<!tpu.dma_semaphore, #tpu.memory_space<semaphore_mem>>)
      %dma_wait3A = tpu.memref_slice %arg5[%add3A_12] : memref<10240xi32, #tpu.memory_space<hbm>> -> memref<128xi32, #tpu.memory_space<hbm>>
      %dma_wait3A_42 = tpu.memref_slice %arg5[%add3A_12] : memref<10240xi32, #tpu.memory_space<hbm>> -> memref<128xi32, #tpu.memory_space<hbm>>
      tpu.wait_dma2 semaphore(%run_scoped3A : memref<!tpu.dma_semaphore, #tpu.memory_space<semaphore_mem>>) src(%dma_wait3A_42 : memref<128xi32, #tpu.memory_space<hbm>>) dst(%arg8 : memref<128xi32, #tpu.memory_space<vmem>>)
      tpu.yield
    }) : () -> ()
    "tpu.region"() ({
      %run_scoped3A = tpu.sem_alloc : memref<!tpu.dma_semaphore, #tpu.memory_space<semaphore_mem>>
      %dma_start3A = arith.constant 0 : i32
      %dma_start3A_41 = arith.constant 0 : i32
      %dma_start3A_42 = tpu.memref_slice %arg11[%dma_start3A, %dma_start3A_41] : memref<10240x128xf32, #tpu.memory_space<vmem_shared>> -> memref<10240x128xf32, #tpu.memory_space<vmem_shared>>
      tpu.enqueue_indirect_dma source(%arg10 : memref<128x128xf32, #tpu.memory_space<vmem>>) target(%dma_start3A_42 : memref<10240x128xf32, #tpu.memory_space<vmem_shared>>) offsets(%arg8 : memref<128xi32, #tpu.memory_space<vmem>>) semaphore(%run_scoped3A : memref<!tpu.dma_semaphore, #tpu.memory_space<semaphore_mem>>)
      %dma_wait3A = arith.constant 0 : i32
      %dma_wait3A_43 = arith.constant 0 : i32
      %dma_wait3A_44 = tpu.memref_slice %arg11[%dma_wait3A, %dma_wait3A_43] : memref<10240x128xf32, #tpu.memory_space<vmem_shared>> -> memref<10240x128xf32, #tpu.memory_space<vmem_shared>>
      tpu.wait_indirect_dma semaphore(%run_scoped3A : memref<!tpu.dma_semaphore, #tpu.memory_space<semaphore_mem>>) src(%arg10 : memref<128x128xf32, #tpu.memory_space<vmem>>) dst(%dma_wait3A_44 : memref<10240x128xf32, #tpu.memory_space<vmem_shared>>)
      tpu.yield
    }) : () -> ()
    %barrier3A = arith.constant 0 : index
    tpu.barrier barrier_id(%barrier3A)
    %mul3A_13 = arith.constant 10112 : i32
    %mul3A_14 = arith.muli %add3A, %mul3A_13 : i32
    %scan3A = arith.constant 0 : i32
    %scan3A_15 = arith.constant 0 : i32
    %scan3A_16 = arith.constant 79 : i32
    %scan3A_17 = arith.addi %scan3A_15, %scan3A_16 : i32
    %scan3A_18 = arith.constant 1 : i32
    scf.for %scan3A_41 = %scan3A_15 to %scan3A_17 step %scan3A_18  : i32 {
      %mul3A_42 = arith.constant 128 : i32
      %mul3A_43 = arith.muli %scan3A_41, %mul3A_42 : i32
      %add3A_44 = arith.addi %mul3A_14, %mul3A_43 : i32
      "tpu.region"() ({
        %run_scoped3A = tpu.sem_alloc : memref<!tpu.dma_semaphore, #tpu.memory_space<semaphore_mem>>
        %dma_start3A_53 = tpu.memref_slice %arg3[%add3A_44] : memref<323584xi32, #tpu.memory_space<hbm>> -> memref<128xi32, #tpu.memory_space<hbm>>
        %dma_start3A_54 = tpu.memref_slice %arg3[%add3A_44] : memref<323584xi32, #tpu.memory_space<hbm>> -> memref<128xi32, #tpu.memory_space<hbm>>
        tpu.enqueue_dma source(%dma_start3A_54 : memref<128xi32, #tpu.memory_space<hbm>>) target(%arg8 : memref<128xi32, #tpu.memory_space<vmem>>) target_semaphore(%run_scoped3A : memref<!tpu.dma_semaphore, #tpu.memory_space<semaphore_mem>>)
        %dma_wait3A_55 = tpu.memref_slice %arg3[%add3A_44] : memref<323584xi32, #tpu.memory_space<hbm>> -> memref<128xi32, #tpu.memory_space<hbm>>
        %dma_wait3A_56 = tpu.memref_slice %arg3[%add3A_44] : memref<323584xi32, #tpu.memory_space<hbm>> -> memref<128xi32, #tpu.memory_space<hbm>>
        tpu.wait_dma2 semaphore(%run_scoped3A : memref<!tpu.dma_semaphore, #tpu.memory_space<semaphore_mem>>) src(%dma_wait3A_56 : memref<128xi32, #tpu.memory_space<hbm>>) dst(%arg8 : memref<128xi32, #tpu.memory_space<vmem>>)
        tpu.yield
      }) : () -> ()
      %dma_start3A = tpu.memref_slice %arg4[%add3A_44] : memref<323584xi32, #tpu.memory_space<hbm>> -> memref<128xi32, #tpu.memory_space<hbm>>
      %dma_start3A_45 = tpu.memref_slice %arg4[%add3A_44] : memref<323584xi32, #tpu.memory_space<hbm>> -> memref<128xi32, #tpu.memory_space<hbm>>
      tpu.enqueue_dma source(%dma_start3A_45 : memref<128xi32, #tpu.memory_space<hbm>>) target(%arg9 : memref<128xi32, #tpu.memory_space<vmem>>) target_semaphore(%arg13 : memref<!tpu.dma_semaphore, #tpu.memory_space<semaphore_mem>>)
      %dma_start3A_46 = arith.constant 0 : i32
      %dma_start3A_47 = arith.constant 0 : i32
      %dma_start3A_48 = tpu.memref_slice %arg2[%dma_start3A_46, %dma_start3A_47] : memref<10000x128xf32, #tpu.memory_space<hbm>> -> memref<10000x128xf32, #tpu.memory_space<hbm>>
      tpu.enqueue_indirect_dma source(%dma_start3A_48 : memref<10000x128xf32, #tpu.memory_space<hbm>>) target(%arg10 : memref<128x128xf32, #tpu.memory_space<vmem>>) offsets(%arg8 : memref<128xi32, #tpu.memory_space<vmem>>) semaphore(%arg12 : memref<!tpu.dma_semaphore, #tpu.memory_space<semaphore_mem>>)
      %dma_wait3A = arith.constant 0 : i32
      %dma_wait3A_49 = arith.constant 0 : i32
      %dma_wait3A_50 = tpu.memref_slice %arg2[%dma_wait3A, %dma_wait3A_49] : memref<10000x128xf32, #tpu.memory_space<hbm>> -> memref<10000x128xf32, #tpu.memory_space<hbm>>
      tpu.wait_indirect_dma semaphore(%arg12 : memref<!tpu.dma_semaphore, #tpu.memory_space<semaphore_mem>>) src(%dma_wait3A_50 : memref<10000x128xf32, #tpu.memory_space<hbm>>) dst(%arg10 : memref<128x128xf32, #tpu.memory_space<vmem>>)
      %dma_wait3A_51 = tpu.memref_slice %arg4[%add3A_44] : memref<323584xi32, #tpu.memory_space<hbm>> -> memref<128xi32, #tpu.memory_space<hbm>>
      %dma_wait3A_52 = tpu.memref_slice %arg4[%add3A_44] : memref<323584xi32, #tpu.memory_space<hbm>> -> memref<128xi32, #tpu.memory_space<hbm>>
      tpu.wait_dma2 semaphore(%arg13 : memref<!tpu.dma_semaphore, #tpu.memory_space<semaphore_mem>>) src(%dma_wait3A_52 : memref<128xi32, #tpu.memory_space<hbm>>) dst(%arg9 : memref<128xi32, #tpu.memory_space<vmem>>)
      "tpu.region"() ({
        %run_scoped3A = tpu.sem_alloc : memref<!tpu.dma_semaphore, #tpu.memory_space<semaphore_mem>>
        %dma_start3A_53 = arith.constant 0 : i32
        %dma_start3A_54 = arith.constant 0 : i32
        %dma_start3A_55 = tpu.memref_slice %arg11[%dma_start3A_53, %dma_start3A_54] : memref<10240x128xf32, #tpu.memory_space<vmem_shared>> -> memref<10240x128xf32, #tpu.memory_space<vmem_shared>>
        tpu.enqueue_indirect_dma source(%arg10 : memref<128x128xf32, #tpu.memory_space<vmem>>) target(%dma_start3A_55 : memref<10240x128xf32, #tpu.memory_space<vmem_shared>>) offsets(%arg9 : memref<128xi32, #tpu.memory_space<vmem>>) semaphore(%run_scoped3A : memref<!tpu.dma_semaphore, #tpu.memory_space<semaphore_mem>>) {add = true}
        %dma_wait3A_56 = arith.constant 0 : i32
        %dma_wait3A_57 = arith.constant 0 : i32
        %dma_wait3A_58 = tpu.memref_slice %arg11[%dma_wait3A_56, %dma_wait3A_57] : memref<10240x128xf32, #tpu.memory_space<vmem_shared>> -> memref<10240x128xf32, #tpu.memory_space<vmem_shared>>
        tpu.wait_indirect_dma semaphore(%run_scoped3A : memref<!tpu.dma_semaphore, #tpu.memory_space<semaphore_mem>>) src(%arg10 : memref<128x128xf32, #tpu.memory_space<vmem>>) dst(%dma_wait3A_58 : memref<10240x128xf32, #tpu.memory_space<vmem_shared>>)
        tpu.yield
      }) : () -> ()
    }
    %scan3A_19 = arith.constant 79 : i32
    %barrier3A_20 = arith.constant 0 : index
    tpu.barrier barrier_id(%barrier3A_20)
    %add3A_21 = arith.constant 0 : i32
    %add3A_22 = arith.addi %mul3A_2, %add3A_21 : i32
    "tpu.region"() ({
      %run_scoped3A = tpu.sem_alloc : memref<!tpu.dma_semaphore, #tpu.memory_space<semaphore_mem>>
      %dma_start3A = tpu.memref_slice %arg5[%add3A_22] : memref<10240xi32, #tpu.memory_space<hbm>> -> memref<128xi32, #tpu.memory_space<hbm>>
      %dma_start3A_41 = tpu.memref_slice %arg5[%add3A_22] : memref<10240xi32, #tpu.memory_space<hbm>> -> memref<128xi32, #tpu.memory_space<hbm>>
      tpu.enqueue_dma source(%dma_start3A_41 : memref<128xi32, #tpu.memory_space<hbm>>) target(%arg8 : memref<128xi32, #tpu.memory_space<vmem>>) target_semaphore(%run_scoped3A : memref<!tpu.dma_semaphore, #tpu.memory_space<semaphore_mem>>)
      %dma_wait3A = tpu.memref_slice %arg5[%add3A_22] : memref<10240xi32, #tpu.memory_space<hbm>> -> memref<128xi32, #tpu.memory_space<hbm>>
      %dma_wait3A_42 = tpu.memref_slice %arg5[%add3A_22] : memref<10240xi32, #tpu.memory_space<hbm>> -> memref<128xi32, #tpu.memory_space<hbm>>
      tpu.wait_dma2 semaphore(%run_scoped3A : memref<!tpu.dma_semaphore, #tpu.memory_space<semaphore_mem>>) src(%dma_wait3A_42 : memref<128xi32, #tpu.memory_space<hbm>>) dst(%arg8 : memref<128xi32, #tpu.memory_space<vmem>>)
      tpu.yield
    }) : () -> ()
    "tpu.region"() ({
      %run_scoped3A = tpu.sem_alloc : memref<!tpu.dma_semaphore, #tpu.memory_space<semaphore_mem>>
      %dma_start3A = arith.constant 0 : i32
      %dma_start3A_41 = arith.constant 0 : i32
      %dma_start3A_42 = tpu.memref_slice %arg11[%dma_start3A, %dma_start3A_41] : memref<10240x128xf32, #tpu.memory_space<vmem_shared>> -> memref<10240x128xf32, #tpu.memory_space<vmem_shared>>
      tpu.enqueue_indirect_dma source(%dma_start3A_42 : memref<10240x128xf32, #tpu.memory_space<vmem_shared>>) target(%arg10 : memref<128x128xf32, #tpu.memory_space<vmem>>) offsets(%arg8 : memref<128xi32, #tpu.memory_space<vmem>>) semaphore(%run_scoped3A : memref<!tpu.dma_semaphore, #tpu.memory_space<semaphore_mem>>)
      %dma_wait3A = arith.constant 0 : i32
      %dma_wait3A_43 = arith.constant 0 : i32
      %dma_wait3A_44 = tpu.memref_slice %arg11[%dma_wait3A, %dma_wait3A_43] : memref<10240x128xf32, #tpu.memory_space<vmem_shared>> -> memref<10240x128xf32, #tpu.memory_space<vmem_shared>>
      tpu.wait_indirect_dma semaphore(%run_scoped3A : memref<!tpu.dma_semaphore, #tpu.memory_space<semaphore_mem>>) src(%dma_wait3A_44 : memref<10240x128xf32, #tpu.memory_space<vmem_shared>>) dst(%arg10 : memref<128x128xf32, #tpu.memory_space<vmem>>)
      tpu.yield
    }) : () -> ()
    %add3A_23 = arith.constant 0 : i32
    %add3A_24 = arith.addi %mul3A_2, %add3A_23 : i32
    "tpu.region"() ({
      %run_scoped3A = tpu.sem_alloc : memref<!tpu.dma_semaphore, #tpu.memory_space<semaphore_mem>>
      %dma_start3A = arith.constant 0 : i32
      %dma_start3A_41 = tpu.memref_slice %arg7[%arg0, %add3A_24, %dma_start3A] : memref<2x10240x128xf32, #tpu.memory_space<hbm>> -> memref<1x128x128xf32, #tpu.memory_space<hbm>>
      %dma_start3A_42 = tpu.memref_squeeze %dma_start3A_41 : memref<1x128x128xf32, #tpu.memory_space<hbm>> -> memref<128x128xf32, #tpu.memory_space<hbm>>
      %dma_start3A_43 = arith.constant 0 : i32
      %dma_start3A_44 = tpu.memref_slice %arg7[%arg0, %add3A_24, %dma_start3A_43] : memref<2x10240x128xf32, #tpu.memory_space<hbm>> -> memref<1x128x128xf32, #tpu.memory_space<hbm>>
      %dma_start3A_45 = tpu.memref_squeeze %dma_start3A_44 : memref<1x128x128xf32, #tpu.memory_space<hbm>> -> memref<128x128xf32, #tpu.memory_space<hbm>>
      tpu.enqueue_dma source(%arg10 : memref<128x128xf32, #tpu.memory_space<vmem>>) target(%dma_start3A_45 : memref<128x128xf32, #tpu.memory_space<hbm>>) target_semaphore(%run_scoped3A : memref<!tpu.dma_semaphore, #tpu.memory_space<semaphore_mem>>)
      %dma_wait3A = arith.constant 0 : i32
      %dma_wait3A_46 = tpu.memref_slice %arg7[%arg0, %add3A_24, %dma_wait3A] : memref<2x10240x128xf32, #tpu.memory_space<hbm>> -> memref<1x128x128xf32, #tpu.memory_space<hbm>>
      %dma_wait3A_47 = tpu.memref_squeeze %dma_wait3A_46 : memref<1x128x128xf32, #tpu.memory_space<hbm>> -> memref<128x128xf32, #tpu.memory_space<hbm>>
      %dma_wait3A_48 = arith.constant 0 : i32
      %dma_wait3A_49 = tpu.memref_slice %arg7[%arg0, %add3A_24, %dma_wait3A_48] : memref<2x10240x128xf32, #tpu.memory_space<hbm>> -> memref<1x128x128xf32, #tpu.memory_space<hbm>>
      %dma_wait3A_50 = tpu.memref_squeeze %dma_wait3A_49 : memref<1x128x128xf32, #tpu.memory_space<hbm>> -> memref<128x128xf32, #tpu.memory_space<hbm>>
      tpu.wait_dma2 semaphore(%run_scoped3A : memref<!tpu.dma_semaphore, #tpu.memory_space<semaphore_mem>>) src(%arg10 : memref<128x128xf32, #tpu.memory_space<vmem>>) dst(%dma_wait3A_50 : memref<128x128xf32, #tpu.memory_space<hbm>>)
      tpu.yield
    }) : () -> ()
    %add3A_25 = arith.constant 128 : i32
    %add3A_26 = arith.addi %mul3A_2, %add3A_25 : i32
    "tpu.region"() ({
      %run_scoped3A = tpu.sem_alloc : memref<!tpu.dma_semaphore, #tpu.memory_space<semaphore_mem>>
      %dma_start3A = tpu.memref_slice %arg5[%add3A_26] : memref<10240xi32, #tpu.memory_space<hbm>> -> memref<128xi32, #tpu.memory_space<hbm>>
      %dma_start3A_41 = tpu.memref_slice %arg5[%add3A_26] : memref<10240xi32, #tpu.memory_space<hbm>> -> memref<128xi32, #tpu.memory_space<hbm>>
      tpu.enqueue_dma source(%dma_start3A_41 : memref<128xi32, #tpu.memory_space<hbm>>) target(%arg8 : memref<128xi32, #tpu.memory_space<vmem>>) target_semaphore(%run_scoped3A : memref<!tpu.dma_semaphore, #tpu.memory_space<semaphore_mem>>)
      %dma_wait3A = tpu.memref_slice %arg5[%add3A_26] : memref<10240xi32, #tpu.memory_space<hbm>> -> memref<128xi32, #tpu.memory_space<hbm>>
      %dma_wait3A_42 = tpu.memref_slice %arg5[%add3A_26] : memref<10240xi32, #tpu.memory_space<hbm>> -> memref<128xi32, #tpu.memory_space<hbm>>
      tpu.wait_dma2 semaphore(%run_scoped3A : memref<!tpu.dma_semaphore, #tpu.memory_space<semaphore_mem>>) src(%dma_wait3A_42 : memref<128xi32, #tpu.memory_space<hbm>>) dst(%arg8 : memref<128xi32, #tpu.memory_space<vmem>>)
      tpu.yield
    }) : () -> ()
    "tpu.region"() ({
      %run_scoped3A = tpu.sem_alloc : memref<!tpu.dma_semaphore, #tpu.memory_space<semaphore_mem>>
      %dma_start3A = arith.constant 0 : i32
      %dma_start3A_41 = arith.constant 0 : i32
      %dma_start3A_42 = tpu.memref_slice %arg11[%dma_start3A, %dma_start3A_41] : memref<10240x128xf32, #tpu.memory_space<vmem_shared>> -> memref<10240x128xf32, #tpu.memory_space<vmem_shared>>
      tpu.enqueue_indirect_dma source(%dma_start3A_42 : memref<10240x128xf32, #tpu.memory_space<vmem_shared>>) target(%arg10 : memref<128x128xf32, #tpu.memory_space<vmem>>) offsets(%arg8 : memref<128xi32, #tpu.memory_space<vmem>>) semaphore(%run_scoped3A : memref<!tpu.dma_semaphore, #tpu.memory_space<semaphore_mem>>)
      %dma_wait3A = arith.constant 0 : i32
      %dma_wait3A_43 = arith.constant 0 : i32
      %dma_wait3A_44 = tpu.memref_slice %arg11[%dma_wait3A, %dma_wait3A_43] : memref<10240x128xf32, #tpu.memory_space<vmem_shared>> -> memref<10240x128xf32, #tpu.memory_space<vmem_shared>>
      tpu.wait_indirect_dma semaphore(%run_scoped3A : memref<!tpu.dma_semaphore, #tpu.memory_space<semaphore_mem>>) src(%dma_wait3A_44 : memref<10240x128xf32, #tpu.memory_space<vmem_shared>>) dst(%arg10 : memref<128x128xf32, #tpu.memory_space<vmem>>)
      tpu.yield
    }) : () -> ()
    %add3A_27 = arith.constant 128 : i32
    %add3A_28 = arith.addi %mul3A_2, %add3A_27 : i32
    "tpu.region"() ({
      %run_scoped3A = tpu.sem_alloc : memref<!tpu.dma_semaphore, #tpu.memory_space<semaphore_mem>>
      %dma_start3A = arith.constant 0 : i32
      %dma_start3A_41 = tpu.memref_slice %arg7[%arg0, %add3A_28, %dma_start3A] : memref<2x10240x128xf32, #tpu.memory_space<hbm>> -> memref<1x128x128xf32, #tpu.memory_space<hbm>>
      %dma_start3A_42 = tpu.memref_squeeze %dma_start3A_41 : memref<1x128x128xf32, #tpu.memory_space<hbm>> -> memref<128x128xf32, #tpu.memory_space<hbm>>
      %dma_start3A_43 = arith.constant 0 : i32
      %dma_start3A_44 = tpu.memref_slice %arg7[%arg0, %add3A_28, %dma_start3A_43] : memref<2x10240x128xf32, #tpu.memory_space<hbm>> -> memref<1x128x128xf32, #tpu.memory_space<hbm>>
      %dma_start3A_45 = tpu.memref_squeeze %dma_start3A_44 : memref<1x128x128xf32, #tpu.memory_space<hbm>> -> memref<128x128xf32, #tpu.memory_space<hbm>>
      tpu.enqueue_dma source(%arg10 : memref<128x128xf32, #tpu.memory_space<vmem>>) target(%dma_start3A_45 : memref<128x128xf32, #tpu.memory_space<hbm>>) target_semaphore(%run_scoped3A : memref<!tpu.dma_semaphore, #tpu.memory_space<semaphore_mem>>)
      %dma_wait3A = arith.constant 0 : i32
      %dma_wait3A_46 = tpu.memref_slice %arg7[%arg0, %add3A_28, %dma_wait3A] : memref<2x10240x128xf32, #tpu.memory_space<hbm>> -> memref<1x128x128xf32, #tpu.memory_space<hbm>>
      %dma_wait3A_47 = tpu.memref_squeeze %dma_wait3A_46 : memref<1x128x128xf32, #tpu.memory_space<hbm>> -> memref<128x128xf32, #tpu.memory_space<hbm>>
      %dma_wait3A_48 = arith.constant 0 : i32
      %dma_wait3A_49 = tpu.memref_slice %arg7[%arg0, %add3A_28, %dma_wait3A_48] : memref<2x10240x128xf32, #tpu.memory_space<hbm>> -> memref<1x128x128xf32, #tpu.memory_space<hbm>>
      %dma_wait3A_50 = tpu.memref_squeeze %dma_wait3A_49 : memref<1x128x128xf32, #tpu.memory_space<hbm>> -> memref<128x128xf32, #tpu.memory_space<hbm>>
      tpu.wait_dma2 semaphore(%run_scoped3A : memref<!tpu.dma_semaphore, #tpu.memory_space<semaphore_mem>>) src(%arg10 : memref<128x128xf32, #tpu.memory_space<vmem>>) dst(%dma_wait3A_50 : memref<128x128xf32, #tpu.memory_space<hbm>>)
      tpu.yield
    }) : () -> ()
    %add3A_29 = arith.constant 256 : i32
    %add3A_30 = arith.addi %mul3A_2, %add3A_29 : i32
    "tpu.region"() ({
      %run_scoped3A = tpu.sem_alloc : memref<!tpu.dma_semaphore, #tpu.memory_space<semaphore_mem>>
      %dma_start3A = tpu.memref_slice %arg5[%add3A_30] : memref<10240xi32, #tpu.memory_space<hbm>> -> memref<128xi32, #tpu.memory_space<hbm>>
      %dma_start3A_41 = tpu.memref_slice %arg5[%add3A_30] : memref<10240xi32, #tpu.memory_space<hbm>> -> memref<128xi32, #tpu.memory_space<hbm>>
      tpu.enqueue_dma source(%dma_start3A_41 : memref<128xi32, #tpu.memory_space<hbm>>) target(%arg8 : memref<128xi32, #tpu.memory_space<vmem>>) target_semaphore(%run_scoped3A : memref<!tpu.dma_semaphore, #tpu.memory_space<semaphore_mem>>)
      %dma_wait3A = tpu.memref_slice %arg5[%add3A_30] : memref<10240xi32, #tpu.memory_space<hbm>> -> memref<128xi32, #tpu.memory_space<hbm>>
      %dma_wait3A_42 = tpu.memref_slice %arg5[%add3A_30] : memref<10240xi32, #tpu.memory_space<hbm>> -> memref<128xi32, #tpu.memory_space<hbm>>
      tpu.wait_dma2 semaphore(%run_scoped3A : memref<!tpu.dma_semaphore, #tpu.memory_space<semaphore_mem>>) src(%dma_wait3A_42 : memref<128xi32, #tpu.memory_space<hbm>>) dst(%arg8 : memref<128xi32, #tpu.memory_space<vmem>>)
      tpu.yield
    }) : () -> ()
    "tpu.region"() ({
      %run_scoped3A = tpu.sem_alloc : memref<!tpu.dma_semaphore, #tpu.memory_space<semaphore_mem>>
      %dma_start3A = arith.constant 0 : i32
      %dma_start3A_41 = arith.constant 0 : i32
      %dma_start3A_42 = tpu.memref_slice %arg11[%dma_start3A, %dma_start3A_41] : memref<10240x128xf32, #tpu.memory_space<vmem_shared>> -> memref<10240x128xf32, #tpu.memory_space<vmem_shared>>
      tpu.enqueue_indirect_dma source(%dma_start3A_42 : memref<10240x128xf32, #tpu.memory_space<vmem_shared>>) target(%arg10 : memref<128x128xf32, #tpu.memory_space<vmem>>) offsets(%arg8 : memref<128xi32, #tpu.memory_space<vmem>>) semaphore(%run_scoped3A : memref<!tpu.dma_semaphore, #tpu.memory_space<semaphore_mem>>)
      %dma_wait3A = arith.constant 0 : i32
      %dma_wait3A_43 = arith.constant 0 : i32
      %dma_wait3A_44 = tpu.memref_slice %arg11[%dma_wait3A, %dma_wait3A_43] : memref<10240x128xf32, #tpu.memory_space<vmem_shared>> -> memref<10240x128xf32, #tpu.memory_space<vmem_shared>>
      tpu.wait_indirect_dma semaphore(%run_scoped3A : memref<!tpu.dma_semaphore, #tpu.memory_space<semaphore_mem>>) src(%dma_wait3A_44 : memref<10240x128xf32, #tpu.memory_space<vmem_shared>>) dst(%arg10 : memref<128x128xf32, #tpu.memory_space<vmem>>)
      tpu.yield
    }) : () -> ()
    %add3A_31 = arith.constant 256 : i32
    %add3A_32 = arith.addi %mul3A_2, %add3A_31 : i32
    "tpu.region"() ({
      %run_scoped3A = tpu.sem_alloc : memref<!tpu.dma_semaphore, #tpu.memory_space<semaphore_mem>>
      %dma_start3A = arith.constant 0 : i32
      %dma_start3A_41 = tpu.memref_slice %arg7[%arg0, %add3A_32, %dma_start3A] : memref<2x10240x128xf32, #tpu.memory_space<hbm>> -> memref<1x128x128xf32, #tpu.memory_space<hbm>>
      %dma_start3A_42 = tpu.memref_squeeze %dma_start3A_41 : memref<1x128x128xf32, #tpu.memory_space<hbm>> -> memref<128x128xf32, #tpu.memory_space<hbm>>
      %dma_start3A_43 = arith.constant 0 : i32
      %dma_start3A_44 = tpu.memref_slice %arg7[%arg0, %add3A_32, %dma_start3A_43] : memref<2x10240x128xf32, #tpu.memory_space<hbm>> -> memref<1x128x128xf32, #tpu.memory_space<hbm>>
      %dma_start3A_45 = tpu.memref_squeeze %dma_start3A_44 : memref<1x128x128xf32, #tpu.memory_space<hbm>> -> memref<128x128xf32, #tpu.memory_space<hbm>>
      tpu.enqueue_dma source(%arg10 : memref<128x128xf32, #tpu.memory_space<vmem>>) target(%dma_start3A_45 : memref<128x128xf32, #tpu.memory_space<hbm>>) target_semaphore(%run_scoped3A : memref<!tpu.dma_semaphore, #tpu.memory_space<semaphore_mem>>)
      %dma_wait3A = arith.constant 0 : i32
      %dma_wait3A_46 = tpu.memref_slice %arg7[%arg0, %add3A_32, %dma_wait3A] : memref<2x10240x128xf32, #tpu.memory_space<hbm>> -> memref<1x128x128xf32, #tpu.memory_space<hbm>>
      %dma_wait3A_47 = tpu.memref_squeeze %dma_wait3A_46 : memref<1x128x128xf32, #tpu.memory_space<hbm>> -> memref<128x128xf32, #tpu.memory_space<hbm>>
      %dma_wait3A_48 = arith.constant 0 : i32
      %dma_wait3A_49 = tpu.memref_slice %arg7[%arg0, %add3A_32, %dma_wait3A_48] : memref<2x10240x128xf32, #tpu.memory_space<hbm>> -> memref<1x128x128xf32, #tpu.memory_space<hbm>>
      %dma_wait3A_50 = tpu.memref_squeeze %dma_wait3A_49 : memref<1x128x128xf32, #tpu.memory_space<hbm>> -> memref<128x128xf32, #tpu.memory_space<hbm>>
      tpu.wait_dma2 semaphore(%run_scoped3A : memref<!tpu.dma_semaphore, #tpu.memory_space<semaphore_mem>>) src(%arg10 : memref<128x128xf32, #tpu.memory_space<vmem>>) dst(%dma_wait3A_50 : memref<128x128xf32, #tpu.memory_space<hbm>>)
      tpu.yield
    }) : () -> ()
    %add3A_33 = arith.constant 384 : i32
    %add3A_34 = arith.addi %mul3A_2, %add3A_33 : i32
    "tpu.region"() ({
      %run_scoped3A = tpu.sem_alloc : memref<!tpu.dma_semaphore, #tpu.memory_space<semaphore_mem>>
      %dma_start3A = tpu.memref_slice %arg5[%add3A_34] : memref<10240xi32, #tpu.memory_space<hbm>> -> memref<128xi32, #tpu.memory_space<hbm>>
      %dma_start3A_41 = tpu.memref_slice %arg5[%add3A_34] : memref<10240xi32, #tpu.memory_space<hbm>> -> memref<128xi32, #tpu.memory_space<hbm>>
      tpu.enqueue_dma source(%dma_start3A_41 : memref<128xi32, #tpu.memory_space<hbm>>) target(%arg8 : memref<128xi32, #tpu.memory_space<vmem>>) target_semaphore(%run_scoped3A : memref<!tpu.dma_semaphore, #tpu.memory_space<semaphore_mem>>)
      %dma_wait3A = tpu.memref_slice %arg5[%add3A_34] : memref<10240xi32, #tpu.memory_space<hbm>> -> memref<128xi32, #tpu.memory_space<hbm>>
      %dma_wait3A_42 = tpu.memref_slice %arg5[%add3A_34] : memref<10240xi32, #tpu.memory_space<hbm>> -> memref<128xi32, #tpu.memory_space<hbm>>
      tpu.wait_dma2 semaphore(%run_scoped3A : memref<!tpu.dma_semaphore, #tpu.memory_space<semaphore_mem>>) src(%dma_wait3A_42 : memref<128xi32, #tpu.memory_space<hbm>>) dst(%arg8 : memref<128xi32, #tpu.memory_space<vmem>>)
      tpu.yield
    }) : () -> ()
    "tpu.region"() ({
      %run_scoped3A = tpu.sem_alloc : memref<!tpu.dma_semaphore, #tpu.memory_space<semaphore_mem>>
      %dma_start3A = arith.constant 0 : i32
      %dma_start3A_41 = arith.constant 0 : i32
      %dma_start3A_42 = tpu.memref_slice %arg11[%dma_start3A, %dma_start3A_41] : memref<10240x128xf32, #tpu.memory_space<vmem_shared>> -> memref<10240x128xf32, #tpu.memory_space<vmem_shared>>
      tpu.enqueue_indirect_dma source(%dma_start3A_42 : memref<10240x128xf32, #tpu.memory_space<vmem_shared>>) target(%arg10 : memref<128x128xf32, #tpu.memory_space<vmem>>) offsets(%arg8 : memref<128xi32, #tpu.memory_space<vmem>>) semaphore(%run_scoped3A : memref<!tpu.dma_semaphore, #tpu.memory_space<semaphore_mem>>)
      %dma_wait3A = arith.constant 0 : i32
      %dma_wait3A_43 = arith.constant 0 : i32
      %dma_wait3A_44 = tpu.memref_slice %arg11[%dma_wait3A, %dma_wait3A_43] : memref<10240x128xf32, #tpu.memory_space<vmem_shared>> -> memref<10240x128xf32, #tpu.memory_space<vmem_shared>>
      tpu.wait_indirect_dma semaphore(%run_scoped3A : memref<!tpu.dma_semaphore, #tpu.memory_space<semaphore_mem>>) src(%dma_wait3A_44 : memref<10240x128xf32, #tpu.memory_space<vmem_shared>>) dst(%arg10 : memref<128x128xf32, #tpu.memory_space<vmem>>)
      tpu.yield
    }) : () -> ()
    %add3A_35 = arith.constant 384 : i32
    %add3A_36 = arith.addi %mul3A_2, %add3A_35 : i32
    "tpu.region"() ({
      %run_scoped3A = tpu.sem_alloc : memref<!tpu.dma_semaphore, #tpu.memory_space<semaphore_mem>>
      %dma_start3A = arith.constant 0 : i32
      %dma_start3A_41 = tpu.memref_slice %arg7[%arg0, %add3A_36, %dma_start3A] : memref<2x10240x128xf32, #tpu.memory_space<hbm>> -> memref<1x128x128xf32, #tpu.memory_space<hbm>>
      %dma_start3A_42 = tpu.memref_squeeze %dma_start3A_41 : memref<1x128x128xf32, #tpu.memory_space<hbm>> -> memref<128x128xf32, #tpu.memory_space<hbm>>
      %dma_start3A_43 = arith.constant 0 : i32
      %dma_start3A_44 = tpu.memref_slice %arg7[%arg0, %add3A_36, %dma_start3A_43] : memref<2x10240x128xf32, #tpu.memory_space<hbm>> -> memref<1x128x128xf32, #tpu.memory_space<hbm>>
      %dma_start3A_45 = tpu.memref_squeeze %dma_start3A_44 : memref<1x128x128xf32, #tpu.memory_space<hbm>> -> memref<128x128xf32, #tpu.memory_space<hbm>>
      tpu.enqueue_dma source(%arg10 : memref<128x128xf32, #tpu.memory_space<vmem>>) target(%dma_start3A_45 : memref<128x128xf32, #tpu.memory_space<hbm>>) target_semaphore(%run_scoped3A : memref<!tpu.dma_semaphore, #tpu.memory_space<semaphore_mem>>)
      %dma_wait3A = arith.constant 0 : i32
      %dma_wait3A_46 = tpu.memref_slice %arg7[%arg0, %add3A_36, %dma_wait3A] : memref<2x10240x128xf32, #tpu.memory_space<hbm>> -> memref<1x128x128xf32, #tpu.memory_space<hbm>>
      %dma_wait3A_47 = tpu.memref_squeeze %dma_wait3A_46 : memref<1x128x128xf32, #tpu.memory_space<hbm>> -> memref<128x128xf32, #tpu.memory_space<hbm>>
      %dma_wait3A_48 = arith.constant 0 : i32
      %dma_wait3A_49 = tpu.memref_slice %arg7[%arg0, %add3A_36, %dma_wait3A_48] : memref<2x10240x128xf32, #tpu.memory_space<hbm>> -> memref<1x128x128xf32, #tpu.memory_space<hbm>>
      %dma_wait3A_50 = tpu.memref_squeeze %dma_wait3A_49 : memref<1x128x128xf32, #tpu.memory_space<hbm>> -> memref<128x128xf32, #tpu.memory_space<hbm>>
      tpu.wait_dma2 semaphore(%run_scoped3A : memref<!tpu.dma_semaphore, #tpu.memory_space<semaphore_mem>>) src(%arg10 : memref<128x128xf32, #tpu.memory_space<vmem>>) dst(%dma_wait3A_50 : memref<128x128xf32, #tpu.memory_space<hbm>>)
      tpu.yield
    }) : () -> ()
    %add3A_37 = arith.constant 512 : i32
    %add3A_38 = arith.addi %mul3A_2, %add3A_37 : i32
    "tpu.region"() ({
      %run_scoped3A = tpu.sem_alloc : memref<!tpu.dma_semaphore, #tpu.memory_space<semaphore_mem>>
      %dma_start3A = tpu.memref_slice %arg5[%add3A_38] : memref<10240xi32, #tpu.memory_space<hbm>> -> memref<128xi32, #tpu.memory_space<hbm>>
      %dma_start3A_41 = tpu.memref_slice %arg5[%add3A_38] : memref<10240xi32, #tpu.memory_space<hbm>> -> memref<128xi32, #tpu.memory_space<hbm>>
      tpu.enqueue_dma source(%dma_start3A_41 : memref<128xi32, #tpu.memory_space<hbm>>) target(%arg8 : memref<128xi32, #tpu.memory_space<vmem>>) target_semaphore(%run_scoped3A : memref<!tpu.dma_semaphore, #tpu.memory_space<semaphore_mem>>)
      %dma_wait3A = tpu.memref_slice %arg5[%add3A_38] : memref<10240xi32, #tpu.memory_space<hbm>> -> memref<128xi32, #tpu.memory_space<hbm>>
      %dma_wait3A_42 = tpu.memref_slice %arg5[%add3A_38] : memref<10240xi32, #tpu.memory_space<hbm>> -> memref<128xi32, #tpu.memory_space<hbm>>
      tpu.wait_dma2 semaphore(%run_scoped3A : memref<!tpu.dma_semaphore, #tpu.memory_space<semaphore_mem>>) src(%dma_wait3A_42 : memref<128xi32, #tpu.memory_space<hbm>>) dst(%arg8 : memref<128xi32, #tpu.memory_space<vmem>>)
      tpu.yield
    }) : () -> ()
    "tpu.region"() ({
      %run_scoped3A = tpu.sem_alloc : memref<!tpu.dma_semaphore, #tpu.memory_space<semaphore_mem>>
      %dma_start3A = arith.constant 0 : i32
      %dma_start3A_41 = arith.constant 0 : i32
      %dma_start3A_42 = tpu.memref_slice %arg11[%dma_start3A, %dma_start3A_41] : memref<10240x128xf32, #tpu.memory_space<vmem_shared>> -> memref<10240x128xf32, #tpu.memory_space<vmem_shared>>
      tpu.enqueue_indirect_dma source(%dma_start3A_42 : memref<10240x128xf32, #tpu.memory_space<vmem_shared>>) target(%arg10 : memref<128x128xf32, #tpu.memory_space<vmem>>) offsets(%arg8 : memref<128xi32, #tpu.memory_space<vmem>>) semaphore(%run_scoped3A : memref<!tpu.dma_semaphore, #tpu.memory_space<semaphore_mem>>)
      %dma_wait3A = arith.constant 0 : i32
      %dma_wait3A_43 = arith.constant 0 : i32
      %dma_wait3A_44 = tpu.memref_slice %arg11[%dma_wait3A, %dma_wait3A_43] : memref<10240x128xf32, #tpu.memory_space<vmem_shared>> -> memref<10240x128xf32, #tpu.memory_space<vmem_shared>>
      tpu.wait_indirect_dma semaphore(%run_scoped3A : memref<!tpu.dma_semaphore, #tpu.memory_space<semaphore_mem>>) src(%dma_wait3A_44 : memref<10240x128xf32, #tpu.memory_space<vmem_shared>>) dst(%arg10 : memref<128x128xf32, #tpu.memory_space<vmem>>)
      tpu.yield
    }) : () -> ()
    %add3A_39 = arith.constant 512 : i32
    %add3A_40 = arith.addi %mul3A_2, %add3A_39 : i32
    "tpu.region"() ({
      %run_scoped3A = tpu.sem_alloc : memref<!tpu.dma_semaphore, #tpu.memory_space<semaphore_mem>>
      %dma_start3A = arith.constant 0 : i32
      %dma_start3A_41 = tpu.memref_slice %arg7[%arg0, %add3A_40, %dma_start3A] : memref<2x10240x128xf32, #tpu.memory_space<hbm>> -> memref<1x128x128xf32, #tpu.memory_space<hbm>>
      %dma_start3A_42 = tpu.memref_squeeze %dma_start3A_41 : memref<1x128x128xf32, #tpu.memory_space<hbm>> -> memref<128x128xf32, #tpu.memory_space<hbm>>
      %dma_start3A_43 = arith.constant 0 : i32
      %dma_start3A_44 = tpu.memref_slice %arg7[%arg0, %add3A_40, %dma_start3A_43] : memref<2x10240x128xf32, #tpu.memory_space<hbm>> -> memref<1x128x128xf32, #tpu.memory_space<hbm>>
      %dma_start3A_45 = tpu.memref_squeeze %dma_start3A_44 : memref<1x128x128xf32, #tpu.memory_space<hbm>> -> memref<128x128xf32, #tpu.memory_space<hbm>>
      tpu.enqueue_dma source(%arg10 : memref<128x128xf32, #tpu.memory_space<vmem>>) target(%dma_start3A_45 : memref<128x128xf32, #tpu.memory_space<hbm>>) target_semaphore(%run_scoped3A : memref<!tpu.dma_semaphore, #tpu.memory_space<semaphore_mem>>)
      %dma_wait3A = arith.constant 0 : i32
      %dma_wait3A_46 = tpu.memref_slice %arg7[%arg0, %add3A_40, %dma_wait3A] : memref<2x10240x128xf32, #tpu.memory_space<hbm>> -> memref<1x128x128xf32, #tpu.memory_space<hbm>>
      %dma_wait3A_47 = tpu.memref_squeeze %dma_wait3A_46 : memref<1x128x128xf32, #tpu.memory_space<hbm>> -> memref<128x128xf32, #tpu.memory_space<hbm>>
      %dma_wait3A_48 = arith.constant 0 : i32
      %dma_wait3A_49 = tpu.memref_slice %arg7[%arg0, %add3A_40, %dma_wait3A_48] : memref<2x10240x128xf32, #tpu.memory_space<hbm>> -> memref<1x128x128xf32, #tpu.memory_space<hbm>>
      %dma_wait3A_50 = tpu.memref_squeeze %dma_wait3A_49 : memref<1x128x128xf32, #tpu.memory_space<hbm>> -> memref<128x128xf32, #tpu.memory_space<hbm>>
      tpu.wait_dma2 semaphore(%run_scoped3A : memref<!tpu.dma_semaphore, #tpu.memory_space<semaphore_mem>>) src(%arg10 : memref<128x128xf32, #tpu.memory_space<vmem>>) dst(%dma_wait3A_50 : memref<128x128xf32, #tpu.memory_space<hbm>>)
      tpu.yield
    }) : () -> ()
    return
  }
}

#map = affine_map<(d0, d1) -> (0, 0)>
#map1 = affine_map<(d0, d1) -> (0)>
#map2 = affine_map<(d0, d1) -> (0, 0, 0)>
module attributes {stable_mosaic.version = 14 : i64} {
  func.func @sage_segment_sum_sc(%arg0: i32, %arg1: i32, %arg2: memref<10000x128xf32, #tpu.memory_space<hbm>>, %arg3: memref<323584xi32, #tpu.memory_space<hbm>>, %arg4: memref<323584xi32, #tpu.memory_space<hbm>>, %arg5: memref<10240xi32, #tpu.memory_space<hbm>>, %arg6: memref<128x128xf32, #tpu.memory_space<hbm>>, %arg7: memref<2x10240x128xf32, #tpu.memory_space<hbm>>, %arg8: memref<128xi32, #tpu.memory_space<vmem>>, %arg9: memref<128xi32, #tpu.memory_space<vmem>>, %arg10: memref<128x128xf32, #tpu.memory_space<vmem>>, %arg11: memref<10240x128xf32, #tpu.memory_space<vmem_shared>>, %arg12: memref<!tpu.dma_semaphore, #tpu.memory_space<semaphore_mem>>, %arg13: memref<!tpu.dma_semaphore, #tpu.memory_space<semaphore_mem>>) attributes {dimension_semantics = [#tpu.dimension_semantics<core_parallel>, #tpu.dimension_semantics<subcore_parallel>], iteration_bounds = array<i64: 2, 16>, scalar_prefetch = 0 : i64, scratch_operands = 6 : i64, tpu.core_type = #tpu.core_type<sc_vector_subcore>, window_params = [{transform_indices = #map}, {transform_indices = #map1}, {transform_indices = #map1}, {transform_indices = #map1}, {transform_indices = #map}, {transform_indices = #map2}]} {
    %mul3A = arith.constant 16 : i32
    %mul3A_0 = arith.muli %arg0, %mul3A : i32
    %add3A = arith.addi %mul3A_0, %arg1 : i32
    %mul3A_1 = arith.constant 640 : i32
    %mul3A_2 = arith.muli %arg1, %mul3A_1 : i32
    "tpu.region"() ({
      %run_scoped3A = tpu.sem_alloc : memref<!tpu.dma_semaphore, #tpu.memory_space<semaphore_mem>>
      tpu.enqueue_dma source(%arg6 : memref<128x128xf32, #tpu.memory_space<hbm>>) target(%arg10 : memref<128x128xf32, #tpu.memory_space<vmem>>) target_semaphore(%run_scoped3A : memref<!tpu.dma_semaphore, #tpu.memory_space<semaphore_mem>>)
      tpu.wait_dma2 semaphore(%run_scoped3A : memref<!tpu.dma_semaphore, #tpu.memory_space<semaphore_mem>>) src(%arg6 : memref<128x128xf32, #tpu.memory_space<hbm>>) dst(%arg10 : memref<128x128xf32, #tpu.memory_space<vmem>>)
      tpu.yield
    }) : () -> ()
    %add3A_3 = arith.constant 0 : i32
    %add3A_4 = arith.addi %mul3A_2, %add3A_3 : i32
    "tpu.region"() ({
      %run_scoped3A = tpu.sem_alloc : memref<!tpu.dma_semaphore, #tpu.memory_space<semaphore_mem>>
      %dma_start3A = tpu.memref_slice %arg5[%add3A_4] : memref<10240xi32, #tpu.memory_space<hbm>> -> memref<128xi32, #tpu.memory_space<hbm>>
      %dma_start3A_41 = tpu.memref_slice %arg5[%add3A_4] : memref<10240xi32, #tpu.memory_space<hbm>> -> memref<128xi32, #tpu.memory_space<hbm>>
      tpu.enqueue_dma source(%dma_start3A_41 : memref<128xi32, #tpu.memory_space<hbm>>) target(%arg8 : memref<128xi32, #tpu.memory_space<vmem>>) target_semaphore(%run_scoped3A : memref<!tpu.dma_semaphore, #tpu.memory_space<semaphore_mem>>)
      %dma_wait3A = tpu.memref_slice %arg5[%add3A_4] : memref<10240xi32, #tpu.memory_space<hbm>> -> memref<128xi32, #tpu.memory_space<hbm>>
      %dma_wait3A_42 = tpu.memref_slice %arg5[%add3A_4] : memref<10240xi32, #tpu.memory_space<hbm>> -> memref<128xi32, #tpu.memory_space<hbm>>
      tpu.wait_dma2 semaphore(%run_scoped3A : memref<!tpu.dma_semaphore, #tpu.memory_space<semaphore_mem>>) src(%dma_wait3A_42 : memref<128xi32, #tpu.memory_space<hbm>>) dst(%arg8 : memref<128xi32, #tpu.memory_space<vmem>>)
      tpu.yield
    }) : () -> ()
    "tpu.region"() ({
      %run_scoped3A = tpu.sem_alloc : memref<!tpu.dma_semaphore, #tpu.memory_space<semaphore_mem>>
      %dma_start3A = arith.constant 0 : i32
      %dma_start3A_41 = arith.constant 0 : i32
      %dma_start3A_42 = tpu.memref_slice %arg11[%dma_start3A, %dma_start3A_41] : memref<10240x128xf32, #tpu.memory_space<vmem_shared>> -> memref<10240x128xf32, #tpu.memory_space<vmem_shared>>
      tpu.enqueue_indirect_dma source(%arg10 : memref<128x128xf32, #tpu.memory_space<vmem>>) target(%dma_start3A_42 : memref<10240x128xf32, #tpu.memory_space<vmem_shared>>) offsets(%arg8 : memref<128xi32, #tpu.memory_space<vmem>>) semaphore(%run_scoped3A : memref<!tpu.dma_semaphore, #tpu.memory_space<semaphore_mem>>)
      %dma_wait3A = arith.constant 0 : i32
      %dma_wait3A_43 = arith.constant 0 : i32
      %dma_wait3A_44 = tpu.memref_slice %arg11[%dma_wait3A, %dma_wait3A_43] : memref<10240x128xf32, #tpu.memory_space<vmem_shared>> -> memref<10240x128xf32, #tpu.memory_space<vmem_shared>>
      tpu.wait_indirect_dma semaphore(%run_scoped3A : memref<!tpu.dma_semaphore, #tpu.memory_space<semaphore_mem>>) src(%arg10 : memref<128x128xf32, #tpu.memory_space<vmem>>) dst(%dma_wait3A_44 : memref<10240x128xf32, #tpu.memory_space<vmem_shared>>)
      tpu.yield
    }) : () -> ()
    %add3A_5 = arith.constant 128 : i32
    %add3A_6 = arith.addi %mul3A_2, %add3A_5 : i32
    "tpu.region"() ({
      %run_scoped3A = tpu.sem_alloc : memref<!tpu.dma_semaphore, #tpu.memory_space<semaphore_mem>>
      %dma_start3A = tpu.memref_slice %arg5[%add3A_6] : memref<10240xi32, #tpu.memory_space<hbm>> -> memref<128xi32, #tpu.memory_space<hbm>>
      %dma_start3A_41 = tpu.memref_slice %arg5[%add3A_6] : memref<10240xi32, #tpu.memory_space<hbm>> -> memref<128xi32, #tpu.memory_space<hbm>>
      tpu.enqueue_dma source(%dma_start3A_41 : memref<128xi32, #tpu.memory_space<hbm>>) target(%arg8 : memref<128xi32, #tpu.memory_space<vmem>>) target_semaphore(%run_scoped3A : memref<!tpu.dma_semaphore, #tpu.memory_space<semaphore_mem>>)
      %dma_wait3A = tpu.memref_slice %arg5[%add3A_6] : memref<10240xi32, #tpu.memory_space<hbm>> -> memref<128xi32, #tpu.memory_space<hbm>>
      %dma_wait3A_42 = tpu.memref_slice %arg5[%add3A_6] : memref<10240xi32, #tpu.memory_space<hbm>> -> memref<128xi32, #tpu.memory_space<hbm>>
      tpu.wait_dma2 semaphore(%run_scoped3A : memref<!tpu.dma_semaphore, #tpu.memory_space<semaphore_mem>>) src(%dma_wait3A_42 : memref<128xi32, #tpu.memory_space<hbm>>) dst(%arg8 : memref<128xi32, #tpu.memory_space<vmem>>)
      tpu.yield
    }) : () -> ()
    "tpu.region"() ({
      %run_scoped3A = tpu.sem_alloc : memref<!tpu.dma_semaphore, #tpu.memory_space<semaphore_mem>>
      %dma_start3A = arith.constant 0 : i32
      %dma_start3A_41 = arith.constant 0 : i32
      %dma_start3A_42 = tpu.memref_slice %arg11[%dma_start3A, %dma_start3A_41] : memref<10240x128xf32, #tpu.memory_space<vmem_shared>> -> memref<10240x128xf32, #tpu.memory_space<vmem_shared>>
      tpu.enqueue_indirect_dma source(%arg10 : memref<128x128xf32, #tpu.memory_space<vmem>>) target(%dma_start3A_42 : memref<10240x128xf32, #tpu.memory_space<vmem_shared>>) offsets(%arg8 : memref<128xi32, #tpu.memory_space<vmem>>) semaphore(%run_scoped3A : memref<!tpu.dma_semaphore, #tpu.memory_space<semaphore_mem>>)
      %dma_wait3A = arith.constant 0 : i32
      %dma_wait3A_43 = arith.constant 0 : i32
      %dma_wait3A_44 = tpu.memref_slice %arg11[%dma_wait3A, %dma_wait3A_43] : memref<10240x128xf32, #tpu.memory_space<vmem_shared>> -> memref<10240x128xf32, #tpu.memory_space<vmem_shared>>
      tpu.wait_indirect_dma semaphore(%run_scoped3A : memref<!tpu.dma_semaphore, #tpu.memory_space<semaphore_mem>>) src(%arg10 : memref<128x128xf32, #tpu.memory_space<vmem>>) dst(%dma_wait3A_44 : memref<10240x128xf32, #tpu.memory_space<vmem_shared>>)
      tpu.yield
    }) : () -> ()
    %add3A_7 = arith.constant 256 : i32
    %add3A_8 = arith.addi %mul3A_2, %add3A_7 : i32
    "tpu.region"() ({
      %run_scoped3A = tpu.sem_alloc : memref<!tpu.dma_semaphore, #tpu.memory_space<semaphore_mem>>
      %dma_start3A = tpu.memref_slice %arg5[%add3A_8] : memref<10240xi32, #tpu.memory_space<hbm>> -> memref<128xi32, #tpu.memory_space<hbm>>
      %dma_start3A_41 = tpu.memref_slice %arg5[%add3A_8] : memref<10240xi32, #tpu.memory_space<hbm>> -> memref<128xi32, #tpu.memory_space<hbm>>
      tpu.enqueue_dma source(%dma_start3A_41 : memref<128xi32, #tpu.memory_space<hbm>>) target(%arg8 : memref<128xi32, #tpu.memory_space<vmem>>) target_semaphore(%run_scoped3A : memref<!tpu.dma_semaphore, #tpu.memory_space<semaphore_mem>>)
      %dma_wait3A = tpu.memref_slice %arg5[%add3A_8] : memref<10240xi32, #tpu.memory_space<hbm>> -> memref<128xi32, #tpu.memory_space<hbm>>
      %dma_wait3A_42 = tpu.memref_slice %arg5[%add3A_8] : memref<10240xi32, #tpu.memory_space<hbm>> -> memref<128xi32, #tpu.memory_space<hbm>>
      tpu.wait_dma2 semaphore(%run_scoped3A : memref<!tpu.dma_semaphore, #tpu.memory_space<semaphore_mem>>) src(%dma_wait3A_42 : memref<128xi32, #tpu.memory_space<hbm>>) dst(%arg8 : memref<128xi32, #tpu.memory_space<vmem>>)
      tpu.yield
    }) : () -> ()
    "tpu.region"() ({
      %run_scoped3A = tpu.sem_alloc : memref<!tpu.dma_semaphore, #tpu.memory_space<semaphore_mem>>
      %dma_start3A = arith.constant 0 : i32
      %dma_start3A_41 = arith.constant 0 : i32
      %dma_start3A_42 = tpu.memref_slice %arg11[%dma_start3A, %dma_start3A_41] : memref<10240x128xf32, #tpu.memory_space<vmem_shared>> -> memref<10240x128xf32, #tpu.memory_space<vmem_shared>>
      tpu.enqueue_indirect_dma source(%arg10 : memref<128x128xf32, #tpu.memory_space<vmem>>) target(%dma_start3A_42 : memref<10240x128xf32, #tpu.memory_space<vmem_shared>>) offsets(%arg8 : memref<128xi32, #tpu.memory_space<vmem>>) semaphore(%run_scoped3A : memref<!tpu.dma_semaphore, #tpu.memory_space<semaphore_mem>>)
      %dma_wait3A = arith.constant 0 : i32
      %dma_wait3A_43 = arith.constant 0 : i32
      %dma_wait3A_44 = tpu.memref_slice %arg11[%dma_wait3A, %dma_wait3A_43] : memref<10240x128xf32, #tpu.memory_space<vmem_shared>> -> memref<10240x128xf32, #tpu.memory_space<vmem_shared>>
      tpu.wait_indirect_dma semaphore(%run_scoped3A : memref<!tpu.dma_semaphore, #tpu.memory_space<semaphore_mem>>) src(%arg10 : memref<128x128xf32, #tpu.memory_space<vmem>>) dst(%dma_wait3A_44 : memref<10240x128xf32, #tpu.memory_space<vmem_shared>>)
      tpu.yield
    }) : () -> ()
    %add3A_9 = arith.constant 384 : i32
    %add3A_10 = arith.addi %mul3A_2, %add3A_9 : i32
    "tpu.region"() ({
      %run_scoped3A = tpu.sem_alloc : memref<!tpu.dma_semaphore, #tpu.memory_space<semaphore_mem>>
      %dma_start3A = tpu.memref_slice %arg5[%add3A_10] : memref<10240xi32, #tpu.memory_space<hbm>> -> memref<128xi32, #tpu.memory_space<hbm>>
      %dma_start3A_41 = tpu.memref_slice %arg5[%add3A_10] : memref<10240xi32, #tpu.memory_space<hbm>> -> memref<128xi32, #tpu.memory_space<hbm>>
      tpu.enqueue_dma source(%dma_start3A_41 : memref<128xi32, #tpu.memory_space<hbm>>) target(%arg8 : memref<128xi32, #tpu.memory_space<vmem>>) target_semaphore(%run_scoped3A : memref<!tpu.dma_semaphore, #tpu.memory_space<semaphore_mem>>)
      %dma_wait3A = tpu.memref_slice %arg5[%add3A_10] : memref<10240xi32, #tpu.memory_space<hbm>> -> memref<128xi32, #tpu.memory_space<hbm>>
      %dma_wait3A_42 = tpu.memref_slice %arg5[%add3A_10] : memref<10240xi32, #tpu.memory_space<hbm>> -> memref<128xi32, #tpu.memory_space<hbm>>
      tpu.wait_dma2 semaphore(%run_scoped3A : memref<!tpu.dma_semaphore, #tpu.memory_space<semaphore_mem>>) src(%dma_wait3A_42 : memref<128xi32, #tpu.memory_space<hbm>>) dst(%arg8 : memref<128xi32, #tpu.memory_space<vmem>>)
      tpu.yield
    }) : () -> ()
    "tpu.region"() ({
      %run_scoped3A = tpu.sem_alloc : memref<!tpu.dma_semaphore, #tpu.memory_space<semaphore_mem>>
      %dma_start3A = arith.constant 0 : i32
      %dma_start3A_41 = arith.constant 0 : i32
      %dma_start3A_42 = tpu.memref_slice %arg11[%dma_start3A, %dma_start3A_41] : memref<10240x128xf32, #tpu.memory_space<vmem_shared>> -> memref<10240x128xf32, #tpu.memory_space<vmem_shared>>
      tpu.enqueue_indirect_dma source(%arg10 : memref<128x128xf32, #tpu.memory_space<vmem>>) target(%dma_start3A_42 : memref<10240x128xf32, #tpu.memory_space<vmem_shared>>) offsets(%arg8 : memref<128xi32, #tpu.memory_space<vmem>>) semaphore(%run_scoped3A : memref<!tpu.dma_semaphore, #tpu.memory_space<semaphore_mem>>)
      %dma_wait3A = arith.constant 0 : i32
      %dma_wait3A_43 = arith.constant 0 : i32
      %dma_wait3A_44 = tpu.memref_slice %arg11[%dma_wait3A, %dma_wait3A_43] : memref<10240x128xf32, #tpu.memory_space<vmem_shared>> -> memref<10240x128xf32, #tpu.memory_space<vmem_shared>>
      tpu.wait_indirect_dma semaphore(%run_scoped3A : memref<!tpu.dma_semaphore, #tpu.memory_space<semaphore_mem>>) src(%arg10 : memref<128x128xf32, #tpu.memory_space<vmem>>) dst(%dma_wait3A_44 : memref<10240x128xf32, #tpu.memory_space<vmem_shared>>)
      tpu.yield
    }) : () -> ()
    %add3A_11 = arith.constant 512 : i32
    %add3A_12 = arith.addi %mul3A_2, %add3A_11 : i32
    "tpu.region"() ({
      %run_scoped3A = tpu.sem_alloc : memref<!tpu.dma_semaphore, #tpu.memory_space<semaphore_mem>>
      %dma_start3A = tpu.memref_slice %arg5[%add3A_12] : memref<10240xi32, #tpu.memory_space<hbm>> -> memref<128xi32, #tpu.memory_space<hbm>>
      %dma_start3A_41 = tpu.memref_slice %arg5[%add3A_12] : memref<10240xi32, #tpu.memory_space<hbm>> -> memref<128xi32, #tpu.memory_space<hbm>>
      tpu.enqueue_dma source(%dma_start3A_41 : memref<128xi32, #tpu.memory_space<hbm>>) target(%arg8 : memref<128xi32, #tpu.memory_space<vmem>>) target_semaphore(%run_scoped3A : memref<!tpu.dma_semaphore, #tpu.memory_space<semaphore_mem>>)
      %dma_wait3A = tpu.memref_slice %arg5[%add3A_12] : memref<10240xi32, #tpu.memory_space<hbm>> -> memref<128xi32, #tpu.memory_space<hbm>>
      %dma_wait3A_42 = tpu.memref_slice %arg5[%add3A_12] : memref<10240xi32, #tpu.memory_space<hbm>> -> memref<128xi32, #tpu.memory_space<hbm>>
      tpu.wait_dma2 semaphore(%run_scoped3A : memref<!tpu.dma_semaphore, #tpu.memory_space<semaphore_mem>>) src(%dma_wait3A_42 : memref<128xi32, #tpu.memory_space<hbm>>) dst(%arg8 : memref<128xi32, #tpu.memory_space<vmem>>)
      tpu.yield
    }) : () -> ()
    "tpu.region"() ({
      %run_scoped3A = tpu.sem_alloc : memref<!tpu.dma_semaphore, #tpu.memory_space<semaphore_mem>>
      %dma_start3A = arith.constant 0 : i32
      %dma_start3A_41 = arith.constant 0 : i32
      %dma_start3A_42 = tpu.memref_slice %arg11[%dma_start3A, %dma_start3A_41] : memref<10240x128xf32, #tpu.memory_space<vmem_shared>> -> memref<10240x128xf32, #tpu.memory_space<vmem_shared>>
      tpu.enqueue_indirect_dma source(%arg10 : memref<128x128xf32, #tpu.memory_space<vmem>>) target(%dma_start3A_42 : memref<10240x128xf32, #tpu.memory_space<vmem_shared>>) offsets(%arg8 : memref<128xi32, #tpu.memory_space<vmem>>) semaphore(%run_scoped3A : memref<!tpu.dma_semaphore, #tpu.memory_space<semaphore_mem>>)
      %dma_wait3A = arith.constant 0 : i32
      %dma_wait3A_43 = arith.constant 0 : i32
      %dma_wait3A_44 = tpu.memref_slice %arg11[%dma_wait3A, %dma_wait3A_43] : memref<10240x128xf32, #tpu.memory_space<vmem_shared>> -> memref<10240x128xf32, #tpu.memory_space<vmem_shared>>
      tpu.wait_indirect_dma semaphore(%run_scoped3A : memref<!tpu.dma_semaphore, #tpu.memory_space<semaphore_mem>>) src(%arg10 : memref<128x128xf32, #tpu.memory_space<vmem>>) dst(%dma_wait3A_44 : memref<10240x128xf32, #tpu.memory_space<vmem_shared>>)
      tpu.yield
    }) : () -> ()
    %barrier3A = arith.constant 0 : index
    tpu.barrier barrier_id(%barrier3A)
    %mul3A_13 = arith.constant 10112 : i32
    %mul3A_14 = arith.muli %add3A, %mul3A_13 : i32
    %scan3A = arith.constant 0 : i32
    %scan3A_15 = arith.constant 0 : i32
    %scan3A_16 = arith.constant 79 : i32
    %scan3A_17 = arith.addi %scan3A_15, %scan3A_16 : i32
    %scan3A_18 = arith.constant 1 : i32
    scf.for %scan3A_41 = %scan3A_15 to %scan3A_17 step %scan3A_18  : i32 {
      %mul3A_42 = arith.constant 128 : i32
      %mul3A_43 = arith.muli %scan3A_41, %mul3A_42 : i32
      %add3A_44 = arith.addi %mul3A_14, %mul3A_43 : i32
      "tpu.region"() ({
        %run_scoped3A = tpu.sem_alloc : memref<!tpu.dma_semaphore, #tpu.memory_space<semaphore_mem>>
        %dma_start3A_53 = tpu.memref_slice %arg3[%add3A_44] : memref<323584xi32, #tpu.memory_space<hbm>> -> memref<128xi32, #tpu.memory_space<hbm>>
        %dma_start3A_54 = tpu.memref_slice %arg3[%add3A_44] : memref<323584xi32, #tpu.memory_space<hbm>> -> memref<128xi32, #tpu.memory_space<hbm>>
        tpu.enqueue_dma source(%dma_start3A_54 : memref<128xi32, #tpu.memory_space<hbm>>) target(%arg8 : memref<128xi32, #tpu.memory_space<vmem>>) target_semaphore(%run_scoped3A : memref<!tpu.dma_semaphore, #tpu.memory_space<semaphore_mem>>)
        %dma_wait3A_55 = tpu.memref_slice %arg3[%add3A_44] : memref<323584xi32, #tpu.memory_space<hbm>> -> memref<128xi32, #tpu.memory_space<hbm>>
        %dma_wait3A_56 = tpu.memref_slice %arg3[%add3A_44] : memref<323584xi32, #tpu.memory_space<hbm>> -> memref<128xi32, #tpu.memory_space<hbm>>
        tpu.wait_dma2 semaphore(%run_scoped3A : memref<!tpu.dma_semaphore, #tpu.memory_space<semaphore_mem>>) src(%dma_wait3A_56 : memref<128xi32, #tpu.memory_space<hbm>>) dst(%arg8 : memref<128xi32, #tpu.memory_space<vmem>>)
        tpu.yield
      }) : () -> ()
      %dma_start3A = tpu.memref_slice %arg4[%add3A_44] : memref<323584xi32, #tpu.memory_space<hbm>> -> memref<128xi32, #tpu.memory_space<hbm>>
      %dma_start3A_45 = tpu.memref_slice %arg4[%add3A_44] : memref<323584xi32, #tpu.memory_space<hbm>> -> memref<128xi32, #tpu.memory_space<hbm>>
      tpu.enqueue_dma source(%dma_start3A_45 : memref<128xi32, #tpu.memory_space<hbm>>) target(%arg9 : memref<128xi32, #tpu.memory_space<vmem>>) target_semaphore(%arg13 : memref<!tpu.dma_semaphore, #tpu.memory_space<semaphore_mem>>)
      %dma_start3A_46 = arith.constant 0 : i32
      %dma_start3A_47 = arith.constant 0 : i32
      %dma_start3A_48 = tpu.memref_slice %arg2[%dma_start3A_46, %dma_start3A_47] : memref<10000x128xf32, #tpu.memory_space<hbm>> -> memref<10000x128xf32, #tpu.memory_space<hbm>>
      tpu.enqueue_indirect_dma source(%dma_start3A_48 : memref<10000x128xf32, #tpu.memory_space<hbm>>) target(%arg10 : memref<128x128xf32, #tpu.memory_space<vmem>>) offsets(%arg8 : memref<128xi32, #tpu.memory_space<vmem>>) semaphore(%arg12 : memref<!tpu.dma_semaphore, #tpu.memory_space<semaphore_mem>>)
      %dma_wait3A = arith.constant 0 : i32
      %dma_wait3A_49 = arith.constant 0 : i32
      %dma_wait3A_50 = tpu.memref_slice %arg2[%dma_wait3A, %dma_wait3A_49] : memref<10000x128xf32, #tpu.memory_space<hbm>> -> memref<10000x128xf32, #tpu.memory_space<hbm>>
      tpu.wait_indirect_dma semaphore(%arg12 : memref<!tpu.dma_semaphore, #tpu.memory_space<semaphore_mem>>) src(%dma_wait3A_50 : memref<10000x128xf32, #tpu.memory_space<hbm>>) dst(%arg10 : memref<128x128xf32, #tpu.memory_space<vmem>>)
      %dma_wait3A_51 = tpu.memref_slice %arg4[%add3A_44] : memref<323584xi32, #tpu.memory_space<hbm>> -> memref<128xi32, #tpu.memory_space<hbm>>
      %dma_wait3A_52 = tpu.memref_slice %arg4[%add3A_44] : memref<323584xi32, #tpu.memory_space<hbm>> -> memref<128xi32, #tpu.memory_space<hbm>>
      tpu.wait_dma2 semaphore(%arg13 : memref<!tpu.dma_semaphore, #tpu.memory_space<semaphore_mem>>) src(%dma_wait3A_52 : memref<128xi32, #tpu.memory_space<hbm>>) dst(%arg9 : memref<128xi32, #tpu.memory_space<vmem>>)
      "tpu.region"() ({
        %run_scoped3A = tpu.sem_alloc : memref<!tpu.dma_semaphore, #tpu.memory_space<semaphore_mem>>
        %dma_start3A_53 = arith.constant 0 : i32
        %dma_start3A_54 = arith.constant 0 : i32
        %dma_start3A_55 = tpu.memref_slice %arg11[%dma_start3A_53, %dma_start3A_54] : memref<10240x128xf32, #tpu.memory_space<vmem_shared>> -> memref<10240x128xf32, #tpu.memory_space<vmem_shared>>
        tpu.enqueue_indirect_dma source(%arg10 : memref<128x128xf32, #tpu.memory_space<vmem>>) target(%dma_start3A_55 : memref<10240x128xf32, #tpu.memory_space<vmem_shared>>) offsets(%arg9 : memref<128xi32, #tpu.memory_space<vmem>>) semaphore(%run_scoped3A : memref<!tpu.dma_semaphore, #tpu.memory_space<semaphore_mem>>) {add = true}
        %dma_wait3A_56 = arith.constant 0 : i32
        %dma_wait3A_57 = arith.constant 0 : i32
        %dma_wait3A_58 = tpu.memref_slice %arg11[%dma_wait3A_56, %dma_wait3A_57] : memref<10240x128xf32, #tpu.memory_space<vmem_shared>> -> memref<10240x128xf32, #tpu.memory_space<vmem_shared>>
        tpu.wait_indirect_dma semaphore(%run_scoped3A : memref<!tpu.dma_semaphore, #tpu.memory_space<semaphore_mem>>) src(%arg10 : memref<128x128xf32, #tpu.memory_space<vmem>>) dst(%dma_wait3A_58 : memref<10240x128xf32, #tpu.memory_space<vmem_shared>>)
        tpu.yield
      }) : () -> ()
    }
    %scan3A_19 = arith.constant 79 : i32
    %barrier3A_20 = arith.constant 0 : index
    tpu.barrier barrier_id(%barrier3A_20)
    %add3A_21 = arith.constant 0 : i32
    %add3A_22 = arith.addi %mul3A_2, %add3A_21 : i32
    "tpu.region"() ({
      %run_scoped3A = tpu.sem_alloc : memref<!tpu.dma_semaphore, #tpu.memory_space<semaphore_mem>>
      %dma_start3A = tpu.memref_slice %arg5[%add3A_22] : memref<10240xi32, #tpu.memory_space<hbm>> -> memref<128xi32, #tpu.memory_space<hbm>>
      %dma_start3A_41 = tpu.memref_slice %arg5[%add3A_22] : memref<10240xi32, #tpu.memory_space<hbm>> -> memref<128xi32, #tpu.memory_space<hbm>>
      tpu.enqueue_dma source(%dma_start3A_41 : memref<128xi32, #tpu.memory_space<hbm>>) target(%arg8 : memref<128xi32, #tpu.memory_space<vmem>>) target_semaphore(%run_scoped3A : memref<!tpu.dma_semaphore, #tpu.memory_space<semaphore_mem>>)
      %dma_wait3A = tpu.memref_slice %arg5[%add3A_22] : memref<10240xi32, #tpu.memory_space<hbm>> -> memref<128xi32, #tpu.memory_space<hbm>>
      %dma_wait3A_42 = tpu.memref_slice %arg5[%add3A_22] : memref<10240xi32, #tpu.memory_space<hbm>> -> memref<128xi32, #tpu.memory_space<hbm>>
      tpu.wait_dma2 semaphore(%run_scoped3A : memref<!tpu.dma_semaphore, #tpu.memory_space<semaphore_mem>>) src(%dma_wait3A_42 : memref<128xi32, #tpu.memory_space<hbm>>) dst(%arg8 : memref<128xi32, #tpu.memory_space<vmem>>)
      tpu.yield
    }) : () -> ()
    "tpu.region"() ({
      %run_scoped3A = tpu.sem_alloc : memref<!tpu.dma_semaphore, #tpu.memory_space<semaphore_mem>>
      %dma_start3A = arith.constant 0 : i32
      %dma_start3A_41 = arith.constant 0 : i32
      %dma_start3A_42 = tpu.memref_slice %arg11[%dma_start3A, %dma_start3A_41] : memref<10240x128xf32, #tpu.memory_space<vmem_shared>> -> memref<10240x128xf32, #tpu.memory_space<vmem_shared>>
      tpu.enqueue_indirect_dma source(%dma_start3A_42 : memref<10240x128xf32, #tpu.memory_space<vmem_shared>>) target(%arg10 : memref<128x128xf32, #tpu.memory_space<vmem>>) offsets(%arg8 : memref<128xi32, #tpu.memory_space<vmem>>) semaphore(%run_scoped3A : memref<!tpu.dma_semaphore, #tpu.memory_space<semaphore_mem>>)
      %dma_wait3A = arith.constant 0 : i32
      %dma_wait3A_43 = arith.constant 0 : i32
      %dma_wait3A_44 = tpu.memref_slice %arg11[%dma_wait3A, %dma_wait3A_43] : memref<10240x128xf32, #tpu.memory_space<vmem_shared>> -> memref<10240x128xf32, #tpu.memory_space<vmem_shared>>
      tpu.wait_indirect_dma semaphore(%run_scoped3A : memref<!tpu.dma_semaphore, #tpu.memory_space<semaphore_mem>>) src(%dma_wait3A_44 : memref<10240x128xf32, #tpu.memory_space<vmem_shared>>) dst(%arg10 : memref<128x128xf32, #tpu.memory_space<vmem>>)
      tpu.yield
    }) : () -> ()
    %add3A_23 = arith.constant 0 : i32
    %add3A_24 = arith.addi %mul3A_2, %add3A_23 : i32
    "tpu.region"() ({
      %run_scoped3A = tpu.sem_alloc : memref<!tpu.dma_semaphore, #tpu.memory_space<semaphore_mem>>
      %dma_start3A = arith.constant 0 : i32
      %dma_start3A_41 = tpu.memref_slice %arg7[%arg0, %add3A_24, %dma_start3A] : memref<2x10240x128xf32, #tpu.memory_space<hbm>> -> memref<1x128x128xf32, #tpu.memory_space<hbm>>
      %dma_start3A_42 = tpu.memref_squeeze %dma_start3A_41 : memref<1x128x128xf32, #tpu.memory_space<hbm>> -> memref<128x128xf32, #tpu.memory_space<hbm>>
      %dma_start3A_43 = arith.constant 0 : i32
      %dma_start3A_44 = tpu.memref_slice %arg7[%arg0, %add3A_24, %dma_start3A_43] : memref<2x10240x128xf32, #tpu.memory_space<hbm>> -> memref<1x128x128xf32, #tpu.memory_space<hbm>>
      %dma_start3A_45 = tpu.memref_squeeze %dma_start3A_44 : memref<1x128x128xf32, #tpu.memory_space<hbm>> -> memref<128x128xf32, #tpu.memory_space<hbm>>
      tpu.enqueue_dma source(%arg10 : memref<128x128xf32, #tpu.memory_space<vmem>>) target(%dma_start3A_45 : memref<128x128xf32, #tpu.memory_space<hbm>>) target_semaphore(%run_scoped3A : memref<!tpu.dma_semaphore, #tpu.memory_space<semaphore_mem>>)
      %dma_wait3A = arith.constant 0 : i32
      %dma_wait3A_46 = tpu.memref_slice %arg7[%arg0, %add3A_24, %dma_wait3A] : memref<2x10240x128xf32, #tpu.memory_space<hbm>> -> memref<1x128x128xf32, #tpu.memory_space<hbm>>
      %dma_wait3A_47 = tpu.memref_squeeze %dma_wait3A_46 : memref<1x128x128xf32, #tpu.memory_space<hbm>> -> memref<128x128xf32, #tpu.memory_space<hbm>>
      %dma_wait3A_48 = arith.constant 0 : i32
      %dma_wait3A_49 = tpu.memref_slice %arg7[%arg0, %add3A_24, %dma_wait3A_48] : memref<2x10240x128xf32, #tpu.memory_space<hbm>> -> memref<1x128x128xf32, #tpu.memory_space<hbm>>
      %dma_wait3A_50 = tpu.memref_squeeze %dma_wait3A_49 : memref<1x128x128xf32, #tpu.memory_space<hbm>> -> memref<128x128xf32, #tpu.memory_space<hbm>>
      tpu.wait_dma2 semaphore(%run_scoped3A : memref<!tpu.dma_semaphore, #tpu.memory_space<semaphore_mem>>) src(%arg10 : memref<128x128xf32, #tpu.memory_space<vmem>>) dst(%dma_wait3A_50 : memref<128x128xf32, #tpu.memory_space<hbm>>)
      tpu.yield
    }) : () -> ()
    %add3A_25 = arith.constant 128 : i32
    %add3A_26 = arith.addi %mul3A_2, %add3A_25 : i32
    "tpu.region"() ({
      %run_scoped3A = tpu.sem_alloc : memref<!tpu.dma_semaphore, #tpu.memory_space<semaphore_mem>>
      %dma_start3A = tpu.memref_slice %arg5[%add3A_26] : memref<10240xi32, #tpu.memory_space<hbm>> -> memref<128xi32, #tpu.memory_space<hbm>>
      %dma_start3A_41 = tpu.memref_slice %arg5[%add3A_26] : memref<10240xi32, #tpu.memory_space<hbm>> -> memref<128xi32, #tpu.memory_space<hbm>>
      tpu.enqueue_dma source(%dma_start3A_41 : memref<128xi32, #tpu.memory_space<hbm>>) target(%arg8 : memref<128xi32, #tpu.memory_space<vmem>>) target_semaphore(%run_scoped3A : memref<!tpu.dma_semaphore, #tpu.memory_space<semaphore_mem>>)
      %dma_wait3A = tpu.memref_slice %arg5[%add3A_26] : memref<10240xi32, #tpu.memory_space<hbm>> -> memref<128xi32, #tpu.memory_space<hbm>>
      %dma_wait3A_42 = tpu.memref_slice %arg5[%add3A_26] : memref<10240xi32, #tpu.memory_space<hbm>> -> memref<128xi32, #tpu.memory_space<hbm>>
      tpu.wait_dma2 semaphore(%run_scoped3A : memref<!tpu.dma_semaphore, #tpu.memory_space<semaphore_mem>>) src(%dma_wait3A_42 : memref<128xi32, #tpu.memory_space<hbm>>) dst(%arg8 : memref<128xi32, #tpu.memory_space<vmem>>)
      tpu.yield
    }) : () -> ()
    "tpu.region"() ({
      %run_scoped3A = tpu.sem_alloc : memref<!tpu.dma_semaphore, #tpu.memory_space<semaphore_mem>>
      %dma_start3A = arith.constant 0 : i32
      %dma_start3A_41 = arith.constant 0 : i32
      %dma_start3A_42 = tpu.memref_slice %arg11[%dma_start3A, %dma_start3A_41] : memref<10240x128xf32, #tpu.memory_space<vmem_shared>> -> memref<10240x128xf32, #tpu.memory_space<vmem_shared>>
      tpu.enqueue_indirect_dma source(%dma_start3A_42 : memref<10240x128xf32, #tpu.memory_space<vmem_shared>>) target(%arg10 : memref<128x128xf32, #tpu.memory_space<vmem>>) offsets(%arg8 : memref<128xi32, #tpu.memory_space<vmem>>) semaphore(%run_scoped3A : memref<!tpu.dma_semaphore, #tpu.memory_space<semaphore_mem>>)
      %dma_wait3A = arith.constant 0 : i32
      %dma_wait3A_43 = arith.constant 0 : i32
      %dma_wait3A_44 = tpu.memref_slice %arg11[%dma_wait3A, %dma_wait3A_43] : memref<10240x128xf32, #tpu.memory_space<vmem_shared>> -> memref<10240x128xf32, #tpu.memory_space<vmem_shared>>
      tpu.wait_indirect_dma semaphore(%run_scoped3A : memref<!tpu.dma_semaphore, #tpu.memory_space<semaphore_mem>>) src(%dma_wait3A_44 : memref<10240x128xf32, #tpu.memory_space<vmem_shared>>) dst(%arg10 : memref<128x128xf32, #tpu.memory_space<vmem>>)
      tpu.yield
    }) : () -> ()
    %add3A_27 = arith.constant 128 : i32
    %add3A_28 = arith.addi %mul3A_2, %add3A_27 : i32
    "tpu.region"() ({
      %run_scoped3A = tpu.sem_alloc : memref<!tpu.dma_semaphore, #tpu.memory_space<semaphore_mem>>
      %dma_start3A = arith.constant 0 : i32
      %dma_start3A_41 = tpu.memref_slice %arg7[%arg0, %add3A_28, %dma_start3A] : memref<2x10240x128xf32, #tpu.memory_space<hbm>> -> memref<1x128x128xf32, #tpu.memory_space<hbm>>
      %dma_start3A_42 = tpu.memref_squeeze %dma_start3A_41 : memref<1x128x128xf32, #tpu.memory_space<hbm>> -> memref<128x128xf32, #tpu.memory_space<hbm>>
      %dma_start3A_43 = arith.constant 0 : i32
      %dma_start3A_44 = tpu.memref_slice %arg7[%arg0, %add3A_28, %dma_start3A_43] : memref<2x10240x128xf32, #tpu.memory_space<hbm>> -> memref<1x128x128xf32, #tpu.memory_space<hbm>>
      %dma_start3A_45 = tpu.memref_squeeze %dma_start3A_44 : memref<1x128x128xf32, #tpu.memory_space<hbm>> -> memref<128x128xf32, #tpu.memory_space<hbm>>
      tpu.enqueue_dma source(%arg10 : memref<128x128xf32, #tpu.memory_space<vmem>>) target(%dma_start3A_45 : memref<128x128xf32, #tpu.memory_space<hbm>>) target_semaphore(%run_scoped3A : memref<!tpu.dma_semaphore, #tpu.memory_space<semaphore_mem>>)
      %dma_wait3A = arith.constant 0 : i32
      %dma_wait3A_46 = tpu.memref_slice %arg7[%arg0, %add3A_28, %dma_wait3A] : memref<2x10240x128xf32, #tpu.memory_space<hbm>> -> memref<1x128x128xf32, #tpu.memory_space<hbm>>
      %dma_wait3A_47 = tpu.memref_squeeze %dma_wait3A_46 : memref<1x128x128xf32, #tpu.memory_space<hbm>> -> memref<128x128xf32, #tpu.memory_space<hbm>>
      %dma_wait3A_48 = arith.constant 0 : i32
      %dma_wait3A_49 = tpu.memref_slice %arg7[%arg0, %add3A_28, %dma_wait3A_48] : memref<2x10240x128xf32, #tpu.memory_space<hbm>> -> memref<1x128x128xf32, #tpu.memory_space<hbm>>
      %dma_wait3A_50 = tpu.memref_squeeze %dma_wait3A_49 : memref<1x128x128xf32, #tpu.memory_space<hbm>> -> memref<128x128xf32, #tpu.memory_space<hbm>>
      tpu.wait_dma2 semaphore(%run_scoped3A : memref<!tpu.dma_semaphore, #tpu.memory_space<semaphore_mem>>) src(%arg10 : memref<128x128xf32, #tpu.memory_space<vmem>>) dst(%dma_wait3A_50 : memref<128x128xf32, #tpu.memory_space<hbm>>)
      tpu.yield
    }) : () -> ()
    %add3A_29 = arith.constant 256 : i32
    %add3A_30 = arith.addi %mul3A_2, %add3A_29 : i32
    "tpu.region"() ({
      %run_scoped3A = tpu.sem_alloc : memref<!tpu.dma_semaphore, #tpu.memory_space<semaphore_mem>>
      %dma_start3A = tpu.memref_slice %arg5[%add3A_30] : memref<10240xi32, #tpu.memory_space<hbm>> -> memref<128xi32, #tpu.memory_space<hbm>>
      %dma_start3A_41 = tpu.memref_slice %arg5[%add3A_30] : memref<10240xi32, #tpu.memory_space<hbm>> -> memref<128xi32, #tpu.memory_space<hbm>>
      tpu.enqueue_dma source(%dma_start3A_41 : memref<128xi32, #tpu.memory_space<hbm>>) target(%arg8 : memref<128xi32, #tpu.memory_space<vmem>>) target_semaphore(%run_scoped3A : memref<!tpu.dma_semaphore, #tpu.memory_space<semaphore_mem>>)
      %dma_wait3A = tpu.memref_slice %arg5[%add3A_30] : memref<10240xi32, #tpu.memory_space<hbm>> -> memref<128xi32, #tpu.memory_space<hbm>>
      %dma_wait3A_42 = tpu.memref_slice %arg5[%add3A_30] : memref<10240xi32, #tpu.memory_space<hbm>> -> memref<128xi32, #tpu.memory_space<hbm>>
      tpu.wait_dma2 semaphore(%run_scoped3A : memref<!tpu.dma_semaphore, #tpu.memory_space<semaphore_mem>>) src(%dma_wait3A_42 : memref<128xi32, #tpu.memory_space<hbm>>) dst(%arg8 : memref<128xi32, #tpu.memory_space<vmem>>)
      tpu.yield
    }) : () -> ()
    "tpu.region"() ({
      %run_scoped3A = tpu.sem_alloc : memref<!tpu.dma_semaphore, #tpu.memory_space<semaphore_mem>>
      %dma_start3A = arith.constant 0 : i32
      %dma_start3A_41 = arith.constant 0 : i32
      %dma_start3A_42 = tpu.memref_slice %arg11[%dma_start3A, %dma_start3A_41] : memref<10240x128xf32, #tpu.memory_space<vmem_shared>> -> memref<10240x128xf32, #tpu.memory_space<vmem_shared>>
      tpu.enqueue_indirect_dma source(%dma_start3A_42 : memref<10240x128xf32, #tpu.memory_space<vmem_shared>>) target(%arg10 : memref<128x128xf32, #tpu.memory_space<vmem>>) offsets(%arg8 : memref<128xi32, #tpu.memory_space<vmem>>) semaphore(%run_scoped3A : memref<!tpu.dma_semaphore, #tpu.memory_space<semaphore_mem>>)
      %dma_wait3A = arith.constant 0 : i32
      %dma_wait3A_43 = arith.constant 0 : i32
      %dma_wait3A_44 = tpu.memref_slice %arg11[%dma_wait3A, %dma_wait3A_43] : memref<10240x128xf32, #tpu.memory_space<vmem_shared>> -> memref<10240x128xf32, #tpu.memory_space<vmem_shared>>
      tpu.wait_indirect_dma semaphore(%run_scoped3A : memref<!tpu.dma_semaphore, #tpu.memory_space<semaphore_mem>>) src(%dma_wait3A_44 : memref<10240x128xf32, #tpu.memory_space<vmem_shared>>) dst(%arg10 : memref<128x128xf32, #tpu.memory_space<vmem>>)
      tpu.yield
    }) : () -> ()
    %add3A_31 = arith.constant 256 : i32
    %add3A_32 = arith.addi %mul3A_2, %add3A_31 : i32
    "tpu.region"() ({
      %run_scoped3A = tpu.sem_alloc : memref<!tpu.dma_semaphore, #tpu.memory_space<semaphore_mem>>
      %dma_start3A = arith.constant 0 : i32
      %dma_start3A_41 = tpu.memref_slice %arg7[%arg0, %add3A_32, %dma_start3A] : memref<2x10240x128xf32, #tpu.memory_space<hbm>> -> memref<1x128x128xf32, #tpu.memory_space<hbm>>
      %dma_start3A_42 = tpu.memref_squeeze %dma_start3A_41 : memref<1x128x128xf32, #tpu.memory_space<hbm>> -> memref<128x128xf32, #tpu.memory_space<hbm>>
      %dma_start3A_43 = arith.constant 0 : i32
      %dma_start3A_44 = tpu.memref_slice %arg7[%arg0, %add3A_32, %dma_start3A_43] : memref<2x10240x128xf32, #tpu.memory_space<hbm>> -> memref<1x128x128xf32, #tpu.memory_space<hbm>>
      %dma_start3A_45 = tpu.memref_squeeze %dma_start3A_44 : memref<1x128x128xf32, #tpu.memory_space<hbm>> -> memref<128x128xf32, #tpu.memory_space<hbm>>
      tpu.enqueue_dma source(%arg10 : memref<128x128xf32, #tpu.memory_space<vmem>>) target(%dma_start3A_45 : memref<128x128xf32, #tpu.memory_space<hbm>>) target_semaphore(%run_scoped3A : memref<!tpu.dma_semaphore, #tpu.memory_space<semaphore_mem>>)
      %dma_wait3A = arith.constant 0 : i32
      %dma_wait3A_46 = tpu.memref_slice %arg7[%arg0, %add3A_32, %dma_wait3A] : memref<2x10240x128xf32, #tpu.memory_space<hbm>> -> memref<1x128x128xf32, #tpu.memory_space<hbm>>
      %dma_wait3A_47 = tpu.memref_squeeze %dma_wait3A_46 : memref<1x128x128xf32, #tpu.memory_space<hbm>> -> memref<128x128xf32, #tpu.memory_space<hbm>>
      %dma_wait3A_48 = arith.constant 0 : i32
      %dma_wait3A_49 = tpu.memref_slice %arg7[%arg0, %add3A_32, %dma_wait3A_48] : memref<2x10240x128xf32, #tpu.memory_space<hbm>> -> memref<1x128x128xf32, #tpu.memory_space<hbm>>
      %dma_wait3A_50 = tpu.memref_squeeze %dma_wait3A_49 : memref<1x128x128xf32, #tpu.memory_space<hbm>> -> memref<128x128xf32, #tpu.memory_space<hbm>>
      tpu.wait_dma2 semaphore(%run_scoped3A : memref<!tpu.dma_semaphore, #tpu.memory_space<semaphore_mem>>) src(%arg10 : memref<128x128xf32, #tpu.memory_space<vmem>>) dst(%dma_wait3A_50 : memref<128x128xf32, #tpu.memory_space<hbm>>)
      tpu.yield
    }) : () -> ()
    %add3A_33 = arith.constant 384 : i32
    %add3A_34 = arith.addi %mul3A_2, %add3A_33 : i32
    "tpu.region"() ({
      %run_scoped3A = tpu.sem_alloc : memref<!tpu.dma_semaphore, #tpu.memory_space<semaphore_mem>>
      %dma_start3A = tpu.memref_slice %arg5[%add3A_34] : memref<10240xi32, #tpu.memory_space<hbm>> -> memref<128xi32, #tpu.memory_space<hbm>>
      %dma_start3A_41 = tpu.memref_slice %arg5[%add3A_34] : memref<10240xi32, #tpu.memory_space<hbm>> -> memref<128xi32, #tpu.memory_space<hbm>>
      tpu.enqueue_dma source(%dma_start3A_41 : memref<128xi32, #tpu.memory_space<hbm>>) target(%arg8 : memref<128xi32, #tpu.memory_space<vmem>>) target_semaphore(%run_scoped3A : memref<!tpu.dma_semaphore, #tpu.memory_space<semaphore_mem>>)
      %dma_wait3A = tpu.memref_slice %arg5[%add3A_34] : memref<10240xi32, #tpu.memory_space<hbm>> -> memref<128xi32, #tpu.memory_space<hbm>>
      %dma_wait3A_42 = tpu.memref_slice %arg5[%add3A_34] : memref<10240xi32, #tpu.memory_space<hbm>> -> memref<128xi32, #tpu.memory_space<hbm>>
      tpu.wait_dma2 semaphore(%run_scoped3A : memref<!tpu.dma_semaphore, #tpu.memory_space<semaphore_mem>>) src(%dma_wait3A_42 : memref<128xi32, #tpu.memory_space<hbm>>) dst(%arg8 : memref<128xi32, #tpu.memory_space<vmem>>)
      tpu.yield
    }) : () -> ()
    "tpu.region"() ({
      %run_scoped3A = tpu.sem_alloc : memref<!tpu.dma_semaphore, #tpu.memory_space<semaphore_mem>>
      %dma_start3A = arith.constant 0 : i32
      %dma_start3A_41 = arith.constant 0 : i32
      %dma_start3A_42 = tpu.memref_slice %arg11[%dma_start3A, %dma_start3A_41] : memref<10240x128xf32, #tpu.memory_space<vmem_shared>> -> memref<10240x128xf32, #tpu.memory_space<vmem_shared>>
      tpu.enqueue_indirect_dma source(%dma_start3A_42 : memref<10240x128xf32, #tpu.memory_space<vmem_shared>>) target(%arg10 : memref<128x128xf32, #tpu.memory_space<vmem>>) offsets(%arg8 : memref<128xi32, #tpu.memory_space<vmem>>) semaphore(%run_scoped3A : memref<!tpu.dma_semaphore, #tpu.memory_space<semaphore_mem>>)
      %dma_wait3A = arith.constant 0 : i32
      %dma_wait3A_43 = arith.constant 0 : i32
      %dma_wait3A_44 = tpu.memref_slice %arg11[%dma_wait3A, %dma_wait3A_43] : memref<10240x128xf32, #tpu.memory_space<vmem_shared>> -> memref<10240x128xf32, #tpu.memory_space<vmem_shared>>
      tpu.wait_indirect_dma semaphore(%run_scoped3A : memref<!tpu.dma_semaphore, #tpu.memory_space<semaphore_mem>>) src(%dma_wait3A_44 : memref<10240x128xf32, #tpu.memory_space<vmem_shared>>) dst(%arg10 : memref<128x128xf32, #tpu.memory_space<vmem>>)
      tpu.yield
    }) : () -> ()
    %add3A_35 = arith.constant 384 : i32
    %add3A_36 = arith.addi %mul3A_2, %add3A_35 : i32
    "tpu.region"() ({
      %run_scoped3A = tpu.sem_alloc : memref<!tpu.dma_semaphore, #tpu.memory_space<semaphore_mem>>
      %dma_start3A = arith.constant 0 : i32
      %dma_start3A_41 = tpu.memref_slice %arg7[%arg0, %add3A_36, %dma_start3A] : memref<2x10240x128xf32, #tpu.memory_space<hbm>> -> memref<1x128x128xf32, #tpu.memory_space<hbm>>
      %dma_start3A_42 = tpu.memref_squeeze %dma_start3A_41 : memref<1x128x128xf32, #tpu.memory_space<hbm>> -> memref<128x128xf32, #tpu.memory_space<hbm>>
      %dma_start3A_43 = arith.constant 0 : i32
      %dma_start3A_44 = tpu.memref_slice %arg7[%arg0, %add3A_36, %dma_start3A_43] : memref<2x10240x128xf32, #tpu.memory_space<hbm>> -> memref<1x128x128xf32, #tpu.memory_space<hbm>>
      %dma_start3A_45 = tpu.memref_squeeze %dma_start3A_44 : memref<1x128x128xf32, #tpu.memory_space<hbm>> -> memref<128x128xf32, #tpu.memory_space<hbm>>
      tpu.enqueue_dma source(%arg10 : memref<128x128xf32, #tpu.memory_space<vmem>>) target(%dma_start3A_45 : memref<128x128xf32, #tpu.memory_space<hbm>>) target_semaphore(%run_scoped3A : memref<!tpu.dma_semaphore, #tpu.memory_space<semaphore_mem>>)
      %dma_wait3A = arith.constant 0 : i32
      %dma_wait3A_46 = tpu.memref_slice %arg7[%arg0, %add3A_36, %dma_wait3A] : memref<2x10240x128xf32, #tpu.memory_space<hbm>> -> memref<1x128x128xf32, #tpu.memory_space<hbm>>
      %dma_wait3A_47 = tpu.memref_squeeze %dma_wait3A_46 : memref<1x128x128xf32, #tpu.memory_space<hbm>> -> memref<128x128xf32, #tpu.memory_space<hbm>>
      %dma_wait3A_48 = arith.constant 0 : i32
      %dma_wait3A_49 = tpu.memref_slice %arg7[%arg0, %add3A_36, %dma_wait3A_48] : memref<2x10240x128xf32, #tpu.memory_space<hbm>> -> memref<1x128x128xf32, #tpu.memory_space<hbm>>
      %dma_wait3A_50 = tpu.memref_squeeze %dma_wait3A_49 : memref<1x128x128xf32, #tpu.memory_space<hbm>> -> memref<128x128xf32, #tpu.memory_space<hbm>>
      tpu.wait_dma2 semaphore(%run_scoped3A : memref<!tpu.dma_semaphore, #tpu.memory_space<semaphore_mem>>) src(%arg10 : memref<128x128xf32, #tpu.memory_space<vmem>>) dst(%dma_wait3A_50 : memref<128x128xf32, #tpu.memory_space<hbm>>)
      tpu.yield
    }) : () -> ()
    %add3A_37 = arith.constant 512 : i32
    %add3A_38 = arith.addi %mul3A_2, %add3A_37 : i32
    "tpu.region"() ({
      %run_scoped3A = tpu.sem_alloc : memref<!tpu.dma_semaphore, #tpu.memory_space<semaphore_mem>>
      %dma_start3A = tpu.memref_slice %arg5[%add3A_38] : memref<10240xi32, #tpu.memory_space<hbm>> -> memref<128xi32, #tpu.memory_space<hbm>>
      %dma_start3A_41 = tpu.memref_slice %arg5[%add3A_38] : memref<10240xi32, #tpu.memory_space<hbm>> -> memref<128xi32, #tpu.memory_space<hbm>>
      tpu.enqueue_dma source(%dma_start3A_41 : memref<128xi32, #tpu.memory_space<hbm>>) target(%arg8 : memref<128xi32, #tpu.memory_space<vmem>>) target_semaphore(%run_scoped3A : memref<!tpu.dma_semaphore, #tpu.memory_space<semaphore_mem>>)
      %dma_wait3A = tpu.memref_slice %arg5[%add3A_38] : memref<10240xi32, #tpu.memory_space<hbm>> -> memref<128xi32, #tpu.memory_space<hbm>>
      %dma_wait3A_42 = tpu.memref_slice %arg5[%add3A_38] : memref<10240xi32, #tpu.memory_space<hbm>> -> memref<128xi32, #tpu.memory_space<hbm>>
      tpu.wait_dma2 semaphore(%run_scoped3A : memref<!tpu.dma_semaphore, #tpu.memory_space<semaphore_mem>>) src(%dma_wait3A_42 : memref<128xi32, #tpu.memory_space<hbm>>) dst(%arg8 : memref<128xi32, #tpu.memory_space<vmem>>)
      tpu.yield
    }) : () -> ()
    "tpu.region"() ({
      %run_scoped3A = tpu.sem_alloc : memref<!tpu.dma_semaphore, #tpu.memory_space<semaphore_mem>>
      %dma_start3A = arith.constant 0 : i32
      %dma_start3A_41 = arith.constant 0 : i32
      %dma_start3A_42 = tpu.memref_slice %arg11[%dma_start3A, %dma_start3A_41] : memref<10240x128xf32, #tpu.memory_space<vmem_shared>> -> memref<10240x128xf32, #tpu.memory_space<vmem_shared>>
      tpu.enqueue_indirect_dma source(%dma_start3A_42 : memref<10240x128xf32, #tpu.memory_space<vmem_shared>>) target(%arg10 : memref<128x128xf32, #tpu.memory_space<vmem>>) offsets(%arg8 : memref<128xi32, #tpu.memory_space<vmem>>) semaphore(%run_scoped3A : memref<!tpu.dma_semaphore, #tpu.memory_space<semaphore_mem>>)
      %dma_wait3A = arith.constant 0 : i32
      %dma_wait3A_43 = arith.constant 0 : i32
      %dma_wait3A_44 = tpu.memref_slice %arg11[%dma_wait3A, %dma_wait3A_43] : memref<10240x128xf32, #tpu.memory_space<vmem_shared>> -> memref<10240x128xf32, #tpu.memory_space<vmem_shared>>
      tpu.wait_indirect_dma semaphore(%run_scoped3A : memref<!tpu.dma_semaphore, #tpu.memory_space<semaphore_mem>>) src(%dma_wait3A_44 : memref<10240x128xf32, #tpu.memory_space<vmem_shared>>) dst(%arg10 : memref<128x128xf32, #tpu.memory_space<vmem>>)
      tpu.yield
    }) : () -> ()
    %add3A_39 = arith.constant 512 : i32
    %add3A_40 = arith.addi %mul3A_2, %add3A_39 : i32
    "tpu.region"() ({
      %run_scoped3A = tpu.sem_alloc : memref<!tpu.dma_semaphore, #tpu.memory_space<semaphore_mem>>
      %dma_start3A = arith.constant 0 : i32
      %dma_start3A_41 = tpu.memref_slice %arg7[%arg0, %add3A_40, %dma_start3A] : memref<2x10240x128xf32, #tpu.memory_space<hbm>> -> memref<1x128x128xf32, #tpu.memory_space<hbm>>
      %dma_start3A_42 = tpu.memref_squeeze %dma_start3A_41 : memref<1x128x128xf32, #tpu.memory_space<hbm>> -> memref<128x128xf32, #tpu.memory_space<hbm>>
      %dma_start3A_43 = arith.constant 0 : i32
      %dma_start3A_44 = tpu.memref_slice %arg7[%arg0, %add3A_40, %dma_start3A_43] : memref<2x10240x128xf32, #tpu.memory_space<hbm>> -> memref<1x128x128xf32, #tpu.memory_space<hbm>>
      %dma_start3A_45 = tpu.memref_squeeze %dma_start3A_44 : memref<1x128x128xf32, #tpu.memory_space<hbm>> -> memref<128x128xf32, #tpu.memory_space<hbm>>
      tpu.enqueue_dma source(%arg10 : memref<128x128xf32, #tpu.memory_space<vmem>>) target(%dma_start3A_45 : memref<128x128xf32, #tpu.memory_space<hbm>>) target_semaphore(%run_scoped3A : memref<!tpu.dma_semaphore, #tpu.memory_space<semaphore_mem>>)
      %dma_wait3A = arith.constant 0 : i32
      %dma_wait3A_46 = tpu.memref_slice %arg7[%arg0, %add3A_40, %dma_wait3A] : memref<2x10240x128xf32, #tpu.memory_space<hbm>> -> memref<1x128x128xf32, #tpu.memory_space<hbm>>
      %dma_wait3A_47 = tpu.memref_squeeze %dma_wait3A_46 : memref<1x128x128xf32, #tpu.memory_space<hbm>> -> memref<128x128xf32, #tpu.memory_space<hbm>>
      %dma_wait3A_48 = arith.constant 0 : i32
      %dma_wait3A_49 = tpu.memref_slice %arg7[%arg0, %add3A_40, %dma_wait3A_48] : memref<2x10240x128xf32, #tpu.memory_space<hbm>> -> memref<1x128x128xf32, #tpu.memory_space<hbm>>
      %dma_wait3A_50 = tpu.memref_squeeze %dma_wait3A_49 : memref<1x128x128xf32, #tpu.memory_space<hbm>> -> memref<128x128xf32, #tpu.memory_space<hbm>>
      tpu.wait_dma2 semaphore(%run_scoped3A : memref<!tpu.dma_semaphore, #tpu.memory_space<semaphore_mem>>) src(%arg10 : memref<128x128xf32, #tpu.memory_space<vmem>>) dst(%dma_wait3A_50 : memref<128x128xf32, #tpu.memory_space<hbm>>)
      tpu.yield
    }) : () -> ()
    return
  }
}

module attributes {stable_mosaic.version = 14 : i64} {
  func.func @sage_dense_tc(%arg0: i32, %arg1: memref<2x2000x128xf32, #tpu.memory_space<vmem>>, %arg2: memref<2x2000x128xf32, #tpu.memory_space<vmem>>, %arg3: memref<2000x128xf32, #tpu.memory_space<vmem>>, %arg4: memref<128x128xf32, #tpu.memory_space<vmem>>, %arg5: memref<128x128xf32, #tpu.memory_space<vmem>>, %arg6: memref<1x128xf32, #tpu.memory_space<vmem>>, %arg7: memref<2000x128xf32, #tpu.memory_space<vmem>>) attributes {dimension_semantics = [#tpu.dimension_semantics<arbitrary>], iteration_bounds = array<i64: 5>, scalar_prefetch = 0 : i64, scratch_operands = 0 : i64, tpu.core_type = #tpu.core_type<tc>, window_params = [{transform_indices = @transform_0, window_bounds = array<i64: 2, 2000, 128>}, {transform_indices = @transform_1, window_bounds = array<i64: 2, 2000, 128>}, {transform_indices = @transform_2, window_bounds = array<i64: 2000, 128>}, {pipeline_mode = #tpu.pipeline_mode<synchronous>, transform_indices = @transform_3, window_bounds = array<i64: 128, 128>}, {pipeline_mode = #tpu.pipeline_mode<synchronous>, transform_indices = @transform_4, window_bounds = array<i64: 128, 128>}, {pipeline_mode = #tpu.pipeline_mode<synchronous>, transform_indices = @transform_5, window_bounds = array<i64: 1, 128>}, {transform_indices = @transform_6, window_bounds = array<i64: 2000, 128>}]} {
    %get3A = arith.constant 0 : index
    %get3A_0 = arith.constant 0 : index
    %get3A_1 = arith.constant 0 : index
    %get3A_2 = vector.load %arg2[%get3A, %get3A_0, %get3A_1] : memref<2x2000x128xf32, #tpu.memory_space<vmem>>, vector<1x2000x1xf32>
    %get3A_3 = vector.shape_cast %get3A_2 : vector<1x2000x1xf32> to vector<2000x1xf32>
    %get3A_4 = arith.constant 1 : index
    %get3A_5 = arith.constant 0 : index
    %get3A_6 = arith.constant 0 : index
    %get3A_7 = vector.load %arg2[%get3A_4, %get3A_5, %get3A_6] : memref<2x2000x128xf32, #tpu.memory_space<vmem>>, vector<1x2000x1xf32>
    %get3A_8 = vector.shape_cast %get3A_7 : vector<1x2000x1xf32> to vector<2000x1xf32>
    %add3A = arith.addf %get3A_3, %get3A_8 : vector<2000x1xf32>
    %max3A = arith.constant 1.000000e+00 : f32
    %max3A_9 = vector.broadcast %max3A : f32 to vector<2000x1xf32>
    %max3A_10 = arith.maximumf %add3A, %max3A_9 : vector<2000x1xf32>
    %div3A = arith.constant 1.000000e+00 : f32
    %div3A_11 = vector.broadcast %div3A : f32 to vector<2000x1xf32>
    %div3A_12 = arith.divf %div3A_11, %max3A_10 : vector<2000x1xf32>
    %get3A_13 = arith.constant 0 : index
    %get3A_14 = arith.constant 0 : index
    %get3A_15 = arith.constant 0 : index
    %get3A_16 = vector.load %arg1[%get3A_13, %get3A_14, %get3A_15] : memref<2x2000x128xf32, #tpu.memory_space<vmem>>, vector<1x2000x128xf32>
    %get3A_17 = vector.shape_cast %get3A_16 : vector<1x2000x128xf32> to vector<2000x128xf32>
    %get3A_18 = arith.constant 1 : index
    %get3A_19 = arith.constant 0 : index
    %get3A_20 = arith.constant 0 : index
    %get3A_21 = vector.load %arg1[%get3A_18, %get3A_19, %get3A_20] : memref<2x2000x128xf32, #tpu.memory_space<vmem>>, vector<1x2000x128xf32>
    %get3A_22 = vector.shape_cast %get3A_21 : vector<1x2000x128xf32> to vector<2000x128xf32>
    %add3A_23 = arith.addf %get3A_17, %get3A_22 : vector<2000x128xf32>
    %mul3A = vector.broadcast %div3A_12 : vector<2000x1xf32> to vector<2000x128xf32>
    %mul3A_24 = arith.mulf %add3A_23, %mul3A : vector<2000x128xf32>
    %get3A_25 = arith.constant 0 : index
    %get3A_26 = arith.constant 0 : index
    %get3A_27 = vector.load %arg4[%get3A_25, %get3A_26] : memref<128x128xf32, #tpu.memory_space<vmem>>, vector<128x128xf32>
    %dot_general3A = arith.constant dense<0.000000e+00> : vector<2000x128xf32>
    %dot_general3A_28 = tpu.matmul %mul3A_24, %get3A_27, %dot_general3A {dimension_numbers = #tpu.dot_dimension_numbers<[1], [1], [0], [0], [0, 0, 1, 0], [], []>, transpose_lhs_hint = false} : vector<2000x128xf32>, vector<128x128xf32>, vector<2000x128xf32> -> vector<2000x128xf32>
    %get3A_29 = arith.constant 0 : index
    %get3A_30 = arith.constant 0 : index
    %get3A_31 = vector.load %arg3[%get3A_29, %get3A_30] : memref<2000x128xf32, #tpu.memory_space<vmem>>, vector<2000x128xf32>
    %get3A_32 = arith.constant 0 : index
    %get3A_33 = arith.constant 0 : index
    %get3A_34 = vector.load %arg5[%get3A_32, %get3A_33] : memref<128x128xf32, #tpu.memory_space<vmem>>, vector<128x128xf32>
    %dot_general3A_35 = arith.constant dense<0.000000e+00> : vector<2000x128xf32>
    %dot_general3A_36 = tpu.matmul %get3A_31, %get3A_34, %dot_general3A_35 {dimension_numbers = #tpu.dot_dimension_numbers<[1], [1], [0], [0], [0, 0, 1, 0], [], []>, transpose_lhs_hint = false} : vector<2000x128xf32>, vector<128x128xf32>, vector<2000x128xf32> -> vector<2000x128xf32>
    %add3A_37 = arith.addf %dot_general3A_28, %dot_general3A_36 : vector<2000x128xf32>
    %get3A_38 = arith.constant 0 : index
    %get3A_39 = arith.constant 0 : index
    %get3A_40 = vector.load %arg6[%get3A_38, %get3A_39] : memref<1x128xf32, #tpu.memory_space<vmem>>, vector<1x128xf32>
    %add3A_41 = vector.broadcast %get3A_40 : vector<1x128xf32> to vector<2000x128xf32>
    %add3A_42 = arith.addf %add3A_37, %add3A_41 : vector<2000x128xf32>
    %max3A_43 = arith.constant 0.000000e+00 : f32
    %max3A_44 = vector.broadcast %max3A_43 : f32 to vector<2000x128xf32>
    %max3A_45 = arith.maximumf %add3A_42, %max3A_44 : vector<2000x128xf32>
    %swap3A = arith.constant 0 : index
    %swap3A_46 = arith.constant 0 : index
    %swap3A_47 = vector.load %arg7[%swap3A, %swap3A_46] : memref<2000x128xf32, #tpu.memory_space<vmem>>, vector<2000x128xf32>
    tpu.vector_store %arg7[%swap3A, %swap3A_46], %max3A_45 {strides = array<i32>} : memref<2000x128xf32, #tpu.memory_space<vmem>>, vector<2000x128xf32>,
    return
  }
  func.func @transform_0(%arg0: i32) -> (i32, i32, i32) {
    %c0_i32 = arith.constant 0 : i32
    %c0_i32_0 = arith.constant 0 : i32
    %c0_i32_1 = arith.constant 0 : i32
    return %c0_i32, %arg0, %c0_i32_0 : i32, i32, i32
  }
  func.func @transform_1(%arg0: i32) -> (i32, i32, i32) {
    %c0_i32 = arith.constant 0 : i32
    %c0_i32_0 = arith.constant 0 : i32
    %c0_i32_1 = arith.constant 0 : i32
    return %c0_i32, %arg0, %c0_i32_0 : i32, i32, i32
  }
  func.func @transform_2(%arg0: i32) -> (i32, i32) {
    %c0_i32 = arith.constant 0 : i32
    %c0_i32_0 = arith.constant 0 : i32
    return %arg0, %c0_i32 : i32, i32
  }
  func.func @transform_3(%arg0: i32) -> (i32, i32) {
    %c0_i32 = arith.constant 0 : i32
    %c0_i32_0 = arith.constant 0 : i32
    %c0_i32_1 = arith.constant 0 : i32
    return %c0_i32, %c0_i32_0 : i32, i32
  }
  func.func @transform_4(%arg0: i32) -> (i32, i32) {
    %c0_i32 = arith.constant 0 : i32
    %c0_i32_0 = arith.constant 0 : i32
    %c0_i32_1 = arith.constant 0 : i32
    return %c0_i32, %c0_i32_0 : i32, i32
  }
  func.func @transform_5(%arg0: i32) -> (i32, i32) {
    %c0_i32 = arith.constant 0 : i32
    %c0_i32_0 = arith.constant 0 : i32
    %c0_i32_1 = arith.constant 0 : i32
    return %c0_i32, %c0_i32_0 : i32, i32
  }
  func.func @transform_6(%arg0: i32) -> (i32, i32) {
    %c0_i32 = arith.constant 0 : i32
    %c0_i32_0 = arith.constant 0 : i32
    return %arg0, %c0_i32 : i32, i32
  }
}

module attributes {stable_mosaic.version = 14 : i64} {
  func.func @sage_dense_tc(%arg0: i32, %arg1: memref<2x2000x128xf32, #tpu.memory_space<vmem>>, %arg2: memref<2x2000x128xf32, #tpu.memory_space<vmem>>, %arg3: memref<2000x128xf32, #tpu.memory_space<vmem>>, %arg4: memref<128x128xf32, #tpu.memory_space<vmem>>, %arg5: memref<128x128xf32, #tpu.memory_space<vmem>>, %arg6: memref<1x128xf32, #tpu.memory_space<vmem>>, %arg7: memref<2000x128xf32, #tpu.memory_space<vmem>>) attributes {dimension_semantics = [#tpu.dimension_semantics<arbitrary>], iteration_bounds = array<i64: 5>, scalar_prefetch = 0 : i64, scratch_operands = 0 : i64, tpu.core_type = #tpu.core_type<tc>, window_params = [{transform_indices = @transform_0, window_bounds = array<i64: 2, 2000, 128>}, {transform_indices = @transform_1, window_bounds = array<i64: 2, 2000, 128>}, {transform_indices = @transform_2, window_bounds = array<i64: 2000, 128>}, {pipeline_mode = #tpu.pipeline_mode<synchronous>, transform_indices = @transform_3, window_bounds = array<i64: 128, 128>}, {pipeline_mode = #tpu.pipeline_mode<synchronous>, transform_indices = @transform_4, window_bounds = array<i64: 128, 128>}, {pipeline_mode = #tpu.pipeline_mode<synchronous>, transform_indices = @transform_5, window_bounds = array<i64: 1, 128>}, {transform_indices = @transform_6, window_bounds = array<i64: 2000, 128>}]} {
    %get3A = arith.constant 0 : index
    %get3A_0 = arith.constant 0 : index
    %get3A_1 = arith.constant 0 : index
    %get3A_2 = vector.load %arg2[%get3A, %get3A_0, %get3A_1] : memref<2x2000x128xf32, #tpu.memory_space<vmem>>, vector<1x2000x1xf32>
    %get3A_3 = vector.shape_cast %get3A_2 : vector<1x2000x1xf32> to vector<2000x1xf32>
    %get3A_4 = arith.constant 1 : index
    %get3A_5 = arith.constant 0 : index
    %get3A_6 = arith.constant 0 : index
    %get3A_7 = vector.load %arg2[%get3A_4, %get3A_5, %get3A_6] : memref<2x2000x128xf32, #tpu.memory_space<vmem>>, vector<1x2000x1xf32>
    %get3A_8 = vector.shape_cast %get3A_7 : vector<1x2000x1xf32> to vector<2000x1xf32>
    %add3A = arith.addf %get3A_3, %get3A_8 : vector<2000x1xf32>
    %max3A = arith.constant 1.000000e+00 : f32
    %max3A_9 = vector.broadcast %max3A : f32 to vector<2000x1xf32>
    %max3A_10 = arith.maximumf %add3A, %max3A_9 : vector<2000x1xf32>
    %div3A = arith.constant 1.000000e+00 : f32
    %div3A_11 = vector.broadcast %div3A : f32 to vector<2000x1xf32>
    %div3A_12 = arith.divf %div3A_11, %max3A_10 : vector<2000x1xf32>
    %get3A_13 = arith.constant 0 : index
    %get3A_14 = arith.constant 0 : index
    %get3A_15 = arith.constant 0 : index
    %get3A_16 = vector.load %arg1[%get3A_13, %get3A_14, %get3A_15] : memref<2x2000x128xf32, #tpu.memory_space<vmem>>, vector<1x2000x128xf32>
    %get3A_17 = vector.shape_cast %get3A_16 : vector<1x2000x128xf32> to vector<2000x128xf32>
    %get3A_18 = arith.constant 1 : index
    %get3A_19 = arith.constant 0 : index
    %get3A_20 = arith.constant 0 : index
    %get3A_21 = vector.load %arg1[%get3A_18, %get3A_19, %get3A_20] : memref<2x2000x128xf32, #tpu.memory_space<vmem>>, vector<1x2000x128xf32>
    %get3A_22 = vector.shape_cast %get3A_21 : vector<1x2000x128xf32> to vector<2000x128xf32>
    %add3A_23 = arith.addf %get3A_17, %get3A_22 : vector<2000x128xf32>
    %mul3A = vector.broadcast %div3A_12 : vector<2000x1xf32> to vector<2000x128xf32>
    %mul3A_24 = arith.mulf %add3A_23, %mul3A : vector<2000x128xf32>
    %get3A_25 = arith.constant 0 : index
    %get3A_26 = arith.constant 0 : index
    %get3A_27 = vector.load %arg4[%get3A_25, %get3A_26] : memref<128x128xf32, #tpu.memory_space<vmem>>, vector<128x128xf32>
    %dot_general3A = arith.constant dense<0.000000e+00> : vector<2000x128xf32>
    %dot_general3A_28 = tpu.matmul %mul3A_24, %get3A_27, %dot_general3A {dimension_numbers = #tpu.dot_dimension_numbers<[1], [1], [0], [0], [0, 0, 1, 0], [], []>, transpose_lhs_hint = false} : vector<2000x128xf32>, vector<128x128xf32>, vector<2000x128xf32> -> vector<2000x128xf32>
    %get3A_29 = arith.constant 0 : index
    %get3A_30 = arith.constant 0 : index
    %get3A_31 = vector.load %arg3[%get3A_29, %get3A_30] : memref<2000x128xf32, #tpu.memory_space<vmem>>, vector<2000x128xf32>
    %get3A_32 = arith.constant 0 : index
    %get3A_33 = arith.constant 0 : index
    %get3A_34 = vector.load %arg5[%get3A_32, %get3A_33] : memref<128x128xf32, #tpu.memory_space<vmem>>, vector<128x128xf32>
    %dot_general3A_35 = arith.constant dense<0.000000e+00> : vector<2000x128xf32>
    %dot_general3A_36 = tpu.matmul %get3A_31, %get3A_34, %dot_general3A_35 {dimension_numbers = #tpu.dot_dimension_numbers<[1], [1], [0], [0], [0, 0, 1, 0], [], []>, transpose_lhs_hint = false} : vector<2000x128xf32>, vector<128x128xf32>, vector<2000x128xf32> -> vector<2000x128xf32>
    %add3A_37 = arith.addf %dot_general3A_28, %dot_general3A_36 : vector<2000x128xf32>
    %get3A_38 = arith.constant 0 : index
    %get3A_39 = arith.constant 0 : index
    %get3A_40 = vector.load %arg6[%get3A_38, %get3A_39] : memref<1x128xf32, #tpu.memory_space<vmem>>, vector<1x128xf32>
    %add3A_41 = vector.broadcast %get3A_40 : vector<1x128xf32> to vector<2000x128xf32>
    %add3A_42 = arith.addf %add3A_37, %add3A_41 : vector<2000x128xf32>
    %max3A_43 = arith.constant 0.000000e+00 : f32
    %max3A_44 = vector.broadcast %max3A_43 : f32 to vector<2000x128xf32>
    %max3A_45 = arith.maximumf %add3A_42, %max3A_44 : vector<2000x128xf32>
    %swap3A = arith.constant 0 : index
    %swap3A_46 = arith.constant 0 : index
    %swap3A_47 = vector.load %arg7[%swap3A, %swap3A_46] : memref<2000x128xf32, #tpu.memory_space<vmem>>, vector<2000x128xf32>
    tpu.vector_store %arg7[%swap3A, %swap3A_46], %max3A_45 {strides = array<i32>} : memref<2000x128xf32, #tpu.memory_space<vmem>>, vector<2000x128xf32>,
    return
  }
  func.func @transform_0(%arg0: i32) -> (i32, i32, i32) {
    %c0_i32 = arith.constant 0 : i32
    %c0_i32_0 = arith.constant 0 : i32
    %c0_i32_1 = arith.constant 0 : i32
    return %c0_i32, %arg0, %c0_i32_0 : i32, i32, i32
  }
  func.func @transform_1(%arg0: i32) -> (i32, i32, i32) {
    %c0_i32 = arith.constant 0 : i32
    %c0_i32_0 = arith.constant 0 : i32
    %c0_i32_1 = arith.constant 0 : i32
    return %c0_i32, %arg0, %c0_i32_0 : i32, i32, i32
  }
  func.func @transform_2(%arg0: i32) -> (i32, i32) {
    %c0_i32 = arith.constant 0 : i32
    %c0_i32_0 = arith.constant 0 : i32
    return %arg0, %c0_i32 : i32, i32
  }
  func.func @transform_3(%arg0: i32) -> (i32, i32) {
    %c0_i32 = arith.constant 0 : i32
    %c0_i32_0 = arith.constant 0 : i32
    %c0_i32_1 = arith.constant 0 : i32
    return %c0_i32, %c0_i32_0 : i32, i32
  }
  func.func @transform_4(%arg0: i32) -> (i32, i32) {
    %c0_i32 = arith.constant 0 : i32
    %c0_i32_0 = arith.constant 0 : i32
    %c0_i32_1 = arith.constant 0 : i32
    return %c0_i32, %c0_i32_0 : i32, i32
  }
  func.func @transform_5(%arg0: i32) -> (i32, i32) {
    %c0_i32 = arith.constant 0 : i32
    %c0_i32_0 = arith.constant 0 : i32
    %c0_i32_1 = arith.constant 0 : i32
    return %c0_i32, %c0_i32_0 : i32, i32
  }
  func.func @transform_6(%arg0: i32) -> (i32, i32) {
    %c0_i32 = arith.constant 0 : i32
    %c0_i32_0 = arith.constant 0 : i32
    return %arg0, %c0_i32 : i32, i32
  }
}

</mosaic_0001>

<sc_bundles>
// kernel: sage_degree_count_sc.3.cloned.1.call-start
scs
__scs_entry_jumppad:
0x0: {  	(pc) =	sbr.rel $0x88, $3  }
0x1: {  	(tag) =	ssettag $0x0;
	lr =	simm.s32 $0x1  }
0x2: {  	[smem:$0x3F99] =	sst lr;
	_ =	strace $0xD0000000  }
0x3: {  	_ = 	snop  }
0x4: {  	_ = 	snop  }
0x5: {  	_ = 	snop  }
0x6: {  	_ = 	snop  }
0x7: {  	_ = 	snop  }
__scs_overlays_trampoline_lowered:
0x8: {  	[smem:$0x3FA8] =	sst s0  }
0x9: {  	[smem:$0x3FA9] =	sst s1  }
0xa: {  	[smem:$0x3FAA] =	sst s2  }
0xb: {  	[smem:$0x3FAB] =	sst s3  }
0xc: {  	[smem:$0x3FAC] =	sst s4  }
0xd: {  	[smem:$0x3FAD] =	sst s5  }
0xe: {  	[smem:$0x3FAE] =	sst s6  }
0xf: {  	[smem:$0x3FAF] =	sst s7  }
0x10: {  	[smem:$0x3FB0] =	sst s8  }
0x11: {  	[smem:$0x3FB1] =	sst s9;
	s0 =	simm.s32 @!p0 $0x0  }
0x12: {  	s1 =	sld [smem:$0x3F97];
	s0 =	simm.s32 @p0 $0x1  }
0x13: {  	[smem:$0x3FB2] =	sst s0;
	s0 =	simm.s32 @!p1 $0x0  }
0x14: {  	s2 =	sld [smem:$0x3F96];
	s0 =	simm.s32 @p1 $0x1  }
0x15: {  	[smem:$0x3FB3] =	sst s0;
	s0 =	simm.s32 @!p2 $0x0  }
0x16: {  	s3 =	sld [smem:$0x3FDB];
	s0 =	simm.s32 @p2 $0x1  }
0x17: {  	s4 =	simm.s32 $0x1BF5;
	[smem:$0x3FB5] =	sst s0  }
0x18: {  	s0 =	sld [smem:$0x3F98];
	_ =	swait.ge [sflag:s4], $0x0  }
0x19: {  	s7 =	sld [smem:$0x3F99]  }
0x1a: {  	s8 =	sadd.s32 $0xFFFFE003, lr  }
0x1b: {  	s9 =	sadd.s32 $0xFFFFFEF7, lr;
	s5 =	simm.s32 $0xFFFFFFFF;
	p2 =	slt.u32 s8, $0xFFFFF086  }
0x1c: {  	p1 =	slt.u32 s9, $0xF7A;
	s5 =	simm.s32 @!p2 $0x0  }
0x1d: {  	s5 =	simm.s32 @p1 $0x1;
	p0 =	seq.s32 s7, s2  }
0x1e: {  	s7 =	smul.u32 @!p0 $0xF7A, s2;
	p2 =	seq.s32 @!p0 s5, $0x0  }
0x1f: {  	s9 =	smul.u32 $0xF7A, s1;
	s8 =	simm.s32 @!p0 $0x1BF5;
	p2 =	por !p2, p0  }
0x20: {  	[sflag:s8] =	ssyncset.s32 @!p0 $0xFFFFF086;
	s6 =	sadd.s32 @!p0 s3, s7;
	s7 =	simm.s32 @!p0 $0x108  }
0x21: {  	s3 =	sadd.s32 s3, s9;
	s6 =	sadd.s32 @!p0 $0x88, s6;
	s7 =	simm.s32 @p2 $0x1082  }
0x22: {  	[simem:s7], [sflag:s8] =	dma.local @!p0 [hbm:s6], $0xF7A  }
0x23: {  	s9 =	sor.u32 $0xD0000000, s2;
	s6 =	simm.s32 $0x108;
	_ =	swait.ge @!p0 [sflag:s8], $0x0  }
0x24: {  	s3 =	sadd.s32 $0x88, s3;
	s6 =	simm.s32 @!p1 $0x1082;
	[sflag:s4] =	ssyncset.s32 $0xFFFFF086  }
0x25: {  	[simem:s6], [sflag:s4] =	dma.local [hbm:s3], $0xF7A  }
0x26: {  	[smem:$0x3F99] =	sst s1;
	(tag) =	ssettag s2;
	_ =	strace s9  }
0x27: {  	s1 =	sld [smem:$0x3FA9]  }
0x28: {  	s2 =	sld [smem:$0x3FAA]  }
0x29: {  	s4 =	sld [smem:$0x3FAC]  }
0x2a: {  	p0 =	seq.s32 s5, $0x0;
	s5 =	sld [smem:$0x3FAD]  }
0x2b: {  	s6 =	sld [smem:$0x3FAE]  }
0x2c: {  	s7 =	sld [smem:$0x3FAF]  }
0x2d: {  	s3 =	simm.s32 $0x108;
	s8 =	sld [smem:$0x3FB0]  }
0x2e: {  	s3 =	simm.s32 @!p0 $0x1082;
	s9 =	sld [smem:$0x3FB1]  }
0x2f: {  	lr =	sadd.s32 s0, s3;
	s0 =	sld [smem:$0x3FA8]  }
0x30: {  	s3 =	sld [smem:$0x3FAB]  }
0x31: {  	[smem:$0x3FB4] =	sst s10  }
0x32: {  	s10 =	sld [smem:$0x3FB2];
	_ =	sdelay $0x3  }
0x33: {  	p0 =	seq.s32 s10, $0x1;
	s10 =	sld [smem:$0x3FB4];
	_ =	sdelay $0x3  }
0x34: {  	[smem:$0x3FB4] =	sst s10  }
0x35: {  	s10 =	sld [smem:$0x3FB3];
	_ =	sdelay $0x3  }
0x36: {  	p1 =	seq.s32 s10, $0x1;
	s10 =	sld [smem:$0x3FB4];
	_ =	sdelay $0x3  }
0x37: {  	[smem:$0x3FB4] =	sst s10  }
0x38: {  	s10 =	sld [smem:$0x3FB5]  }
0x39: {  	_ = 	snop;
	(pc) =	sbr.ind lr, $3  }
0x3a: {  	_ = 	snop  }
0x3b: {  	_ = 	snop  }
0x3c: {  	p2 =	seq.s32 s10, $0x1;
	s10 =	sld [smem:$0x3FB4]  }
0x3d: {  	_ =	shalt  }
0x3e: {  	_ =	shalt  }
0x3f: {  	_ =	shalt  }
0x40: {  	_ =	shalt  }
0x41: {  	_ =	shalt  }
0x42: {  	_ =	shalt  }
0x43: {  	_ =	shalt  }
0x44: {  	_ =	shalt  }
0x45: {  	_ =	shalt  }
0x46: {  	_ =	shalt  }
0x47: {  	_ =	shalt  }
0x48: {  	_ =	shalt  }
0x49: {  	_ =	shalt  }
0x4a: {  	_ =	shalt  }
0x4b: {  	_ =	shalt  }
0x4c: {  	_ =	shalt  }
0x4d: {  	_ =	shalt  }
0x4e: {  	_ =	shalt  }
0x4f: {  	_ =	shalt  }
0x50: {  	_ =	shalt  }
0x51: {  	_ =	shalt  }
0x52: {  	_ =	shalt  }
0x53: {  	_ =	shalt  }
0x54: {  	_ =	shalt  }
0x55: {  	_ =	shalt  }
0x56: {  	_ =	shalt  }
0x57: {  	_ =	shalt  }
0x58: {  	_ =	shalt  }
0x59: {  	_ =	shalt  }
0x5a: {  	_ =	shalt  }
0x5b: {  	_ =	shalt  }
0x5c: {  	_ =	shalt  }
0x5d: {  	_ =	shalt  }
0x5e: {  	_ =	shalt  }
0x5f: {  	_ =	shalt  }
0x60: {  	_ =	shalt  }
0x61: {  	_ =	shalt  }
0x62: {  	_ =	shalt  }
0x63: {  	_ =	shalt  }
0x64: {  	_ =	shalt  }
0x65: {  	_ =	shalt  }
0x66: {  	_ =	shalt  }
0x67: {  	_ =	shalt  }
0x68: {  	_ =	shalt  }
0x69: {  	_ =	shalt  }
0x6a: {  	_ =	shalt  }
0x6b: {  	_ =	shalt  }
0x6c: {  	_ =	shalt  }
0x6d: {  	_ =	shalt  }
0x6e: {  	_ =	shalt  }
0x6f: {  	_ =	shalt  }
0x70: {  	_ =	shalt  }
0x71: {  	_ =	shalt  }
0x72: {  	_ =	shalt  }
0x73: {  	_ =	shalt  }
0x74: {  	_ =	shalt  }
0x75: {  	_ =	shalt  }
0x76: {  	_ =	shalt  }
0x77: {  	_ =	shalt  }
0x78: {  	_ =	shalt  }
0x79: {  	_ =	shalt  }
0x7a: {  	_ =	shalt  }
0x7b: {  	_ =	shalt  }
0x7c: {  	_ =	shalt  }
0x7d: {  	_ =	shalt  }
0x7e: {  	_ =	shalt  }
0x7f: {  	_ =	shalt  }
0x80: {  	_ =	shalt  }
0x81: {  	_ =	shalt  }
0x82: {  	_ =	shalt  }
0x83: {  	_ =	shalt  }
0x84: {  	_ =	shalt  }
0x85: {  	_ =	shalt  }
0x86: {  	_ =	shalt  }
0x87: {  	_ =	shalt  }
.Lfunc_end0:
.L_simem_size_0:
called_computation_lowered:
.L_overlay_start_0:
0x88: {  	s2 =	sld [smem:$0x3FD9]  }
0x89: {  	s3 =	sld [smem:$0x3FFE];
	_ =	sdelay $0x1  }
0x8a: {  	s1 =	srdreg.scid  }
0x8b: {  	s0 =	sand.u32 $0x1, s1  }
0x8c: {  	s17 =	sshll.u32 s0, $0xA;
	s2 =	sadd.s32 s3, s2  }
0x8d: {  	s2 =	sadd.s32 s2, s17  }
0x8e: {  	[smem:$0x3FC0] =	sst s2  }
0x8f: {  	_ = 	snop  }
0x90: {  	s2 =	sld [smem:$0x3FD0];
	(tm) =	ssettm $0x1  }
0x91: {  	s18 =	sld [smem:$0x3FFB];
	_ =	sdelay $0x3  }
0x92: {  	_ =	strace s18  }
0x93: {  	s3 =	sld [smem:$0x3FFC];
	_ =	sdelay $0x3  }
0x94: {  	_ =	strace s3  }
0x95: {  	s3 =	sld [smem:$0x3FFD];
	_ =	sdelay $0x3  }
0x96: {  	_ =	strace s3  }
0x97: {  	_ =	strace $0x8FFFFFFF  }
0x98: {  	s19 =	sld [smem:$0x3FDB];
	_ =	sdelay $0x1  }
0x99: {  	s4 =	simm.s32 $_scs_section_size  }
0x9a: {  	s5 =	simm.s32 $_size__tile_overlayer_lowered;
	s6 =	simm.s32 $_tile_overlayer_lowered  }
0x9b: {  	s22 =	simm.s32 $0x1BFF;
	s21 =	sshll.u32 s6, $0x1;
	s3 =	sadd.s32 s4, s19  }
0x9c: {  	s7 =	simm.s32 $0x0;
	s20 =	sshll.u32 s5, $0x1;
	s5 =	sadd.s32 s21, s3  }
0x9d: {  	[timem:s7], [sflag:s22] =	dma.local [hbm:s5], s20  }
0x9e: {  	_ =	swait.ge [sflag:s22], s20  }
0x9f: {  	s4 =	ssub.s32 $0x0, s20;
	[sflag:s22] =	ssyncset.done $0x0  }
0xa0: {  	[sflag:s22] =	ssyncadd.s32 s4;
	_ =	sdelay $0x1  }
0xa1: {  	s23 =	simm.s32 $0x1B8B  }
0xa2: {  	_ =	swait.ge [sflag:s23], $0x1  }
0xa3: {  	[sflag:s23] =	ssyncset.done $0x0  }
0xa4: {  	s25 =	simm.s32 $0x1B8E;
	s24 =	sld [smem:$0x3FFE];
	[sflag:s23] =	ssyncadd.s32 $0xFFFFFFFF  }
0xa5: {  	s26 =	simm.s32 $execute0_lowered;
	[smem:$0x3FD2] =	sst s25  }
0xa6: {  	s5 =	sshll.u32 s26, $0x1;
	_ =	strace $0x80000046;
	[dreg:$0x1] =	wrdreg $0xFFFFFFFF  }
0xa7: {  	s28 =	simm.s32 $_size_execute0_lowered;
	s3 =	sadd.s32 s3, s5;
	[dreg:$0x0] =	wrdreg $0x0  }
0xa8: {  	s5 =	sshll.u32 s28, $0x1;
	[dreg:$0x2] =	wrdreg s3  }
0xa9: {  	[dreg:$0x3] =	wrdreg s5  }
0xaa: {  	[dreg:$0x4] =	wrdreg $0xC0  }
0xab: {  	_ =	task [dreg:s7], $0x5FFFF  }
0xac: {  	[dreg:$0x1] =	wrdreg $0xFFFFFFFF  }
0xad: {  	[dreg:$0x0] =	wrdreg $0x60  }
0xae: {  	[dreg:$0x2] =	wrdreg s2  }
0xaf: {  	[dreg:$0x3] =	wrdreg s24  }
0xb0: {  	[dreg:$0x4] =	wrdreg $0xA8800  }
0xb1: {  	[dreg:$0x5] =	wrdreg $0x9  }
0xb2: {  	_ =	task.clear_ibuf [dreg:s7], $0x6FFFF;
	_ =	strace $0x90000046  }
0xb3: {  	s29 =	simm.s32 $0x9;
	_ =	strace $0x80000048  }
0xb4: {  	_ =	swait.ge [sflag:s29], $0x1  }
0xb5: {  	[sflag:s29] =	ssyncadd.s32 $0xFFFFFFFF  }
0xb6: {  	_ =	strace $0x90000048  }
0xb7: {  	_ =	sfence  }
0xb8: {  	s30 =	sld [smem:$0x0];
	_ =	sdelay $0x2  }
0xb9: {  	s31 =	sshll.u32 s1, $0xD;
	s1 =	sshrl.u32 s1, $0x2  }
0xba: {  	s3 =	sand.u32 $0x4000, s31;
	s1 =	sadd.s32 s1, s30  }
0xbb: {  	s0 =	sor.u32 s3, s0;
	s1 =	sshll.u32 s1, $0x11  }
0xbc: {  	s0 =	sor.u32 s1, s0  }
0xbd: {  	s0 =	sadd.s32 $0x8F2B, s0  }
0xbe: {  	[sflag:s0] =	ssyncadd.remote.s32 $0x1  }
0xbf: {  	_ =	sfence.sel $0xFFFF  }
0xc0: {  	[dreg:$0x0] =	wrdreg $0xFFFFFFFF;
	(pc) =	sbr.abs _section_cstart, $3  }
0xc1: {  	[dreg:$0x1] =	wrdreg $0xFFFFFFFF  }
0xc2: {  	_ =	task.clear_ibuf [dreg:s7], $0x2FFFF;
	_ =	strace $0x9FFFFFFF  }
0xc3: {  	(tm) =	ssettm $0x7FFFFFFF  }
tec
execute0_lowered:
.L_overlay_start_1:
0x0: {  	(tag) =	ssettag $0x1  }
0x1: {  	s6 =	rddreg [dreg:$0x0]  }
0x2: {  	s7 =	rddreg [dreg:$0x1]  }
0x3: {  	s1 =	rddreg [dreg:$0x2]  }
0x4: {  	s0 =	rddreg [dreg:$0x3];
	s2 =	simm.s32 $0x0;
	s5 =	srdreg.scid  }
0x5: {  	s3 =	stileid.u32;
	s21 =	simm.s32 $0x2800;
	s22 =	simm.s32 $0x80  }
0x6: {  	[smem:$0x7FF] =	sst s2;
	s11 =	sadd.s32 $0x2000, s7;
	s4 =	sadd.s32 $0x2600, s7  }
0x7: {  	s9 =	sand.u32 $0x1, s5;
	s5 =	sadd.s32 $0x2E00, s7;
	s12 =	smul.u32 $0x280, s3  }
0x8: {  	s16 =	sadd.s32 $0x3600, s7;
	s19 =	smul.u32 $0x14000, s3;
	_ =	strace $0x80000047  }
0x9: {  	s8 =	sshll.u32 s9, $0x4;
	s23 =	ssub.s32 $0x2, s9;
	s18 =	smul.u32 $0x140000, s9  }
0xa: {  	s8 =	sor.u32 s3, s8;
	s10 =	sshrl.u32 s23, $0x1;
	s13 =	sadd.s32 $0x80, s12  }
0xb: {  	s24 =	sshrl.u32 s12, $0x3;
	s14 =	sadd.s32 $0x100, s12;
	s15 =	sadd.s32 $0x180, s12  }
0xc: {  	s20 =	sadd.s32 $0x200, s12;
	s8 =	smul.u32 $0x500, s8;
	s17 =	ssub.s32 s23, s10  }
0xd: {  	s25 =	sshrl.u32 s13, $0x3;
	s7 =	sadd.s32 s11, s24;
	s26 =	sshrl.u32 s14, $0x3  }
0xe: {  	s28 =	sshrl.u32 s15, $0x3;
	s13 =	sshll.u32 s13, $0x7;
	s29 =	sadd.s32 s19, s18  }
0xf: {  	s30 =	sshrl.u32 s20, $0x3;
	s14 =	sshll.u32 s14, $0x7;
	s15 =	sshll.u32 s15, $0x7  }
0x10: {  	s31 =	sshll.u32 s20, $0x7;
	s19 =	simm.s32 $0x3;
	s20 =	simm.s32 $0x6880  }
0x11: {  	s23 =	simm.s32 $0x1;
	s24 =	simm.s32 $0x2;
	s9 =	sadd.s32 s11, s26  }
0x12: {  	s10 =	sadd.s32 s11, s28;
	s13 =	sadd.s32 s18, s13;
	s12 =	sshrl.u32 s29, $0x3  }
0x13: {  	s14 =	sadd.s32 s18, s14;
	s15 =	sadd.s32 s18, s15;
	s18 =	sadd.s32 s18, s31  }
0x14: {  	s17 =	smax.u32 s17, $0x1;
	s6 =	sadd.s32 s6, s8;
	s8 =	sadd.s32 s11, s25  }
0x15: {  	s13 =	sshrl.u32 s13, $0x3;
	s11 =	sadd.s32 s11, s30;
	s12 =	sadd.s32 s16, s12  }
0x16: {  	s14 =	sshrl.u32 s14, $0x3;
	s15 =	sshrl.u32 s15, $0x3;
	s18 =	sshrl.u32 s18, $0x3  }
0x17: {  	s25 =	simm.s32 $0x0;
	s13 =	sadd.s32 s16, s13;
	s14 =	sadd.s32 s16, s14  }
0x18: {  	s15 =	sadd.s32 s16, s15;
	s16 =	sadd.s32 s16, s18;
	s18 =	simm.s32 $0x2880  }
.LBB2_1:
0x19: {  	[tilespmem:s2], [sflag:$0x1] =	stream.linear.gather [hbm4b:s6+s2], $0x2800, $0x38;
	[tilespmem:$0x1E880] =	vst v63  }
0x1a: {  	_ = 	snop  }
0x1b: {  	[tilespmem:s18], [sflag:$0x3] =	stream.linear.gather [hbm4b:s4+s2], $0x4000, $0x38;
	[tilespmem:$0x1E880] =	vst v63  }
0x1c: {  	_ =	swait.ge [sflag:s19], $0x4000  }
0x1d: {  	[sflag:s19] =	ssyncset.done $0x0  }
0x1e: {  	[sflag:s19] =	ssyncadd.s32 $0xFFFFC000  }
0x1f: {  	[tilespmem:s20], [sflag:$0x3] =	stream.linear.gather [hbm4b:s5+s2], $0x4000, $0x38;
	[tilespmem:$0x1E880] =	vst v63  }
0x20: {  	_ =	swait.ge [sflag:s19], $0x4000  }
0x21: {  	[sflag:s19] =	ssyncset.done $0x0  }
0x22: {  	[sflag:s19] =	ssyncadd.s32 $0xFFFFC000  }
0x23: {  	[tilespmem:s21], [sflag:$0x3] =	stream.linear.gather [hbm4b:s7+s2], $0x80, $0x38;
	[tilespmem:$0x1E880] =	vst v63  }
0x24: {  	_ =	swait.ge [sflag:s19], $0x80  }
0x25: {  	[sflag:s19] =	ssyncset.done $0x0  }
0x26: {  	[sflag:s19] =	ssyncadd.s32 $0xFFFFFF80  }
0x27: {  	[spmem:s1] =	stream.indirect.scatter [tilespmem:s18], [sflag:$0x3], $0x80, s21, s22, $0xb8;
	[tilespmem:$0x1E880] =	vst v63  }
0x28: {  	_ =	swait.ge [sflag:s19], $0x4000  }
0x29: {  	[sflag:s19] =	ssyncset.done $0x0  }
0x2a: {  	[sflag:s19] =	ssyncadd.s32 $0xFFFFC000  }
0x2b: {  	[tilespmem:s21], [sflag:$0x3] =	stream.linear.gather [hbm4b:s8+s2], $0x80, $0x38;
	[tilespmem:$0x1E880] =	vst v63  }
0x2c: {  	_ =	swait.ge [sflag:s19], $0x80  }
0x2d: {  	[sflag:s19] =	ssyncset.done $0x0  }
0x2e: {  	[sflag:s19] =	ssyncadd.s32 $0xFFFFFF80  }
0x2f: {  	[spmem:s1] =	stream.indirect.scatter [tilespmem:s18], [sflag:$0x3], $0x80, s21, s22, $0xb8;
	[tilespmem:$0x1E880] =	vst v63  }
0x30: {  	_ =	swait.ge [sflag:s19], $0x4000  }
0x31: {  	[sflag:s19] =	ssyncset.done $0x0  }
0x32: {  	[sflag:s19] =	ssyncadd.s32 $0xFFFFC000  }
0x33: {  	[tilespmem:s21], [sflag:$0x3] =	stream.linear.gather [hbm4b:s9+s2], $0x80, $0x38;
	[tilespmem:$0x1E880] =	vst v63  }
0x34: {  	_ =	swait.ge [sflag:s19], $0x80  }
0x35: {  	[sflag:s19] =	ssyncset.done $0x0  }
0x36: {  	[sflag:s19] =	ssyncadd.s32 $0xFFFFFF80  }
0x37: {  	[spmem:s1] =	stream.indirect.scatter [tilespmem:s18], [sflag:$0x3], $0x80, s21, s22, $0xb8;
	[tilespmem:$0x1E880] =	vst v63  }
0x38: {  	_ =	swait.ge [sflag:s19], $0x4000  }
0x39: {  	[sflag:s19] =	ssyncset.done $0x0  }
0x3a: {  	[sflag:s19] =	ssyncadd.s32 $0xFFFFC000  }
0x3b: {  	[tilespmem:s21], [sflag:$0x3] =	stream.linear.gather [hbm4b:s10+s2], $0x80, $0x38;
	[tilespmem:$0x1E880] =	vst v63  }
0x3c: {  	_ =	swait.ge [sflag:s19], $0x80  }
0x3d: {  	[sflag:s19] =	ssyncset.done $0x0  }
0x3e: {  	[sflag:s19] =	ssyncadd.s32 $0xFFFFFF80  }
0x3f: {  	[spmem:s1] =	stream.indirect.scatter [tilespmem:s18], [sflag:$0x3], $0x80, s21, s22, $0xb8;
	[tilespmem:$0x1E880] =	vst v63  }
0x40: {  	_ =	swait.ge [sflag:s19], $0x4000  }
0x41: {  	[sflag:s19] =	ssyncset.done $0x0  }
0x42: {  	[sflag:s19] =	ssyncadd.s32 $0xFFFFC000  }
0x43: {  	[tilespmem:s21], [sflag:$0x3] =	stream.linear.gather [hbm4b:s11+s2], $0x80, $0x38;
	[tilespmem:$0x1E880] =	vst v63  }
0x44: {  	_ =	swait.ge [sflag:s19], $0x80  }
0x45: {  	[sflag:s19] =	ssyncset.done $0x0  }
0x46: {  	[sflag:s19] =	ssyncadd.s32 $0xFFFFFF80  }
0x47: {  	[spmem:s1] =	stream.indirect.scatter [tilespmem:s18], [sflag:$0x3], $0x80, s21, s22, $0xb8;
	[tilespmem:$0x1E880] =	vst v63  }
0x48: {  	_ =	swait.ge [sflag:s19], $0x4000  }
0x49: {  	[sflag:s19] =	ssyncset.done $0x0  }
0x4a: {  	[sflag:s19] =	ssyncadd.s32 $0xFFFFC000  }
0x4b: {  	_ =	swait.ge [sflag:s23], $0x2800  }
0x4c: {  	[sflag:s23] =	ssyncset.done $0x0  }
0x4d: {  	[sflag:s23] =	ssyncadd.s32 $0xFFFFD800  }
0x4e: {  	s26 =	simm.s32 $0x0;
	[bflag:$0x0] =	sbarrier.arrive $0xFFFF  }
0x4f: {  	[spmem:s1] =	stream.indirect.scatter.add.f32 [tilespmem:s20], [sflag:$0x2], $0x80, s26, s22, $0xb8;
	[tilespmem:$0x1E880] =	vst v63  }
0x50: {  	s31 =	simm.s32 $0x80  }
0x51: {  	[spmem:s1] =	stream.indirect.scatter.add.f32 [tilespmem:s20], [sflag:$0x2], $0x80, s31, s22, $0xb8;
	[tilespmem:$0x1E880] =	vst v63  }
0x52: {  	s28 =	simm.s32 $0x100  }
0x53: {  	[spmem:s1] =	stream.indirect.scatter.add.f32 [tilespmem:s20], [sflag:$0x2], $0x80, s28, s22, $0xb8;
	[tilespmem:$0x1E880] =	vst v63  }
0x54: {  	s30 =	simm.s32 $0x180  }
0x55: {  	[spmem:s1] =	stream.indirect.scatter.add.f32 [tilespmem:s20], [sflag:$0x2], $0x80, s30, s22, $0xb8;
	[tilespmem:$0x1E880] =	vst v63  }
0x56: {  	s31 =	simm.s32 $0x200  }
0x57: {  	[spmem:s1] =	stream.indirect.scatter.add.f32 [tilespmem:s20], [sflag:$0x2], $0x80, s31, s22, $0xb8;
	[tilespmem:$0x1E880] =	vst v63  }
0x58: {  	s28 =	simm.s32 $0x280  }
0x59: {  	[spmem:s1] =	stream.indirect.scatter.add.f32 [tilespmem:s20], [sflag:$0x2], $0x80, s28, s22, $0xb8;
	[tilespmem:$0x1E880] =	vst v63  }
0x5a: {  	s30 =	simm.s32 $0x300  }
0x5b: {  	[spmem:s1] =	stream.indirect.scatter.add.f32 [tilespmem:s20], [sflag:$0x2], $0x80, s30, s22, $0xb8;
	[tilespmem:$0x1E880] =	vst v63  }
0x5c: {  	s31 =	simm.s32 $0x380  }
0x5d: {  	[spmem:s1] =	stream.indirect.scatter.add.f32 [tilespmem:s20], [sflag:$0x2], $0x80, s31, s22, $0xb8;
	[tilespmem:$0x1E880] =	vst v63  }
0x5e: {  	_ =	swait.ge [sflag:s24], $0x4000  }
0x5f: {  	[sflag:s24] =	ssyncset.done $0x0  }
0x60: {  	[sflag:s24] =	ssyncadd.s32 $0xFFFFC000  }
0x61: {  	_ =	swait.ge [sflag:s24], $0x4000  }
0x62: {  	[sflag:s24] =	ssyncset.done $0x0  }
0x63: {  	[sflag:s24] =	ssyncadd.s32 $0xFFFFC000  }
0x64: {  	_ =	swait.ge [sflag:s24], $0x4000  }
0x65: {  	[sflag:s24] =	ssyncset.done $0x0  }
0x66: {  	[sflag:s24] =	ssyncadd.s32 $0xFFFFC000  }
0x67: {  	_ =	swait.ge [sflag:s24], $0x4000  }
0x68: {  	[sflag:s24] =	ssyncset.done $0x0  }
0x69: {  	[sflag:s24] =	ssyncadd.s32 $0xFFFFC000  }
0x6a: {  	_ =	swait.ge [sflag:s24], $0x4000  }
0x6b: {  	[sflag:s24] =	ssyncset.done $0x0  }
0x6c: {  	[sflag:s24] =	ssyncadd.s32 $0xFFFFC000  }
0x6d: {  	_ =	swait.ge [sflag:s24], $0x4000  }
0x6e: {  	[sflag:s24] =	ssyncset.done $0x0  }
0x6f: {  	[sflag:s24] =	ssyncadd.s32 $0xFFFFC000  }
0x70: {  	_ =	swait.ge [sflag:s24], $0x4000  }
0x71: {  	[sflag:s24] =	ssyncset.done $0x0  }
0x72: {  	[sflag:s24] =	ssyncadd.s32 $0xFFFFC000  }
0x73: {  	_ =	swait.ge [sflag:s24], $0x4000  }
0x74: {  	s29 =	simm.s32 $0x2000;
	s26 =	simm.s32 $0x1000;
	[sflag:s24] =	ssyncset.done $0x0  }
.LBB2_2:
0x75: {  	s30 =	sshra.s32 s26, $0x2  }
0x76: {  	[sflag:s24] =	ssyncadd.s32 $0xFFFFC000;
	s26 =	smov.u32 s29;
	s28 =	sadd.s32 $0x1000, s29  }
0x77: {  	[spmem:s1] =	stream.indirect.scatter.add.f32 [tilespmem:s20], [sflag:$0x2], $0x80, s30, s22, $0xb8;
	[tilespmem:$0x1E880] =	vst v63  }
0x78: {  	p0 =	sne.s32 s29, $0x9000;
	s29 =	sadd.s32 $0x80, s30  }
0x79: {  	[spmem:s1] =	stream.indirect.scatter.add.f32 [tilespmem:s20], [sflag:$0x2], $0x80, s29, s22, $0xb8;
	[tilespmem:$0x1E880] =	vst v63  }
0x7a: {  	s29 =	sadd.s32 $0x100, s30  }
0x7b: {  	[spmem:s1] =	stream.indirect.scatter.add.f32 [tilespmem:s20], [sflag:$0x2], $0x80, s29, s22, $0xb8;
	[tilespmem:$0x1E880] =	vst v63  }
0x7c: {  	s29 =	sadd.s32 $0x180, s30  }
0x7d: {  	[spmem:s1] =	stream.indirect.scatter.add.f32 [tilespmem:s20], [sflag:$0x2], $0x80, s29, s22, $0xb8;
	[tilespmem:$0x1E880] =	vst v63  }
0x7e: {  	s29 =	sadd.s32 $0x200, s30  }
0x7f: {  	[spmem:s1] =	stream.indirect.scatter.add.f32 [tilespmem:s20], [sflag:$0x2], $0x80, s29, s22, $0xb8;
	[tilespmem:$0x1E880] =	vst v63  }
0x80: {  	s29 =	sadd.s32 $0x280, s30  }
0x81: {  	[spmem:s1] =	stream.indirect.scatter.add.f32 [tilespmem:s20], [sflag:$0x2], $0x80, s29, s22, $0xb8;
	[tilespmem:$0x1E880] =	vst v63  }
0x82: {  	s29 =	sadd.s32 $0x300, s30  }
0x83: {  	[spmem:s1] =	stream.indirect.scatter.add.f32 [tilespmem:s20], [sflag:$0x2], $0x80, s29, s22, $0xb8;
	[tilespmem:$0x1E880] =	vst v63  }
0x84: {  	s29 =	sadd.s32 $0x380, s30  }
0x85: {  	[spmem:s1] =	stream.indirect.scatter.add.f32 [tilespmem:s20], [sflag:$0x2], $0x80, s29, s22, $0xb8;
	[tilespmem:$0x1E880] =	vst v63  }
0x86: {  	_ =	swait.ge [sflag:s24], $0x4000  }
0x87: {  	[sflag:s24] =	ssyncset.done $0x0  }
0x88: {  	[sflag:s24] =	ssyncadd.s32 $0xFFFFC000  }
0x89: {  	_ =	swait.ge [sflag:s24], $0x4000  }
0x8a: {  	[sflag:s24] =	ssyncset.done $0x0  }
0x8b: {  	[sflag:s24] =	ssyncadd.s32 $0xFFFFC000  }
0x8c: {  	_ =	swait.ge [sflag:s24], $0x4000  }
0x8d: {  	[sflag:s24] =	ssyncset.done $0x0  }
0x8e: {  	[sflag:s24] =	ssyncadd.s32 $0xFFFFC000  }
0x8f: {  	_ =	swait.ge [sflag:s24], $0x4000  }
0x90: {  	[sflag:s24] =	ssyncset.done $0x0  }
0x91: {  	[sflag:s24] =	ssyncadd.s32 $0xFFFFC000  }
0x92: {  	_ =	swait.ge [sflag:s24], $0x4000  }
0x93: {  	[sflag:s24] =	ssyncset.done $0x0  }
0x94: {  	[sflag:s24] =	ssyncadd.s32 $0xFFFFC000  }
0x95: {  	_ =	swait.ge [sflag:s24], $0x4000  }
0x96: {  	[sflag:s24] =	ssyncset.done $0x0  }
0x97: {  	[sflag:s24] =	ssyncadd.s32 $0xFFFFC000  }
.Ltmp0:
0x98: {  	_ =	swait.ge [sflag:s24], $0x4000;
	(pc) =	sbr.rel @p0 .LBB2_2-.Ltmp0, $4  }
0x99: {  	[sflag:s24] =	ssyncset.done $0x0  }
0x9a: {  	[sflag:s24] =	ssyncadd.s32 $0xFFFFC000  }
0x9b: {  	_ =	swait.ge [sflag:s24], $0x4000  }
0x9c: {  	s29 =	smov.u32 s28;
	[sflag:s24] =	ssyncset.done $0x0  }
0x9d: {  	s26 =	sshra.s32 s26, $0x2;
	[sflag:s24] =	ssyncadd.s32 $0xFFFFC000  }
0x9e: {  	[spmem:s1] =	stream.indirect.scatter.add.f32 [tilespmem:s20], [sflag:$0x2], $0x80, s26, s22, $0xb8;
	[tilespmem:$0x1E880] =	vst v63  }
0x9f: {  	s28 =	sadd.s32 $0x80, s26  }
0xa0: {  	[spmem:s1] =	stream.indirect.scatter.add.f32 [tilespmem:s20], [sflag:$0x2], $0x80, s28, s22, $0xb8;
	[tilespmem:$0x1E880] =	vst v63  }
0xa1: {  	s30 =	sadd.s32 $0x100, s26  }
0xa2: {  	[spmem:s1] =	stream.indirect.scatter.add.f32 [tilespmem:s20], [sflag:$0x2], $0x80, s30, s22, $0xb8;
	[tilespmem:$0x1E880] =	vst v63  }
0xa3: {  	s31 =	sadd.s32 $0x180, s26  }
0xa4: {  	[spmem:s1] =	stream.indirect.scatter.add.f32 [tilespmem:s20], [sflag:$0x2], $0x80, s31, s22, $0xb8;
	[tilespmem:$0x1E880] =	vst v63  }
0xa5: {  	s29 =	sadd.s32 $0x200, s26  }
0xa6: {  	[spmem:s1] =	stream.indirect.scatter.add.f32 [tilespmem:s20], [sflag:$0x2], $0x80, s29, s22, $0xb8;
	[tilespmem:$0x1E880] =	vst v63  }
0xa7: {  	s30 =	sadd.s32 $0x280, s26  }
0xa8: {  	[spmem:s1] =	stream.indirect.scatter.add.f32 [tilespmem:s20], [sflag:$0x2], $0x80, s30, s22, $0xb8;
	[tilespmem:$0x1E880] =	vst v63  }
0xa9: {  	s31 =	sadd.s32 $0x300, s26  }
0xaa: {  	[spmem:s1] =	stream.indirect.scatter.add.f32 [tilespmem:s20], [sflag:$0x2], $0x80, s31, s22, $0xb8;
	[tilespmem:$0x1E880] =	vst v63  }
0xab: {  	s26 =	sadd.s32 $0x380, s26  }
0xac: {  	[spmem:s1] =	stream.indirect.scatter.add.f32 [tilespmem:s20], [sflag:$0x2], $0x80, s26, s22, $0xb8;
	[tilespmem:$0x1E880] =	vst v63  }
0xad: {  	_ =	swait.ge [sflag:s24], $0x4000  }
0xae: {  	[sflag:s24] =	ssyncset.done $0x0  }
0xaf: {  	[sflag:s24] =	ssyncadd.s32 $0xFFFFC000  }
0xb0: {  	_ =	swait.ge [sflag:s24], $0x4000  }
0xb1: {  	[sflag:s24] =	ssyncset.done $0x0  }
0xb2: {  	[sflag:s24] =	ssyncadd.s32 $0xFFFFC000  }
0xb3: {  	_ =	swait.ge [sflag:s24], $0x4000  }
0xb4: {  	[sflag:s24] =	ssyncset.done $0x0  }
0xb5: {  	[sflag:s24] =	ssyncadd.s32 $0xFFFFC000  }
0xb6: {  	_ =	swait.ge [sflag:s24], $0x4000  }
0xb7: {  	[sflag:s24] =	ssyncset.done $0x0  }
0xb8: {  	[sflag:s24] =	ssyncadd.s32 $0xFFFFC000  }
0xb9: {  	_ =	swait.ge [sflag:s24], $0x4000  }
0xba: {  	[sflag:s24] =	ssyncset.done $0x0  }
0xbb: {  	[sflag:s24] =	ssyncadd.s32 $0xFFFFC000  }
0xbc: {  	_ =	swait.ge [sflag:s24], $0x4000  }
0xbd: {  	[sflag:s24] =	ssyncset.done $0x0  }
0xbe: {  	[sflag:s24] =	ssyncadd.s32 $0xFFFFC000  }
0xbf: {  	_ =	swait.ge [sflag:s24], $0x4000  }
0xc0: {  	[sflag:s24] =	ssyncset.done $0x0  }
0xc1: {  	[sflag:s24] =	ssyncadd.s32 $0xFFFFC000  }
0xc2: {  	_ =	swait.ge [sflag:s24], $0x4000  }
0xc3: {  	[sflag:s24] =	ssyncset.done $0x0  }
0xc4: {  	[sflag:s24] =	ssyncadd.s32 $0xFFFFC000  }
0xc5: {  	[bflag:$0x0] =	sbarrier.arrive $0xFFFF  }
0xc6: {  	[tilespmem:s21], [sflag:$0x3] =	stream.linear.gather [hbm4b:s7+s2], $0x80, $0x38;
	[tilespmem:$0x1E880] =	vst v63  }
0xc7: {  	_ =	swait.ge [sflag:s19], $0x80  }
0xc8: {  	[sflag:s19] =	ssyncset.done $0x0  }
0xc9: {  	[sflag:s19] =	ssyncadd.s32 $0xFFFFFF80  }
0xca: {  	[tilespmem:s18], [sflag:$0x3] =	stream.indirect.gather [spmem:s1], $0x80, s21, s22, $0xb8;
	[tilespmem:$0x1E880] =	vst v63  }
0xcb: {  	_ =	swait.ge [sflag:s19], $0x4000  }
0xcc: {  	[sflag:s19] =	ssyncset.done $0x0  }
0xcd: {  	[sflag:s19] =	ssyncadd.s32 $0xFFFFC000  }
0xce: {  	[hbm4b:s12+s2] =	stream.linear.scatter [tilespmem:s18], [sflag:$0x3], $0x4000, $0x38;
	[tilespmem:$0x1E880] =	vst v63  }
0xcf: {  	_ =	swait.ge [sflag:s19], $0x4000  }
0xd0: {  	[sflag:s19] =	ssyncset.done $0x0  }
0xd1: {  	[sflag:s19] =	ssyncadd.s32 $0xFFFFC000  }
0xd2: {  	[tilespmem:s21], [sflag:$0x3] =	stream.linear.gather [hbm4b:s8+s2], $0x80, $0x38;
	[tilespmem:$0x1E880] =	vst v63  }
0xd3: {  	_ =	swait.ge [sflag:s19], $0x80  }
0xd4: {  	[sflag:s19] =	ssyncset.done $0x0  }
0xd5: {  	[sflag:s19] =	ssyncadd.s32 $0xFFFFFF80  }
0xd6: {  	[tilespmem:s18], [sflag:$0x3] =	stream.indirect.gather [spmem:s1], $0x80, s21, s22, $0xb8;
	[tilespmem:$0x1E880] =	vst v63  }
0xd7: {  	_ =	swait.ge [sflag:s19], $0x4000  }
0xd8: {  	[sflag:s19] =	ssyncset.done $0x0  }
0xd9: {  	[sflag:s19] =	ssyncadd.s32 $0xFFFFC000  }
0xda: {  	[hbm4b:s13+s2] =	stream.linear.scatter [tilespmem:s18], [sflag:$0x3], $0x4000, $0x38;
	[tilespmem:$0x1E880] =	vst v63  }
0xdb: {  	_ =	swait.ge [sflag:s19], $0x4000  }
0xdc: {  	[sflag:s19] =	ssyncset.done $0x0  }
0xdd: {  	[sflag:s19] =	ssyncadd.s32 $0xFFFFC000  }
0xde: {  	[tilespmem:s21], [sflag:$0x3] =	stream.linear.gather [hbm4b:s9+s2], $0x80, $0x38;
	[tilespmem:$0x1E880] =	vst v63  }
0xdf: {  	_ =	swait.ge [sflag:s19], $0x80  }
0xe0: {  	[sflag:s19] =	ssyncset.done $0x0  }
0xe1: {  	[sflag:s19] =	ssyncadd.s32 $0xFFFFFF80  }
0xe2: {  	[tilespmem:s18], [sflag:$0x3] =	stream.indirect.gather [spmem:s1], $0x80, s21, s22, $0xb8;
	[tilespmem:$0x1E880] =	vst v63  }
0xe3: {  	_ =	swait.ge [sflag:s19], $0x4000  }
0xe4: {  	[sflag:s19] =	ssyncset.done $0x0  }
0xe5: {  	[sflag:s19] =	ssyncadd.s32 $0xFFFFC000  }
0xe6: {  	[hbm4b:s14+s2] =	stream.linear.scatter [tilespmem:s18], [sflag:$0x3], $0x4000, $0x38;
	[tilespmem:$0x1E880] =	vst v63  }
0xe7: {  	_ =	swait.ge [sflag:s19], $0x4000  }
0xe8: {  	[sflag:s19] =	ssyncset.done $0x0  }
0xe9: {  	[sflag:s19] =	ssyncadd.s32 $0xFFFFC000  }
0xea: {  	[tilespmem:s21], [sflag:$0x3] =	stream.linear.gather [hbm4b:s10+s2], $0x80, $0x38;
	[tilespmem:$0x1E880] =	vst v63  }
0xeb: {  	_ =	swait.ge [sflag:s19], $0x80  }
0xec: {  	[sflag:s19] =	ssyncset.done $0x0  }
0xed: {  	[sflag:s19] =	ssyncadd.s32 $0xFFFFFF80  }
0xee: {  	[tilespmem:s18], [sflag:$0x3] =	stream.indirect.gather [spmem:s1], $0x80, s21, s22, $0xb8;
	[tilespmem:$0x1E880] =	vst v63  }
0xef: {  	_ =	swait.ge [sflag:s19], $0x4000  }
0xf0: {  	[sflag:s19] =	ssyncset.done $0x0  }
0xf1: {  	[sflag:s19] =	ssyncadd.s32 $0xFFFFC000  }
0xf2: {  	[hbm4b:s15+s2] =	stream.linear.scatter [tilespmem:s18], [sflag:$0x3], $0x4000, $0x38;
	[tilespmem:$0x1E880] =	vst v63  }
0xf3: {  	_ =	swait.ge [sflag:s19], $0x4000  }
0xf4: {  	[sflag:s19] =	ssyncset.done $0x0  }
0xf5: {  	[sflag:s19] =	ssyncadd.s32 $0xFFFFC000  }
0xf6: {  	[tilespmem:s21], [sflag:$0x3] =	stream.linear.gather [hbm4b:s11+s2], $0x80, $0x38;
	[tilespmem:$0x1E880] =	vst v63  }
0xf7: {  	_ =	swait.ge [sflag:s19], $0x80  }
0xf8: {  	[sflag:s19] =	ssyncset.done $0x0  }
0xf9: {  	[sflag:s19] =	ssyncadd.s32 $0xFFFFFF80  }
0xfa: {  	[tilespmem:s18], [sflag:$0x3] =	stream.indirect.gather [spmem:s1], $0x80, s21, s22, $0xb8;
	[tilespmem:$0x1E880] =	vst v63  }
0xfb: {  	s25 =	sadd.s32 $0x1, s25;
	_ =	swait.ge [sflag:s19], $0x4000  }
0xfc: {  	p0 =	sne.s32 s25, s17;
	[sflag:s19] =	ssyncset.done $0x0  }
.Ltmp1:
0xfd: {  	[sflag:s19] =	ssyncadd.s32 $0xFFFFC000;
	(pc) =	sbr.rel @p0 .LBB2_1-.Ltmp1, $4  }
0xfe: {  	[hbm4b:s16+s2] =	stream.linear.scatter [tilespmem:s18], [sflag:$0x3], $0x4000, $0x38;
	[tilespmem:$0x1E880] =	vst v63  }
0xff: {  	_ =	swait.ge [sflag:s19], $0x4000  }
0x100: {  	[sflag:s19] =	ssyncset.done $0x0  }
0x101: {  	[sflag:s19] =	ssyncadd.s32 $0xFFFFC000  }
0x102: {  	_ =	sfence.sel $0x180000  }
0x103: {  	[bflag:$0x0] =	sbarrier.arrive $0xFFFF  }
0x104: {  	p0 =	sne.s32 s3, $0x0;
	_ =	strace $0x90000047  }
0x105: {  	s0 =	sadd.s32 @!p0 $0x100000, s0;
	[bflag:$0x2] =	sbarrier.arrive $0xFFFF  }
0x106: {  	[sflag:s0] =	ssyncadd.tile.s32 @!p0 $0x1;
	_ =	shalt  }
.Lfunc_end2:
_tile_overlayer_lowered:
.L_overlay_start_2:
0x107: {  	(tag) =	ssettag $0x2  }
0x108: {  	s0 =	rddreg [dreg:$0x0];
	s2 =	stileid.u32  }
0x109: {  	s1 =	rddreg [dreg:$0x1];
	p0 =	sne.s32 s2, $0x0  }
0x10a: {  	s3 =	rddreg [dreg:$0x2];
	[bflag:$0x3] =	sbarrier.arrive $0xFFFF;
	s2 =	simm.s32 @!p0 $0x1C03  }
0x10b: {  	[timem:s3], [sflag:s2] =	dma.local @!p0 [hbm:s0], s1  }
0x10c: {  	s0 =	simm.s32 @!p0 $0x3  }
0x10d: {  	_ =	swait.ge @!p0 [sflag:s0], s1  }
0x10e: {  	s1 =	ssub.s32 @!p0 $0x0, s1;
	[sflag:s0] =	ssyncset.done @!p0 $0x0  }
0x10f: {  	[sflag:s0] =	ssyncadd.s32 @!p0 s1  }
0x110: {  	[bflag:$0x3] =	sbarrier.arrive $0xFFFF  }
0x111: {  	_ =	shalt  }

// kernel: sage_segment_sum_sc.4.cloned.1.call-start
scs
__scs_entry_jumppad:
0x0: {  	(pc) =	sbr.rel $0x88, $3  }
0x1: {  	(tag) =	ssettag $0x0;
	lr =	simm.s32 $0x1  }
0x2: {  	[smem:$0x3F99] =	sst lr;
	_ =	strace $0xD0000000  }
0x3: {  	_ = 	snop  }
0x4: {  	_ = 	snop  }
0x5: {  	_ = 	snop  }
0x6: {  	_ = 	snop  }
0x7: {  	_ = 	snop  }
__scs_overlays_trampoline_lowered:
0x8: {  	[smem:$0x3FA8] =	sst s0  }
0x9: {  	[smem:$0x3FA9] =	sst s1  }
0xa: {  	[smem:$0x3FAA] =	sst s2  }
0xb: {  	[smem:$0x3FAB] =	sst s3  }
0xc: {  	[smem:$0x3FAC] =	sst s4  }
0xd: {  	[smem:$0x3FAD] =	sst s5  }
0xe: {  	[smem:$0x3FAE] =	sst s6  }
0xf: {  	[smem:$0x3FAF] =	sst s7  }
0x10: {  	[smem:$0x3FB0] =	sst s8  }
0x11: {  	[smem:$0x3FB1] =	sst s9;
	s0 =	simm.s32 @!p0 $0x0  }
0x12: {  	s1 =	sld [smem:$0x3F97];
	s0 =	simm.s32 @p0 $0x1  }
0x13: {  	[smem:$0x3FB2] =	sst s0;
	s0 =	simm.s32 @!p1 $0x0  }
0x14: {  	s2 =	sld [smem:$0x3F96];
	s0 =	simm.s32 @p1 $0x1  }
0x15: {  	[smem:$0x3FB3] =	sst s0;
	s0 =	simm.s32 @!p2 $0x0  }
0x16: {  	s3 =	sld [smem:$0x3FDB];
	s0 =	simm.s32 @p2 $0x1  }
0x17: {  	s4 =	simm.s32 $0x1BF5;
	[smem:$0x3FB5] =	sst s0  }
0x18: {  	s0 =	sld [smem:$0x3F98];
	_ =	swait.ge [sflag:s4], $0x0  }
0x19: {  	s7 =	sld [smem:$0x3F99]  }
0x1a: {  	s8 =	sadd.s32 $0xFFFFE003, lr  }
0x1b: {  	s9 =	sadd.s32 $0xFFFFFEF7, lr;
	s5 =	simm.s32 $0xFFFFFFFF;
	p2 =	slt.u32 s8, $0xFFFFF086  }
0x1c: {  	p1 =	slt.u32 s9, $0xF7A;
	s5 =	simm.s32 @!p2 $0x0  }
0x1d: {  	s5 =	simm.s32 @p1 $0x1;
	p0 =	seq.s32 s7, s2  }
0x1e: {  	s7 =	smul.u32 @!p0 $0xF7A, s2;
	p2 =	seq.s32 @!p0 s5, $0x0  }
0x1f: {  	s9 =	smul.u32 $0xF7A, s1;
	s8 =	simm.s32 @!p0 $0x1BF5;
	p2 =	por !p2, p0  }
0x20: {  	[sflag:s8] =	ssyncset.s32 @!p0 $0xFFFFF086;
	s6 =	sadd.s32 @!p0 s3, s7;
	s7 =	simm.s32 @!p0 $0x108  }
0x21: {  	s3 =	sadd.s32 s3, s9;
	s6 =	sadd.s32 @!p0 $0x88, s6;
	s7 =	simm.s32 @p2 $0x1082  }
0x22: {  	[simem:s7], [sflag:s8] =	dma.local @!p0 [hbm:s6], $0xF7A  }
0x23: {  	s9 =	sor.u32 $0xD0000000, s2;
	s6 =	simm.s32 $0x108;
	_ =	swait.ge @!p0 [sflag:s8], $0x0  }
0x24: {  	s3 =	sadd.s32 $0x88, s3;
	s6 =	simm.s32 @!p1 $0x1082;
	[sflag:s4] =	ssyncset.s32 $0xFFFFF086  }
0x25: {  	[simem:s6], [sflag:s4] =	dma.local [hbm:s3], $0xF7A  }
0x26: {  	[smem:$0x3F99] =	sst s1;
	(tag) =	ssettag s2;
	_ =	strace s9  }
0x27: {  	s1 =	sld [smem:$0x3FA9]  }
0x28: {  	s2 =	sld [smem:$0x3FAA]  }
0x29: {  	s4 =	sld [smem:$0x3FAC]  }
0x2a: {  	p0 =	seq.s32 s5, $0x0;
	s5 =	sld [smem:$0x3FAD]  }
0x2b: {  	s6 =	sld [smem:$0x3FAE]  }
0x2c: {  	s7 =	sld [smem:$0x3FAF]  }
0x2d: {  	s3 =	simm.s32 $0x108;
	s8 =	sld [smem:$0x3FB0]  }
0x2e: {  	s3 =	simm.s32 @!p0 $0x1082;
	s9 =	sld [smem:$0x3FB1]  }
0x2f: {  	lr =	sadd.s32 s0, s3;
	s0 =	sld [smem:$0x3FA8]  }
0x30: {  	s3 =	sld [smem:$0x3FAB]  }
0x31: {  	[smem:$0x3FB4] =	sst s10  }
0x32: {  	s10 =	sld [smem:$0x3FB2];
	_ =	sdelay $0x3  }
0x33: {  	p0 =	seq.s32 s10, $0x1;
	s10 =	sld [smem:$0x3FB4];
	_ =	sdelay $0x3  }
0x34: {  	[smem:$0x3FB4] =	sst s10  }
0x35: {  	s10 =	sld [smem:$0x3FB3];
	_ =	sdelay $0x3  }
0x36: {  	p1 =	seq.s32 s10, $0x1;
	s10 =	sld [smem:$0x3FB4];
	_ =	sdelay $0x3  }
0x37: {  	[smem:$0x3FB4] =	sst s10  }
0x38: {  	s10 =	sld [smem:$0x3FB5]  }
0x39: {  	_ = 	snop;
	(pc) =	sbr.ind lr, $3  }
0x3a: {  	_ = 	snop  }
0x3b: {  	_ = 	snop  }
0x3c: {  	p2 =	seq.s32 s10, $0x1;
	s10 =	sld [smem:$0x3FB4]  }
0x3d: {  	_ =	shalt  }
0x3e: {  	_ =	shalt  }
0x3f: {  	_ =	shalt  }
0x40: {  	_ =	shalt  }
0x41: {  	_ =	shalt  }
0x42: {  	_ =	shalt  }
0x43: {  	_ =	shalt  }
0x44: {  	_ =	shalt  }
0x45: {  	_ =	shalt  }
0x46: {  	_ =	shalt  }
0x47: {  	_ =	shalt  }
0x48: {  	_ =	shalt  }
0x49: {  	_ =	shalt  }
0x4a: {  	_ =	shalt  }
0x4b: {  	_ =	shalt  }
0x4c: {  	_ =	shalt  }
0x4d: {  	_ =	shalt  }
0x4e: {  	_ =	shalt  }
0x4f: {  	_ =	shalt  }
0x50: {  	_ =	shalt  }
0x51: {  	_ =	shalt  }
0x52: {  	_ =	shalt  }
0x53: {  	_ =	shalt  }
0x54: {  	_ =	shalt  }
0x55: {  	_ =	shalt  }
0x56: {  	_ =	shalt  }
0x57: {  	_ =	shalt  }
0x58: {  	_ =	shalt  }
0x59: {  	_ =	shalt  }
0x5a: {  	_ =	shalt  }
0x5b: {  	_ =	shalt  }
0x5c: {  	_ =	shalt  }
0x5d: {  	_ =	shalt  }
0x5e: {  	_ =	shalt  }
0x5f: {  	_ =	shalt  }
0x60: {  	_ =	shalt  }
0x61: {  	_ =	shalt  }
0x62: {  	_ =	shalt  }
0x63: {  	_ =	shalt  }
0x64: {  	_ =	shalt  }
0x65: {  	_ =	shalt  }
0x66: {  	_ =	shalt  }
0x67: {  	_ =	shalt  }
0x68: {  	_ =	shalt  }
0x69: {  	_ =	shalt  }
0x6a: {  	_ =	shalt  }
0x6b: {  	_ =	shalt  }
0x6c: {  	_ =	shalt  }
0x6d: {  	_ =	shalt  }
0x6e: {  	_ =	shalt  }
0x6f: {  	_ =	shalt  }
0x70: {  	_ =	shalt  }
0x71: {  	_ =	shalt  }
0x72: {  	_ =	shalt  }
0x73: {  	_ =	shalt  }
0x74: {  	_ =	shalt  }
0x75: {  	_ =	shalt  }
0x76: {  	_ =	shalt  }
0x77: {  	_ =	shalt  }
0x78: {  	_ =	shalt  }
0x79: {  	_ =	shalt  }
0x7a: {  	_ =	shalt  }
0x7b: {  	_ =	shalt  }
0x7c: {  	_ =	shalt  }
0x7d: {  	_ =	shalt  }
0x7e: {  	_ =	shalt  }
0x7f: {  	_ =	shalt  }
0x80: {  	_ =	shalt  }
0x81: {  	_ =	shalt  }
0x82: {  	_ =	shalt  }
0x83: {  	_ =	shalt  }
0x84: {  	_ =	shalt  }
0x85: {  	_ =	shalt  }
0x86: {  	_ =	shalt  }
0x87: {  	_ =	shalt  }
.Lfunc_end0:
.L_simem_size_0:
called_computation.1_lowered:
.L_overlay_start_0:
0x88: {  	s2 =	sld [smem:$0x3FD9]  }
0x89: {  	s3 =	sld [smem:$0x3FFE];
	_ =	sdelay $0x1  }
0x8a: {  	s1 =	srdreg.scid  }
0x8b: {  	s0 =	sand.u32 $0x1, s1  }
0x8c: {  	s17 =	sshll.u32 s0, $0xA;
	s2 =	sadd.s32 s3, s2  }
0x8d: {  	s2 =	sadd.s32 s2, s17  }
0x8e: {  	[smem:$0x3FC0] =	sst s2  }
0x8f: {  	_ = 	snop  }
0x90: {  	s18 =	sld [smem:$0x3FC9];
	(tm) =	ssettm $0x1  }
0x91: {  	s19 =	sld [smem:$0x3FFB];
	_ =	sdelay $0x3  }
0x92: {  	_ =	strace s19  }
0x93: {  	s2 =	sld [smem:$0x3FFC];
	_ =	sdelay $0x3  }
0x94: {  	_ =	strace s2  }
0x95: {  	s2 =	sld [smem:$0x3FFD];
	_ =	sdelay $0x3  }
0x96: {  	_ =	strace s2  }
0x97: {  	_ =	strace $0x8FFFFFFF  }
0x98: {  	s20 =	sld [smem:$0x3FDB];
	_ =	sdelay $0x1  }
0x99: {  	s4 =	simm.s32 $_scs_section_size  }
0x9a: {  	s5 =	simm.s32 $_size__tile_overlayer_lowered;
	s6 =	simm.s32 $_tile_overlayer_lowered  }
0x9b: {  	s7 =	simm.s32 $0x1BFF;
	s21 =	sshll.u32 s6, $0x1;
	s4 =	sadd.s32 s4, s20  }
0x9c: {  	s22 =	simm.s32 $0x0;
	s5 =	sshll.u32 s5, $0x1;
	s6 =	sadd.s32 s21, s4  }
0x9d: {  	[timem:s22], [sflag:s7] =	dma.local [hbm:s6], s5  }
0x9e: {  	_ =	swait.ge [sflag:s7], s5  }
0x9f: {  	s5 =	ssub.s32 $0x0, s5;
	[sflag:s7] =	ssyncset.done $0x0  }
0xa0: {  	[sflag:s7] =	ssyncadd.s32 s5;
	_ =	sdelay $0x1  }
0xa1: {  	s23 =	simm.s32 $0x1B8B  }
0xa2: {  	_ =	swait.ge [sflag:s23], $0x1  }
0xa3: {  	[sflag:s23] =	ssyncset.done $0x0  }
0xa4: {  	[sflag:s23] =	ssyncadd.s32 $0xFFFFFFFF  }
0xa5: {  	s5 =	sld [smem:$0x0]  }
0xa6: {  	s6 =	sand.u32 $0xFFFFFFFE, s1  }
0xa7: {  	p0 =	sne.s32 s1, s6  }
0xa8: {  	s6 =	sshll.u32 @p0 s6, $0xE  }
0xa9: {  	s6 =	sadd.s32 @p0 $0x11B8D, s6;
	s7 =	sshll.u32 @p0 s5, $0x11  }
0xaa: {  	s6 =	sor.u32 @p0 s7, s6  }
0xab: {  	[sflag:s6] =	ssyncadd.remote.s32 @p0 $0x1;
	_ =	sdelay $0x1  }
0xac: {  	s6 =	simm.s32 @p0 $0x1B8D  }
0xad: {  	_ =	swait.eq @p0 [sflag:s6], $0x1  }
0xae: {  	[sflag:s6] =	ssyncadd.s32 @p0 $0xFFFFFFFF  }
0xaf: {  	s7 =	sshll.u32 @!p0 s1, $0xE  }
0xb0: {  	s7 =	sor.u32 @!p0 $0x4000, s7;
	s6 =	simm.s32 @!p0 $0x1B8D  }
0xb1: {  	s5 =	sshll.u32 @!p0 s5, $0x11;
	s7 =	sadd.s32 @!p0 $0x11B8D, s7;
	_ =	swait.eq @!p0 [sflag:s6], $0x1  }
0xb2: {  	s5 =	sor.u32 @!p0 s5, s7;
	[sflag:s6] =	ssyncadd.s32 @!p0 $0xFFFFFFFF  }
0xb3: {  	s25 =	simm.s32 $0x1B8E;
	s24 =	sld [smem:$0x3FFE];
	[sflag:s5] =	ssyncadd.remote.s32 @!p0 $0x1  }
0xb4: {  	s26 =	simm.s32 $execute0_lowered;
	[smem:$0x3FD2] =	sst s25  }
0xb5: {  	s6 =	sshll.u32 s26, $0x1;
	_ =	strace $0x80000049;
	[dreg:$0x1] =	wrdreg $0xFFFFFFFF  }
0xb6: {  	s28 =	simm.s32 $_size_execute0_lowered;
	s4 =	sadd.s32 s4, s6;
	[dreg:$0x0] =	wrdreg $0x0  }
0xb7: {  	s6 =	sshll.u32 s28, $0x1;
	[dreg:$0x2] =	wrdreg s4  }
0xb8: {  	[dreg:$0x3] =	wrdreg s6  }
0xb9: {  	[dreg:$0x4] =	wrdreg $0xC0  }
0xba: {  	_ =	task [dreg:s22], $0x5FFFF  }
0xbb: {  	[dreg:$0x1] =	wrdreg $0xFFFFFFFF  }
0xbc: {  	[dreg:$0x0] =	wrdreg $0x60  }
0xbd: {  	[dreg:$0x2] =	wrdreg s18  }
0xbe: {  	[dreg:$0x3] =	wrdreg s24  }
0xbf: {  	[dreg:$0x4] =	wrdreg $0x41000  }
0xc0: {  	[dreg:$0x5] =	wrdreg $0xA  }
0xc1: {  	_ =	task.clear_ibuf [dreg:s22], $0x6FFFF;
	_ =	strace $0x90000049  }
0xc2: {  	s29 =	simm.s32 $0xA;
	_ =	strace $0x8000004B  }
0xc3: {  	_ =	swait.ge [sflag:s29], $0x1  }
0xc4: {  	[sflag:s29] =	ssyncadd.s32 $0xFFFFFFFF  }
0xc5: {  	_ =	strace $0x9000004B  }
0xc6: {  	_ =	sfence  }
0xc7: {  	s30 =	sld [smem:$0x0];
	_ =	sdelay $0x2  }
0xc8: {  	s31 =	sshll.u32 s1, $0xD;
	s1 =	sshrl.u32 s1, $0x2  }
0xc9: {  	s4 =	sand.u32 $0x4000, s31;
	s1 =	sadd.s32 s1, s30  }
0xca: {  	s0 =	sor.u32 s4, s0;
	s1 =	sshll.u32 s1, $0x11  }
0xcb: {  	s0 =	sor.u32 s1, s0  }
0xcc: {  	s0 =	sadd.s32 $0x8F2B, s0  }
0xcd: {  	[sflag:s0] =	ssyncadd.remote.s32 $0x1  }
0xce: {  	_ =	sfence.sel $0xFFFF  }
0xcf: {  	[dreg:$0x0] =	wrdreg $0xFFFFFFFF;
	(pc) =	sbr.abs _section_cstart, $3  }
0xd0: {  	[dreg:$0x1] =	wrdreg $0xFFFFFFFF  }
0xd1: {  	_ =	task.clear_ibuf [dreg:s22], $0x2FFFF;
	_ =	strace $0x9FFFFFFF  }
0xd2: {  	(tm) =	ssettm $0x7FFFFFFF  }
0xd3: {  	_ =	shalt  }
tec
execute0_lowered:
.L_overlay_start_1:
0x0: {  	(tag) =	ssettag $0x1  }
0x1: {  	s1 =	rddreg [dreg:$0x0]  }
0x2: {  	s6 =	rddreg [dreg:$0x1]  }
0x3: {  	s2 =	rddreg [dreg:$0x2]  }
0x4: {  	s4 =	srdreg.scid;
	s0 =	rddreg [dreg:$0x3]  }
0x5: {  	s3 =	simm.s32 $0x0;
	s21 =	simm.s32 $0x80;
	s9 =	sand.u32 $0x1, s4  }
0x6: {  	s22 =	simm.s32 $0x1;
	s4 =	stileid.u32;
	s5 =	smul.u32 $0x4F00, s9  }
0x7: {  	s23 =	simm.s32 $0x2;
	[smem:$0x7FF] =	sst s3;
	s10 =	smul.u32 $0x280, s4  }
0x8: {  	s11 =	sadd.s32 $0x2000, s6;
	s15 =	sadd.s32 $0x67200, s6;
	s18 =	smul.u32 $0x140000, s9  }
0x9: {  	_ =	strace $0x8000004A;
	s7 =	ssub.s32 $0x2, s9;
	s20 =	smul.u32 $0x14000, s4  }
0xa: {  	s30 =	smul.u32 $0x4F0, s4;
	s8 =	sshrl.u32 s7, $0x1;
	s16 =	sadd.s32 s5, s6  }
0xb: {  	s5 =	sadd.s32 $0x2600, s6;
	s17 =	ssub.s32 s7, s8;
	s12 =	sadd.s32 $0x80, s10  }
0xc: {  	s24 =	sshrl.u32 s10, $0x3;
	s13 =	sadd.s32 $0x100, s10;
	s14 =	sadd.s32 $0x180, s10  }
0xd: {  	s19 =	sadd.s32 $0x200, s10;
	s29 =	sadd.s32 s20, s18;
	s20 =	simm.s32 $0x3  }
0xe: {  	s25 =	sshrl.u32 s12, $0x3;
	s6 =	sadd.s32 s11, s24;
	s26 =	sshrl.u32 s13, $0x3  }
0xf: {  	s28 =	sshrl.u32 s14, $0x3;
	s10 =	sshrl.u32 s19, $0x3;
	s12 =	sshll.u32 s12, $0x7  }
0x10: {  	s13 =	sshll.u32 s13, $0x7;
	s14 =	sshll.u32 s14, $0x7;
	s19 =	sshll.u32 s19, $0x7  }
0x11: {  	s31 =	sadd.s32 s30, s16;
	s16 =	smax.u32 s17, $0x1;
	s24 =	simm.s32 $0x0  }
0x12: {  	s7 =	sadd.s32 s11, s25;
	s8 =	sadd.s32 s11, s26;
	s9 =	sadd.s32 s11, s28  }
0x13: {  	s10 =	sadd.s32 s11, s10;
	s12 =	sadd.s32 s18, s12;
	s11 =	sshrl.u32 s29, $0x3  }
0x14: {  	s13 =	sadd.s32 s18, s13;
	s14 =	sadd.s32 s18, s14;
	s18 =	sadd.s32 s18, s19  }
0x15: {  	s17 =	sadd.s32 $0x53600, s31;
	s19 =	simm.s32 $0x100;
	s12 =	sshrl.u32 s12, $0x3  }
0x16: {  	s11 =	sadd.s32 s15, s11;
	s13 =	sshrl.u32 s13, $0x3;
	s14 =	sshrl.u32 s14, $0x3  }
0x17: {  	s18 =	sshrl.u32 s18, $0x3;
	s12 =	sadd.s32 s15, s12;
	s13 =	sadd.s32 s15, s13  }
0x18: {  	s14 =	sadd.s32 s15, s14;
	s15 =	sadd.s32 s15, s18;
	s18 =	sadd.s32 $0x5D400, s31  }
.LBB2_1:
0x19: {  	[tilespmem:s19], [sflag:$0x3] =	stream.linear.gather [hbm4b:s5+s3], $0x4000, $0x38;
	[tilespmem:$0x18100] =	vst v63  }
0x1a: {  	_ =	swait.ge [sflag:s20], $0x4000  }
0x1b: {  	[sflag:s20] =	ssyncset.done $0x0  }
0x1c: {  	[sflag:s20] =	ssyncadd.s32 $0xFFFFC000  }
0x1d: {  	[tilespmem:s3], [sflag:$0x3] =	stream.linear.gather [hbm4b:s6+s3], $0x80, $0x38;
	[tilespmem:$0x18100] =	vst v63  }
0x1e: {  	_ =	swait.ge [sflag:s20], $0x80  }
0x1f: {  	[sflag:s20] =	ssyncset.done $0x0  }
0x20: {  	[sflag:s20] =	ssyncadd.s32 $0xFFFFFF80  }
0x21: {  	[spmem:s2] =	stream.indirect.scatter [tilespmem:s19], [sflag:$0x3], $0x80, s3, s21, $0xb8;
	[tilespmem:$0x18100] =	vst v63  }
0x22: {  	_ =	swait.ge [sflag:s20], $0x4000  }
0x23: {  	[sflag:s20] =	ssyncset.done $0x0  }
0x24: {  	[sflag:s20] =	ssyncadd.s32 $0xFFFFC000  }
0x25: {  	[tilespmem:s3], [sflag:$0x3] =	stream.linear.gather [hbm4b:s7+s3], $0x80, $0x38;
	[tilespmem:$0x18100] =	vst v63  }
0x26: {  	_ =	swait.ge [sflag:s20], $0x80  }
0x27: {  	[sflag:s20] =	ssyncset.done $0x0  }
0x28: {  	[sflag:s20] =	ssyncadd.s32 $0xFFFFFF80  }
0x29: {  	[spmem:s2] =	stream.indirect.scatter [tilespmem:s19], [sflag:$0x3], $0x80, s3, s21, $0xb8;
	[tilespmem:$0x18100] =	vst v63  }
0x2a: {  	_ =	swait.ge [sflag:s20], $0x4000  }
0x2b: {  	[sflag:s20] =	ssyncset.done $0x0  }
0x2c: {  	[sflag:s20] =	ssyncadd.s32 $0xFFFFC000  }
0x2d: {  	[tilespmem:s3], [sflag:$0x3] =	stream.linear.gather [hbm4b:s8+s3], $0x80, $0x38;
	[tilespmem:$0x18100] =	vst v63  }
0x2e: {  	_ =	swait.ge [sflag:s20], $0x80  }
0x2f: {  	[sflag:s20] =	ssyncset.done $0x0  }
0x30: {  	[sflag:s20] =	ssyncadd.s32 $0xFFFFFF80  }
0x31: {  	[spmem:s2] =	stream.indirect.scatter [tilespmem:s19], [sflag:$0x3], $0x80, s3, s21, $0xb8;
	[tilespmem:$0x18100] =	vst v63  }
0x32: {  	_ =	swait.ge [sflag:s20], $0x4000  }
0x33: {  	[sflag:s20] =	ssyncset.done $0x0  }
0x34: {  	[sflag:s20] =	ssyncadd.s32 $0xFFFFC000  }
0x35: {  	[tilespmem:s3], [sflag:$0x3] =	stream.linear.gather [hbm4b:s9+s3], $0x80, $0x38;
	[tilespmem:$0x18100] =	vst v63  }
0x36: {  	_ =	swait.ge [sflag:s20], $0x80  }
0x37: {  	[sflag:s20] =	ssyncset.done $0x0  }
0x38: {  	[sflag:s20] =	ssyncadd.s32 $0xFFFFFF80  }
0x39: {  	[spmem:s2] =	stream.indirect.scatter [tilespmem:s19], [sflag:$0x3], $0x80, s3, s21, $0xb8;
	[tilespmem:$0x18100] =	vst v63  }
0x3a: {  	_ =	swait.ge [sflag:s20], $0x4000  }
0x3b: {  	[sflag:s20] =	ssyncset.done $0x0  }
0x3c: {  	[sflag:s20] =	ssyncadd.s32 $0xFFFFC000  }
0x3d: {  	[tilespmem:s3], [sflag:$0x3] =	stream.linear.gather [hbm4b:s10+s3], $0x80, $0x38;
	[tilespmem:$0x18100] =	vst v63  }
0x3e: {  	_ =	swait.ge [sflag:s20], $0x80  }
0x3f: {  	[sflag:s20] =	ssyncset.done $0x0  }
0x40: {  	[sflag:s20] =	ssyncadd.s32 $0xFFFFFF80  }
0x41: {  	[spmem:s2] =	stream.indirect.scatter [tilespmem:s19], [sflag:$0x3], $0x80, s3, s21, $0xb8;
	[tilespmem:$0x18100] =	vst v63  }
0x42: {  	_ =	swait.ge [sflag:s20], $0x4000  }
0x43: {  	[sflag:s20] =	ssyncset.done $0x0  }
0x44: {  	[sflag:s20] =	ssyncadd.s32 $0xFFFFC000  }
0x45: {  	s25 =	sadd.s32 $0x0, s18;
	[bflag:$0x0] =	sbarrier.arrive $0xFFFF  }
0x46: {  	[tilespmem:s3], [sflag:$0x3] =	stream.linear.gather [hbm4b:s25+s3], $0x80, $0x38;
	[tilespmem:$0x18100] =	vst v63  }
0x47: {  	_ =	swait.ge [sflag:s20], $0x80  }
0x48: {  	[sflag:s20] =	ssyncset.done $0x0  }
0x49: {  	s31 =	sadd.s32 $0x0, s17;
	[sflag:s20] =	ssyncadd.s32 $0xFFFFFF80  }
0x4a: {  	[tilespmem:s21], [sflag:$0x2] =	stream.linear.gather [hbm4b:s31+s3], $0x80, $0x38;
	[tilespmem:$0x18100] =	vst v63  }
0x4b: {  	_ = 	snop  }
0x4c: {  	[tilespmem:s19], [sflag:$0x1] =	stream.indirect.gather [hbm4b:s1+s21], $0x80, s3, s21, $0xb8;
	[tilespmem:$0x18100] =	vst v63  }
0x4d: {  	_ =	swait.ge [sflag:s22], $0x4000  }
0x4e: {  	[sflag:s22] =	ssyncset.done $0x0  }
0x4f: {  	[sflag:s22] =	ssyncadd.s32 $0xFFFFC000  }
0x50: {  	_ =	swait.ge [sflag:s23], $0x80  }
0x51: {  	[sflag:s23] =	ssyncset.done $0x0  }
0x52: {  	[sflag:s23] =	ssyncadd.s32 $0xFFFFFF80  }
0x53: {  	[spmem:s2] =	stream.indirect.scatter.add.f32 [tilespmem:s19], [sflag:$0x3], $0x80, s21, s21, $0xb8;
	[tilespmem:$0x18100] =	vst v63  }
0x54: {  	_ =	swait.ge [sflag:s20], $0x4000  }
0x55: {  	s26 =	simm.s32 $0x20;
	s25 =	simm.s32 $0x10;
	[sflag:s20] =	ssyncset.done $0x0  }
.LBB2_2:
0x56: {  	s28 =	sadd.s32 s25, s18  }
0x57: {  	[sflag:s20] =	ssyncadd.s32 $0xFFFFC000;
	s29 =	smov.u32 s26;
	s30 =	sadd.s32 $0x10, s26  }
0x58: {  	[tilespmem:s3], [sflag:$0x3] =	stream.linear.gather [hbm4b:s28+s3], $0x80, $0x38;
	[tilespmem:$0x18100] =	vst v63  }
0x59: {  	p0 =	sne.s32 s26, $0x4E0;
	_ =	swait.ge [sflag:s20], $0x80  }
0x5a: {  	[sflag:s20] =	ssyncset.done $0x0  }
0x5b: {  	s26 =	sadd.s32 s25, s17;
	s25 =	smov.u32 s29;
	[sflag:s20] =	ssyncadd.s32 $0xFFFFFF80  }
0x5c: {  	[tilespmem:s21], [sflag:$0x2] =	stream.linear.gather [hbm4b:s26+s3], $0x80, $0x38;
	[tilespmem:$0x18100] =	vst v63  }
0x5d: {  	_ = 	snop  }
0x5e: {  	[tilespmem:s19], [sflag:$0x1] =	stream.indirect.gather [hbm4b:s1+s21], $0x80, s3, s21, $0xb8;
	[tilespmem:$0x18100] =	vst v63  }
0x5f: {  	_ =	swait.ge [sflag:s22], $0x4000  }
0x60: {  	[sflag:s22] =	ssyncset.done $0x0  }
0x61: {  	[sflag:s22] =	ssyncadd.s32 $0xFFFFC000  }
0x62: {  	_ =	swait.ge [sflag:s23], $0x80  }
.Ltmp0:
0x63: {  	[sflag:s23] =	ssyncset.done $0x0;
	(pc) =	sbr.rel @p0 .LBB2_2-.Ltmp0, $4  }
0x64: {  	[sflag:s23] =	ssyncadd.s32 $0xFFFFFF80  }
0x65: {  	[spmem:s2] =	stream.indirect.scatter.add.f32 [tilespmem:s19], [sflag:$0x3], $0x80, s21, s21, $0xb8;
	[tilespmem:$0x18100] =	vst v63  }
0x66: {  	_ =	swait.ge [sflag:s20], $0x4000  }
0x67: {  	s26 =	smov.u32 s30;
	[sflag:s20] =	ssyncset.done $0x0  }
0x68: {  	s26 =	sadd.s32 s25, s18;
	[sflag:s20] =	ssyncadd.s32 $0xFFFFC000  }
0x69: {  	[tilespmem:s3], [sflag:$0x3] =	stream.linear.gather [hbm4b:s26+s3], $0x80, $0x38;
	[tilespmem:$0x18100] =	vst v63  }
0x6a: {  	_ =	swait.ge [sflag:s20], $0x80  }
0x6b: {  	[sflag:s20] =	ssyncset.done $0x0  }
0x6c: {  	s31 =	sadd.s32 s25, s17;
	[sflag:s20] =	ssyncadd.s32 $0xFFFFFF80  }
0x6d: {  	[tilespmem:s21], [sflag:$0x2] =	stream.linear.gather [hbm4b:s31+s3], $0x80, $0x38;
	[tilespmem:$0x18100] =	vst v63  }
0x6e: {  	_ = 	snop  }
0x6f: {  	[tilespmem:s19], [sflag:$0x1] =	stream.indirect.gather [hbm4b:s1+s21], $0x80, s3, s21, $0xb8;
	[tilespmem:$0x18100] =	vst v63  }
0x70: {  	_ =	swait.ge [sflag:s22], $0x4000  }
0x71: {  	[sflag:s22] =	ssyncset.done $0x0  }
0x72: {  	[sflag:s22] =	ssyncadd.s32 $0xFFFFC000  }
0x73: {  	_ =	swait.ge [sflag:s23], $0x80  }
0x74: {  	[sflag:s23] =	ssyncset.done $0x0  }
0x75: {  	[sflag:s23] =	ssyncadd.s32 $0xFFFFFF80  }
0x76: {  	[spmem:s2] =	stream.indirect.scatter.add.f32 [tilespmem:s19], [sflag:$0x3], $0x80, s21, s21, $0xb8;
	[tilespmem:$0x18100] =	vst v63  }
0x77: {  	_ =	swait.ge [sflag:s20], $0x4000  }
0x78: {  	[sflag:s20] =	ssyncset.done $0x0  }
0x79: {  	[sflag:s20] =	ssyncadd.s32 $0xFFFFC000  }
0x7a: {  	[bflag:$0x0] =	sbarrier.arrive $0xFFFF  }
0x7b: {  	[tilespmem:s3], [sflag:$0x3] =	stream.linear.gather [hbm4b:s6+s3], $0x80, $0x38;
	[tilespmem:$0x18100] =	vst v63  }
0x7c: {  	_ =	swait.ge [sflag:s20], $0x80  }
0x7d: {  	[sflag:s20] =	ssyncset.done $0x0  }
0x7e: {  	[sflag:s20] =	ssyncadd.s32 $0xFFFFFF80  }
0x7f: {  	[tilespmem:s19], [sflag:$0x3] =	stream.indirect.gather [spmem:s2], $0x80, s3, s21, $0xb8;
	[tilespmem:$0x18100] =	vst v63  }
0x80: {  	_ =	swait.ge [sflag:s20], $0x4000  }
0x81: {  	[sflag:s20] =	ssyncset.done $0x0  }
0x82: {  	[sflag:s20] =	ssyncadd.s32 $0xFFFFC000  }
0x83: {  	[hbm4b:s11+s3] =	stream.linear.scatter [tilespmem:s19], [sflag:$0x3], $0x4000, $0x38;
	[tilespmem:$0x18100] =	vst v63  }
0x84: {  	_ =	swait.ge [sflag:s20], $0x4000  }
0x85: {  	[sflag:s20] =	ssyncset.done $0x0  }
0x86: {  	[sflag:s20] =	ssyncadd.s32 $0xFFFFC000  }
0x87: {  	[tilespmem:s3], [sflag:$0x3] =	stream.linear.gather [hbm4b:s7+s3], $0x80, $0x38;
	[tilespmem:$0x18100] =	vst v63  }
0x88: {  	_ =	swait.ge [sflag:s20], $0x80  }
0x89: {  	[sflag:s20] =	ssyncset.done $0x0  }
0x8a: {  	[sflag:s20] =	ssyncadd.s32 $0xFFFFFF80  }
0x8b: {  	[tilespmem:s19], [sflag:$0x3] =	stream.indirect.gather [spmem:s2], $0x80, s3, s21, $0xb8;
	[tilespmem:$0x18100] =	vst v63  }
0x8c: {  	_ =	swait.ge [sflag:s20], $0x4000  }
0x8d: {  	[sflag:s20] =	ssyncset.done $0x0  }
0x8e: {  	[sflag:s20] =	ssyncadd.s32 $0xFFFFC000  }
0x8f: {  	[hbm4b:s12+s3] =	stream.linear.scatter [tilespmem:s19], [sflag:$0x3], $0x4000, $0x38;
	[tilespmem:$0x18100] =	vst v63  }
0x90: {  	_ =	swait.ge [sflag:s20], $0x4000  }
0x91: {  	[sflag:s20] =	ssyncset.done $0x0  }
0x92: {  	[sflag:s20] =	ssyncadd.s32 $0xFFFFC000  }
0x93: {  	[tilespmem:s3], [sflag:$0x3] =	stream.linear.gather [hbm4b:s8+s3], $0x80, $0x38;
	[tilespmem:$0x18100] =	vst v63  }
0x94: {  	_ =	swait.ge [sflag:s20], $0x80  }
0x95: {  	[sflag:s20] =	ssyncset.done $0x0  }
0x96: {  	[sflag:s20] =	ssyncadd.s32 $0xFFFFFF80  }
0x97: {  	[tilespmem:s19], [sflag:$0x3] =	stream.indirect.gather [spmem:s2], $0x80, s3, s21, $0xb8;
	[tilespmem:$0x18100] =	vst v63  }
0x98: {  	_ =	swait.ge [sflag:s20], $0x4000  }
0x99: {  	[sflag:s20] =	ssyncset.done $0x0  }
0x9a: {  	[sflag:s20] =	ssyncadd.s32 $0xFFFFC000  }
0x9b: {  	[hbm4b:s13+s3] =	stream.linear.scatter [tilespmem:s19], [sflag:$0x3], $0x4000, $0x38;
	[tilespmem:$0x18100] =	vst v63  }
0x9c: {  	_ =	swait.ge [sflag:s20], $0x4000  }
0x9d: {  	[sflag:s20] =	ssyncset.done $0x0  }
0x9e: {  	[sflag:s20] =	ssyncadd.s32 $0xFFFFC000  }
0x9f: {  	[tilespmem:s3], [sflag:$0x3] =	stream.linear.gather [hbm4b:s9+s3], $0x80, $0x38;
	[tilespmem:$0x18100] =	vst v63  }
0xa0: {  	_ =	swait.ge [sflag:s20], $0x80  }
0xa1: {  	[sflag:s20] =	ssyncset.done $0x0  }
0xa2: {  	[sflag:s20] =	ssyncadd.s32 $0xFFFFFF80  }
0xa3: {  	[tilespmem:s19], [sflag:$0x3] =	stream.indirect.gather [spmem:s2], $0x80, s3, s21, $0xb8;
	[tilespmem:$0x18100] =	vst v63  }
0xa4: {  	_ =	swait.ge [sflag:s20], $0x4000  }
0xa5: {  	[sflag:s20] =	ssyncset.done $0x0  }
0xa6: {  	[sflag:s20] =	ssyncadd.s32 $0xFFFFC000  }
0xa7: {  	[hbm4b:s14+s3] =	stream.linear.scatter [tilespmem:s19], [sflag:$0x3], $0x4000, $0x38;
	[tilespmem:$0x18100] =	vst v63  }
0xa8: {  	_ =	swait.ge [sflag:s20], $0x4000  }
0xa9: {  	[sflag:s20] =	ssyncset.done $0x0  }
0xaa: {  	[sflag:s20] =	ssyncadd.s32 $0xFFFFC000  }
0xab: {  	[tilespmem:s3], [sflag:$0x3] =	stream.linear.gather [hbm4b:s10+s3], $0x80, $0x38;
	[tilespmem:$0x18100] =	vst v63  }
0xac: {  	_ =	swait.ge [sflag:s20], $0x80  }
0xad: {  	[sflag:s20] =	ssyncset.done $0x0  }
0xae: {  	[sflag:s20] =	ssyncadd.s32 $0xFFFFFF80  }
0xaf: {  	[tilespmem:s19], [sflag:$0x3] =	stream.indirect.gather [spmem:s2], $0x80, s3, s21, $0xb8;
	[tilespmem:$0x18100] =	vst v63  }
0xb0: {  	s24 =	sadd.s32 $0x1, s24;
	_ =	swait.ge [sflag:s20], $0x4000  }
0xb1: {  	p0 =	sne.s32 s24, s16;
	[sflag:s20] =	ssyncset.done $0x0  }
.Ltmp1:
0xb2: {  	[sflag:s20] =	ssyncadd.s32 $0xFFFFC000;
	(pc) =	sbr.rel @p0 .LBB2_1-.Ltmp1, $4  }
0xb3: {  	[hbm4b:s15+s3] =	stream.linear.scatter [tilespmem:s19], [sflag:$0x3], $0x4000, $0x38;
	[tilespmem:$0x18100] =	vst v63  }
0xb4: {  	_ =	swait.ge [sflag:s20], $0x4000  }
0xb5: {  	[sflag:s20] =	ssyncset.done $0x0  }
0xb6: {  	[sflag:s20] =	ssyncadd.s32 $0xFFFFC000  }
0xb7: {  	_ =	sfence.sel $0x180000  }
0xb8: {  	[bflag:$0x0] =	sbarrier.arrive $0xFFFF  }
0xb9: {  	p0 =	sne.s32 s4, $0x0;
	_ =	strace $0x9000004A  }
0xba: {  	s0 =	sadd.s32 @!p0 $0x100000, s0;
	[bflag:$0x2] =	sbarrier.arrive $0xFFFF  }
0xbb: {  	[sflag:s0] =	ssyncadd.tile.s32 @!p0 $0x1;
	_ =	shalt  }
.Lfunc_end2:
_tile_overlayer_lowered:
.L_overlay_start_2:
0xbc: {  	(tag) =	ssettag $0x2  }
0xbd: {  	s0 =	rddreg [dreg:$0x0];
	s2 =	stileid.u32  }
0xbe: {  	s1 =	rddreg [dreg:$0x1];
	p0 =	sne.s32 s2, $0x0  }
0xbf: {  	s3 =	rddreg [dreg:$0x2];
	[bflag:$0x3] =	sbarrier.arrive $0xFFFF;
	s2 =	simm.s32 @!p0 $0x1C03  }
0xc0: {  	[timem:s3], [sflag:s2] =	dma.local @!p0 [hbm:s0], s1  }
0xc1: {  	s0 =	simm.s32 @!p0 $0x3  }
0xc2: {  	_ =	swait.ge @!p0 [sflag:s0], s1  }
0xc3: {  	s1 =	ssub.s32 @!p0 $0x0, s1;
	[sflag:s0] =	ssyncset.done @!p0 $0x0  }
0xc4: {  	[sflag:s0] =	ssyncadd.s32 @!p0 s1  }
0xc5: {  	[bflag:$0x3] =	sbarrier.arrive $0xFFFF  }
0xc6: {  	_ =	shalt  }

// kernel: sage_segment_sum_sc.7.cloned.1.call-start
scs
__scs_entry_jumppad:
0x0: {  	(pc) =	sbr.rel $0x88, $3  }
0x1: {  	(tag) =	ssettag $0x0;
	lr =	simm.s32 $0x1  }
0x2: {  	[smem:$0x3F99] =	sst lr;
	_ =	strace $0xD0000000  }
0x3: {  	_ = 	snop  }
0x4: {  	_ = 	snop  }
0x5: {  	_ = 	snop  }
0x6: {  	_ = 	snop  }
0x7: {  	_ = 	snop  }
__scs_overlays_trampoline_lowered:
0x8: {  	[smem:$0x3FA8] =	sst s0  }
0x9: {  	[smem:$0x3FA9] =	sst s1  }
0xa: {  	[smem:$0x3FAA] =	sst s2  }
0xb: {  	[smem:$0x3FAB] =	sst s3  }
0xc: {  	[smem:$0x3FAC] =	sst s4  }
0xd: {  	[smem:$0x3FAD] =	sst s5  }
0xe: {  	[smem:$0x3FAE] =	sst s6  }
0xf: {  	[smem:$0x3FAF] =	sst s7  }
0x10: {  	[smem:$0x3FB0] =	sst s8  }
0x11: {  	[smem:$0x3FB1] =	sst s9;
	s0 =	simm.s32 @!p0 $0x0  }
0x12: {  	s1 =	sld [smem:$0x3F97];
	s0 =	simm.s32 @p0 $0x1  }
0x13: {  	[smem:$0x3FB2] =	sst s0;
	s0 =	simm.s32 @!p1 $0x0  }
0x14: {  	s2 =	sld [smem:$0x3F96];
	s0 =	simm.s32 @p1 $0x1  }
0x15: {  	[smem:$0x3FB3] =	sst s0;
	s0 =	simm.s32 @!p2 $0x0  }
0x16: {  	s3 =	sld [smem:$0x3FDB];
	s0 =	simm.s32 @p2 $0x1  }
0x17: {  	s4 =	simm.s32 $0x1BF5;
	[smem:$0x3FB5] =	sst s0  }
0x18: {  	s0 =	sld [smem:$0x3F98];
	_ =	swait.ge [sflag:s4], $0x0  }
0x19: {  	s7 =	sld [smem:$0x3F99]  }
0x1a: {  	s8 =	sadd.s32 $0xFFFFE003, lr  }
0x1b: {  	s9 =	sadd.s32 $0xFFFFFEF7, lr;
	s5 =	simm.s32 $0xFFFFFFFF;
	p2 =	slt.u32 s8, $0xFFFFF086  }
0x1c: {  	p1 =	slt.u32 s9, $0xF7A;
	s5 =	simm.s32 @!p2 $0x0  }
0x1d: {  	s5 =	simm.s32 @p1 $0x1;
	p0 =	seq.s32 s7, s2  }
0x1e: {  	s7 =	smul.u32 @!p0 $0xF7A, s2;
	p2 =	seq.s32 @!p0 s5, $0x0  }
0x1f: {  	s9 =	smul.u32 $0xF7A, s1;
	s8 =	simm.s32 @!p0 $0x1BF5;
	p2 =	por !p2, p0  }
0x20: {  	[sflag:s8] =	ssyncset.s32 @!p0 $0xFFFFF086;
	s6 =	sadd.s32 @!p0 s3, s7;
	s7 =	simm.s32 @!p0 $0x108  }
0x21: {  	s3 =	sadd.s32 s3, s9;
	s6 =	sadd.s32 @!p0 $0x88, s6;
	s7 =	simm.s32 @p2 $0x1082  }
0x22: {  	[simem:s7], [sflag:s8] =	dma.local @!p0 [hbm:s6], $0xF7A  }
0x23: {  	s9 =	sor.u32 $0xD0000000, s2;
	s6 =	simm.s32 $0x108;
	_ =	swait.ge @!p0 [sflag:s8], $0x0  }
0x24: {  	s3 =	sadd.s32 $0x88, s3;
	s6 =	simm.s32 @!p1 $0x1082;
	[sflag:s4] =	ssyncset.s32 $0xFFFFF086  }
0x25: {  	[simem:s6], [sflag:s4] =	dma.local [hbm:s3], $0xF7A  }
0x26: {  	[smem:$0x3F99] =	sst s1;
	(tag) =	ssettag s2;
	_ =	strace s9  }
0x27: {  	s1 =	sld [smem:$0x3FA9]  }
0x28: {  	s2 =	sld [smem:$0x3FAA]  }
0x29: {  	s4 =	sld [smem:$0x3FAC]  }
0x2a: {  	p0 =	seq.s32 s5, $0x0;
	s5 =	sld [smem:$0x3FAD]  }
0x2b: {  	s6 =	sld [smem:$0x3FAE]  }
0x2c: {  	s7 =	sld [smem:$0x3FAF]  }
0x2d: {  	s3 =	simm.s32 $0x108;
	s8 =	sld [smem:$0x3FB0]  }
0x2e: {  	s3 =	simm.s32 @!p0 $0x1082;
	s9 =	sld [smem:$0x3FB1]  }
0x2f: {  	lr =	sadd.s32 s0, s3;
	s0 =	sld [smem:$0x3FA8]  }
0x30: {  	s3 =	sld [smem:$0x3FAB]  }
0x31: {  	[smem:$0x3FB4] =	sst s10  }
0x32: {  	s10 =	sld [smem:$0x3FB2];
	_ =	sdelay $0x3  }
0x33: {  	p0 =	seq.s32 s10, $0x1;
	s10 =	sld [smem:$0x3FB4];
	_ =	sdelay $0x3  }
0x34: {  	[smem:$0x3FB4] =	sst s10  }
0x35: {  	s10 =	sld [smem:$0x3FB3];
	_ =	sdelay $0x3  }
0x36: {  	p1 =	seq.s32 s10, $0x1;
	s10 =	sld [smem:$0x3FB4];
	_ =	sdelay $0x3  }
0x37: {  	[smem:$0x3FB4] =	sst s10  }
0x38: {  	s10 =	sld [smem:$0x3FB5]  }
0x39: {  	_ = 	snop;
	(pc) =	sbr.ind lr, $3  }
0x3a: {  	_ = 	snop  }
0x3b: {  	_ = 	snop  }
0x3c: {  	p2 =	seq.s32 s10, $0x1;
	s10 =	sld [smem:$0x3FB4]  }
0x3d: {  	_ =	shalt  }
0x3e: {  	_ =	shalt  }
0x3f: {  	_ =	shalt  }
0x40: {  	_ =	shalt  }
0x41: {  	_ =	shalt  }
0x42: {  	_ =	shalt  }
0x43: {  	_ =	shalt  }
0x44: {  	_ =	shalt  }
0x45: {  	_ =	shalt  }
0x46: {  	_ =	shalt  }
0x47: {  	_ =	shalt  }
0x48: {  	_ =	shalt  }
0x49: {  	_ =	shalt  }
0x4a: {  	_ =	shalt  }
0x4b: {  	_ =	shalt  }
0x4c: {  	_ =	shalt  }
0x4d: {  	_ =	shalt  }
0x4e: {  	_ =	shalt  }
0x4f: {  	_ =	shalt  }
0x50: {  	_ =	shalt  }
0x51: {  	_ =	shalt  }
0x52: {  	_ =	shalt  }
0x53: {  	_ =	shalt  }
0x54: {  	_ =	shalt  }
0x55: {  	_ =	shalt  }
0x56: {  	_ =	shalt  }
0x57: {  	_ =	shalt  }
0x58: {  	_ =	shalt  }
0x59: {  	_ =	shalt  }
0x5a: {  	_ =	shalt  }
0x5b: {  	_ =	shalt  }
0x5c: {  	_ =	shalt  }
0x5d: {  	_ =	shalt  }
0x5e: {  	_ =	shalt  }
0x5f: {  	_ =	shalt  }
0x60: {  	_ =	shalt  }
0x61: {  	_ =	shalt  }
0x62: {  	_ =	shalt  }
0x63: {  	_ =	shalt  }
0x64: {  	_ =	shalt  }
0x65: {  	_ =	shalt  }
0x66: {  	_ =	shalt  }
0x67: {  	_ =	shalt  }
0x68: {  	_ =	shalt  }
0x69: {  	_ =	shalt  }
0x6a: {  	_ =	shalt  }
0x6b: {  	_ =	shalt  }
0x6c: {  	_ =	shalt  }
0x6d: {  	_ =	shalt  }
0x6e: {  	_ =	shalt  }
0x6f: {  	_ =	shalt  }
0x70: {  	_ =	shalt  }
0x71: {  	_ =	shalt  }
0x72: {  	_ =	shalt  }
0x73: {  	_ =	shalt  }
0x74: {  	_ =	shalt  }
0x75: {  	_ =	shalt  }
0x76: {  	_ =	shalt  }
0x77: {  	_ =	shalt  }
0x78: {  	_ =	shalt  }
0x79: {  	_ =	shalt  }
0x7a: {  	_ =	shalt  }
0x7b: {  	_ =	shalt  }
0x7c: {  	_ =	shalt  }
0x7d: {  	_ =	shalt  }
0x7e: {  	_ =	shalt  }
0x7f: {  	_ =	shalt  }
0x80: {  	_ =	shalt  }
0x81: {  	_ =	shalt  }
0x82: {  	_ =	shalt  }
0x83: {  	_ =	shalt  }
0x84: {  	_ =	shalt  }
0x85: {  	_ =	shalt  }
0x86: {  	_ =	shalt  }
0x87: {  	_ =	shalt  }
.Lfunc_end0:
.L_simem_size_0:
called_computation.2_lowered:
.L_overlay_start_0:
0x88: {  	s2 =	sld [smem:$0x3FD9]  }
0x89: {  	s3 =	sld [smem:$0x3FFE];
	_ =	sdelay $0x1  }
0x8a: {  	s1 =	srdreg.scid  }
0x8b: {  	s0 =	sand.u32 $0x1, s1  }
0x8c: {  	s17 =	sshll.u32 s0, $0xA;
	s2 =	sadd.s32 s3, s2  }
0x8d: {  	s2 =	sadd.s32 s2, s17  }
0x8e: {  	[smem:$0x3FC0] =	sst s2  }
0x8f: {  	_ = 	snop  }
0x90: {  	s2 =	sld [smem:$0x3FD0];
	(tm) =	ssettm $0x1  }
0x91: {  	s18 =	sld [smem:$0x3FFB];
	_ =	sdelay $0x3  }
0x92: {  	_ =	strace s18  }
0x93: {  	s3 =	sld [smem:$0x3FFC];
	_ =	sdelay $0x3  }
0x94: {  	_ =	strace s3  }
0x95: {  	s3 =	sld [smem:$0x3FFD];
	_ =	sdelay $0x3  }
0x96: {  	_ =	strace s3  }
0x97: {  	_ =	strace $0x8FFFFFFF  }
0x98: {  	s19 =	sld [smem:$0x3FDB];
	_ =	sdelay $0x1  }
0x99: {  	s4 =	simm.s32 $_scs_section_size  }
0x9a: {  	s5 =	simm.s32 $_size__tile_overlayer_lowered;
	s6 =	simm.s32 $_tile_overlayer_lowered  }
0x9b: {  	s22 =	simm.s32 $0x1BFF;
	s21 =	sshll.u32 s6, $0x1;
	s3 =	sadd.s32 s4, s19  }
0x9c: {  	s7 =	simm.s32 $0x0;
	s20 =	sshll.u32 s5, $0x1;
	s5 =	sadd.s32 s21, s3  }
0x9d: {  	[timem:s7], [sflag:s22] =	dma.local [hbm:s5], s20  }
0x9e: {  	_ =	swait.ge [sflag:s22], s20  }
0x9f: {  	s4 =	ssub.s32 $0x0, s20;
	[sflag:s22] =	ssyncset.done $0x0  }
0xa0: {  	[sflag:s22] =	ssyncadd.s32 s4;
	_ =	sdelay $0x1  }
0xa1: {  	s23 =	simm.s32 $0x1B8B  }
0xa2: {  	_ =	swait.ge [sflag:s23], $0x1  }
0xa3: {  	[sflag:s23] =	ssyncset.done $0x0  }
0xa4: {  	s25 =	simm.s32 $0x1B8E;
	s24 =	sld [smem:$0x3FFE];
	[sflag:s23] =	ssyncadd.s32 $0xFFFFFFFF  }
0xa5: {  	s26 =	simm.s32 $execute0_lowered;
	[smem:$0x3FD2] =	sst s25  }
0xa6: {  	s5 =	sshll.u32 s26, $0x1;
	_ =	strace $0x8000004C;
	[dreg:$0x1] =	wrdreg $0xFFFFFFFF  }
0xa7: {  	s28 =	simm.s32 $_size_execute0_lowered;
	s3 =	sadd.s32 s3, s5;
	[dreg:$0x0] =	wrdreg $0x0  }
0xa8: {  	s5 =	sshll.u32 s28, $0x1;
	[dreg:$0x2] =	wrdreg s3  }
0xa9: {  	[dreg:$0x3] =	wrdreg s5  }
0xaa: {  	[dreg:$0x4] =	wrdreg $0xC0  }
0xab: {  	_ =	task [dreg:s7], $0x5FFFF  }
0xac: {  	[dreg:$0x1] =	wrdreg $0xFFFFFFFF  }
0xad: {  	[dreg:$0x0] =	wrdreg $0x60  }
0xae: {  	[dreg:$0x2] =	wrdreg s2  }
0xaf: {  	[dreg:$0x3] =	wrdreg s24  }
0xb0: {  	[dreg:$0x4] =	wrdreg $0x41000  }
0xb1: {  	[dreg:$0x5] =	wrdreg $0x9  }
0xb2: {  	_ =	task.clear_ibuf [dreg:s7], $0x6FFFF;
	_ =	strace $0x9000004C  }
0xb3: {  	s29 =	simm.s32 $0x9;
	_ =	strace $0x8000004E  }
0xb4: {  	_ =	swait.ge [sflag:s29], $0x1  }
0xb5: {  	[sflag:s29] =	ssyncadd.s32 $0xFFFFFFFF  }
0xb6: {  	_ =	strace $0x9000004E  }
0xb7: {  	_ =	sfence  }
0xb8: {  	s30 =	sld [smem:$0x0];
	_ =	sdelay $0x2  }
0xb9: {  	s31 =	sshll.u32 s1, $0xD;
	s1 =	sshrl.u32 s1, $0x2  }
0xba: {  	s3 =	sand.u32 $0x4000, s31;
	s1 =	sadd.s32 s1, s30  }
0xbb: {  	s0 =	sor.u32 s3, s0;
	s1 =	sshll.u32 s1, $0x11  }
0xbc: {  	s0 =	sor.u32 s1, s0  }
0xbd: {  	s0 =	sadd.s32 $0x8F2B, s0  }
0xbe: {  	[sflag:s0] =	ssyncadd.remote.s32 $0x1  }
0xbf: {  	_ =	sfence.sel $0xFFFF  }
0xc0: {  	[dreg:$0x0] =	wrdreg $0xFFFFFFFF;
	(pc) =	sbr.abs _section_cstart, $3  }
0xc1: {  	[dreg:$0x1] =	wrdreg $0xFFFFFFFF  }
0xc2: {  	_ =	task.clear_ibuf [dreg:s7], $0x2FFFF;
	_ =	strace $0x9FFFFFFF  }
0xc3: {  	(tm) =	ssettm $0x7FFFFFFF  }
tec
execute0_lowered:
.L_overlay_start_1:
0x0: {  	(tag) =	ssettag $0x1  }
0x1: {  	s1 =	rddreg [dreg:$0x0]  }
0x2: {  	s6 =	rddreg [dreg:$0x1]  }
0x3: {  	s2 =	rddreg [dreg:$0x2]  }
0x4: {  	s4 =	srdreg.scid;
	s0 =	rddreg [dreg:$0x3]  }
0x5: {  	s3 =	simm.s32 $0x0;
	s21 =	simm.s32 $0x80;
	s9 =	sand.u32 $0x1, s4  }
0x6: {  	s22 =	simm.s32 $0x1;
	s4 =	stileid.u32;
	s5 =	smul.u32 $0x4F00, s9  }
0x7: {  	s23 =	simm.s32 $0x2;
	[smem:$0x7FF] =	sst s3;
	s10 =	smul.u32 $0x280, s4  }
0x8: {  	s11 =	sadd.s32 $0x2000, s6;
	s15 =	sadd.s32 $0x67200, s6;
	s18 =	smul.u32 $0x140000, s9  }
0x9: {  	_ =	strace $0x8000004D;
	s7 =	ssub.s32 $0x2, s9;
	s20 =	smul.u32 $0x14000, s4  }
0xa: {  	s30 =	smul.u32 $0x4F0, s4;
	s8 =	sshrl.u32 s7, $0x1;
	s16 =	sadd.s32 s5, s6  }
0xb: {  	s5 =	sadd.s32 $0x2600, s6;
	s17 =	ssub.s32 s7, s8;
	s12 =	sadd.s32 $0x80, s10  }
0xc: {  	s24 =	sshrl.u32 s10, $0x3;
	s13 =	sadd.s32 $0x100, s10;
	s14 =	sadd.s32 $0x180, s10  }
0xd: {  	s19 =	sadd.s32 $0x200, s10;
	s29 =	sadd.s32 s20, s18;
	s20 =	simm.s32 $0x3  }
0xe: {  	s25 =	sshrl.u32 s12, $0x3;
	s6 =	sadd.s32 s11, s24;
	s26 =	sshrl.u32 s13, $0x3  }
0xf: {  	s28 =	sshrl.u32 s14, $0x3;
	s10 =	sshrl.u32 s19, $0x3;
	s12 =	sshll.u32 s12, $0x7  }
0x10: {  	s13 =	sshll.u32 s13, $0x7;
	s14 =	sshll.u32 s14, $0x7;
	s19 =	sshll.u32 s19, $0x7  }
0x11: {  	s31 =	sadd.s32 s30, s16;
	s16 =	smax.u32 s17, $0x1;
	s24 =	simm.s32 $0x0  }
0x12: {  	s7 =	sadd.s32 s11, s25;
	s8 =	sadd.s32 s11, s26;
	s9 =	sadd.s32 s11, s28  }
0x13: {  	s10 =	sadd.s32 s11, s10;
	s12 =	sadd.s32 s18, s12;
	s11 =	sshrl.u32 s29, $0x3  }
0x14: {  	s13 =	sadd.s32 s18, s13;
	s14 =	sadd.s32 s18, s14;
	s18 =	sadd.s32 s18, s19  }
0x15: {  	s17 =	sadd.s32 $0x53600, s31;
	s19 =	simm.s32 $0x100;
	s12 =	sshrl.u32 s12, $0x3  }
0x16: {  	s11 =	sadd.s32 s15, s11;
	s13 =	sshrl.u32 s13, $0x3;
	s14 =	sshrl.u32 s14, $0x3  }
0x17: {  	s18 =	sshrl.u32 s18, $0x3;
	s12 =	sadd.s32 s15, s12;
	s13 =	sadd.s32 s15, s13  }
0x18: {  	s14 =	sadd.s32 s15, s14;
	s15 =	sadd.s32 s15, s18;
	s18 =	sadd.s32 $0x5D400, s31  }
.LBB2_1:
0x19: {  	[tilespmem:s19], [sflag:$0x3] =	stream.linear.gather [hbm4b:s5+s3], $0x4000, $0x38;
	[tilespmem:$0x18100] =	vst v63  }
0x1a: {  	_ =	swait.ge [sflag:s20], $0x4000  }
0x1b: {  	[sflag:s20] =	ssyncset.done $0x0  }
0x1c: {  	[sflag:s20] =	ssyncadd.s32 $0xFFFFC000  }
0x1d: {  	[tilespmem:s3], [sflag:$0x3] =	stream.linear.gather [hbm4b:s6+s3], $0x80, $0x38;
	[tilespmem:$0x18100] =	vst v63  }
0x1e: {  	_ =	swait.ge [sflag:s20], $0x80  }
0x1f: {  	[sflag:s20] =	ssyncset.done $0x0  }
0x20: {  	[sflag:s20] =	ssyncadd.s32 $0xFFFFFF80  }
0x21: {  	[spmem:s2] =	stream.indirect.scatter [tilespmem:s19], [sflag:$0x3], $0x80, s3, s21, $0xb8;
	[tilespmem:$0x18100] =	vst v63  }
0x22: {  	_ =	swait.ge [sflag:s20], $0x4000  }
0x23: {  	[sflag:s20] =	ssyncset.done $0x0  }
0x24: {  	[sflag:s20] =	ssyncadd.s32 $0xFFFFC000  }
0x25: {  	[tilespmem:s3], [sflag:$0x3] =	stream.linear.gather [hbm4b:s7+s3], $0x80, $0x38;
	[tilespmem:$0x18100] =	vst v63  }
0x26: {  	_ =	swait.ge [sflag:s20], $0x80  }
0x27: {  	[sflag:s20] =	ssyncset.done $0x0  }
0x28: {  	[sflag:s20] =	ssyncadd.s32 $0xFFFFFF80  }
0x29: {  	[spmem:s2] =	stream.indirect.scatter [tilespmem:s19], [sflag:$0x3], $0x80, s3, s21, $0xb8;
	[tilespmem:$0x18100] =	vst v63  }
0x2a: {  	_ =	swait.ge [sflag:s20], $0x4000  }
0x2b: {  	[sflag:s20] =	ssyncset.done $0x0  }
0x2c: {  	[sflag:s20] =	ssyncadd.s32 $0xFFFFC000  }
0x2d: {  	[tilespmem:s3], [sflag:$0x3] =	stream.linear.gather [hbm4b:s8+s3], $0x80, $0x38;
	[tilespmem:$0x18100] =	vst v63  }
0x2e: {  	_ =	swait.ge [sflag:s20], $0x80  }
0x2f: {  	[sflag:s20] =	ssyncset.done $0x0  }
0x30: {  	[sflag:s20] =	ssyncadd.s32 $0xFFFFFF80  }
0x31: {  	[spmem:s2] =	stream.indirect.scatter [tilespmem:s19], [sflag:$0x3], $0x80, s3, s21, $0xb8;
	[tilespmem:$0x18100] =	vst v63  }
0x32: {  	_ =	swait.ge [sflag:s20], $0x4000  }
0x33: {  	[sflag:s20] =	ssyncset.done $0x0  }
0x34: {  	[sflag:s20] =	ssyncadd.s32 $0xFFFFC000  }
0x35: {  	[tilespmem:s3], [sflag:$0x3] =	stream.linear.gather [hbm4b:s9+s3], $0x80, $0x38;
	[tilespmem:$0x18100] =	vst v63  }
0x36: {  	_ =	swait.ge [sflag:s20], $0x80  }
0x37: {  	[sflag:s20] =	ssyncset.done $0x0  }
0x38: {  	[sflag:s20] =	ssyncadd.s32 $0xFFFFFF80  }
0x39: {  	[spmem:s2] =	stream.indirect.scatter [tilespmem:s19], [sflag:$0x3], $0x80, s3, s21, $0xb8;
	[tilespmem:$0x18100] =	vst v63  }
0x3a: {  	_ =	swait.ge [sflag:s20], $0x4000  }
0x3b: {  	[sflag:s20] =	ssyncset.done $0x0  }
0x3c: {  	[sflag:s20] =	ssyncadd.s32 $0xFFFFC000  }
0x3d: {  	[tilespmem:s3], [sflag:$0x3] =	stream.linear.gather [hbm4b:s10+s3], $0x80, $0x38;
	[tilespmem:$0x18100] =	vst v63  }
0x3e: {  	_ =	swait.ge [sflag:s20], $0x80  }
0x3f: {  	[sflag:s20] =	ssyncset.done $0x0  }
0x40: {  	[sflag:s20] =	ssyncadd.s32 $0xFFFFFF80  }
0x41: {  	[spmem:s2] =	stream.indirect.scatter [tilespmem:s19], [sflag:$0x3], $0x80, s3, s21, $0xb8;
	[tilespmem:$0x18100] =	vst v63  }
0x42: {  	_ =	swait.ge [sflag:s20], $0x4000  }
0x43: {  	[sflag:s20] =	ssyncset.done $0x0  }
0x44: {  	[sflag:s20] =	ssyncadd.s32 $0xFFFFC000  }
0x45: {  	s25 =	sadd.s32 $0x0, s18;
	[bflag:$0x0] =	sbarrier.arrive $0xFFFF  }
0x46: {  	[tilespmem:s3], [sflag:$0x3] =	stream.linear.gather [hbm4b:s25+s3], $0x80, $0x38;
	[tilespmem:$0x18100] =	vst v63  }
0x47: {  	_ =	swait.ge [sflag:s20], $0x80  }
0x48: {  	[sflag:s20] =	ssyncset.done $0x0  }
0x49: {  	s31 =	sadd.s32 $0x0, s17;
	[sflag:s20] =	ssyncadd.s32 $0xFFFFFF80  }
0x4a: {  	[tilespmem:s21], [sflag:$0x2] =	stream.linear.gather [hbm4b:s31+s3], $0x80, $0x38;
	[tilespmem:$0x18100] =	vst v63  }
0x4b: {  	_ = 	snop  }
0x4c: {  	[tilespmem:s19], [sflag:$0x1] =	stream.indirect.gather [hbm4b:s1+s21], $0x80, s3, s21, $0xb8;
	[tilespmem:$0x18100] =	vst v63  }
0x4d: {  	_ =	swait.ge [sflag:s22], $0x4000  }
0x4e: {  	[sflag:s22] =	ssyncset.done $0x0  }
0x4f: {  	[sflag:s22] =	ssyncadd.s32 $0xFFFFC000  }
0x50: {  	_ =	swait.ge [sflag:s23], $0x80  }
0x51: {  	[sflag:s23] =	ssyncset.done $0x0  }
0x52: {  	[sflag:s23] =	ssyncadd.s32 $0xFFFFFF80  }
0x53: {  	[spmem:s2] =	stream.indirect.scatter.add.f32 [tilespmem:s19], [sflag:$0x3], $0x80, s21, s21, $0xb8;
	[tilespmem:$0x18100] =	vst v63  }
0x54: {  	_ =	swait.ge [sflag:s20], $0x4000  }
0x55: {  	s26 =	simm.s32 $0x20;
	s25 =	simm.s32 $0x10;
	[sflag:s20] =	ssyncset.done $0x0  }
.LBB2_2:
0x56: {  	s28 =	sadd.s32 s25, s18  }
0x57: {  	[sflag:s20] =	ssyncadd.s32 $0xFFFFC000;
	s29 =	smov.u32 s26;
	s30 =	sadd.s32 $0x10, s26  }
0x58: {  	[tilespmem:s3], [sflag:$0x3] =	stream.linear.gather [hbm4b:s28+s3], $0x80, $0x38;
	[tilespmem:$0x18100] =	vst v63  }
0x59: {  	p0 =	sne.s32 s26, $0x4E0;
	_ =	swait.ge [sflag:s20], $0x80  }
0x5a: {  	[sflag:s20] =	ssyncset.done $0x0  }
0x5b: {  	s26 =	sadd.s32 s25, s17;
	s25 =	smov.u32 s29;
	[sflag:s20] =	ssyncadd.s32 $0xFFFFFF80  }
0x5c: {  	[tilespmem:s21], [sflag:$0x2] =	stream.linear.gather [hbm4b:s26+s3], $0x80, $0x38;
	[tilespmem:$0x18100] =	vst v63  }
0x5d: {  	_ = 	snop  }
0x5e: {  	[tilespmem:s19], [sflag:$0x1] =	stream.indirect.gather [hbm4b:s1+s21], $0x80, s3, s21, $0xb8;
	[tilespmem:$0x18100] =	vst v63  }
0x5f: {  	_ =	swait.ge [sflag:s22], $0x4000  }
0x60: {  	[sflag:s22] =	ssyncset.done $0x0  }
0x61: {  	[sflag:s22] =	ssyncadd.s32 $0xFFFFC000  }
0x62: {  	_ =	swait.ge [sflag:s23], $0x80  }
.Ltmp0:
0x63: {  	[sflag:s23] =	ssyncset.done $0x0;
	(pc) =	sbr.rel @p0 .LBB2_2-.Ltmp0, $4  }
0x64: {  	[sflag:s23] =	ssyncadd.s32 $0xFFFFFF80  }
0x65: {  	[spmem:s2] =	stream.indirect.scatter.add.f32 [tilespmem:s19], [sflag:$0x3], $0x80, s21, s21, $0xb8;
	[tilespmem:$0x18100] =	vst v63  }
0x66: {  	_ =	swait.ge [sflag:s20], $0x4000  }
0x67: {  	s26 =	smov.u32 s30;
	[sflag:s20] =	ssyncset.done $0x0  }
0x68: {  	s26 =	sadd.s32 s25, s18;
	[sflag:s20] =	ssyncadd.s32 $0xFFFFC000  }
0x69: {  	[tilespmem:s3], [sflag:$0x3] =	stream.linear.gather [hbm4b:s26+s3], $0x80, $0x38;
	[tilespmem:$0x18100] =	vst v63  }
0x6a: {  	_ =	swait.ge [sflag:s20], $0x80  }
0x6b: {  	[sflag:s20] =	ssyncset.done $0x0  }
0x6c: {  	s31 =	sadd.s32 s25, s17;
	[sflag:s20] =	ssyncadd.s32 $0xFFFFFF80  }
0x6d: {  	[tilespmem:s21], [sflag:$0x2] =	stream.linear.gather [hbm4b:s31+s3], $0x80, $0x38;
	[tilespmem:$0x18100] =	vst v63  }
0x6e: {  	_ = 	snop  }
0x6f: {  	[tilespmem:s19], [sflag:$0x1] =	stream.indirect.gather [hbm4b:s1+s21], $0x80, s3, s21, $0xb8;
	[tilespmem:$0x18100] =	vst v63  }
0x70: {  	_ =	swait.ge [sflag:s22], $0x4000  }
0x71: {  	[sflag:s22] =	ssyncset.done $0x0  }
0x72: {  	[sflag:s22] =	ssyncadd.s32 $0xFFFFC000  }
0x73: {  	_ =	swait.ge [sflag:s23], $0x80  }
0x74: {  	[sflag:s23] =	ssyncset.done $0x0  }
0x75: {  	[sflag:s23] =	ssyncadd.s32 $0xFFFFFF80  }
0x76: {  	[spmem:s2] =	stream.indirect.scatter.add.f32 [tilespmem:s19], [sflag:$0x3], $0x80, s21, s21, $0xb8;
	[tilespmem:$0x18100] =	vst v63  }
0x77: {  	_ =	swait.ge [sflag:s20], $0x4000  }
0x78: {  	[sflag:s20] =	ssyncset.done $0x0  }
0x79: {  	[sflag:s20] =	ssyncadd.s32 $0xFFFFC000  }
0x7a: {  	[bflag:$0x0] =	sbarrier.arrive $0xFFFF  }
0x7b: {  	[tilespmem:s3], [sflag:$0x3] =	stream.linear.gather [hbm4b:s6+s3], $0x80, $0x38;
	[tilespmem:$0x18100] =	vst v63  }
0x7c: {  	_ =	swait.ge [sflag:s20], $0x80  }
0x7d: {  	[sflag:s20] =	ssyncset.done $0x0  }
0x7e: {  	[sflag:s20] =	ssyncadd.s32 $0xFFFFFF80  }
0x7f: {  	[tilespmem:s19], [sflag:$0x3] =	stream.indirect.gather [spmem:s2], $0x80, s3, s21, $0xb8;
	[tilespmem:$0x18100] =	vst v63  }
0x80: {  	_ =	swait.ge [sflag:s20], $0x4000  }
0x81: {  	[sflag:s20] =	ssyncset.done $0x0  }
0x82: {  	[sflag:s20] =	ssyncadd.s32 $0xFFFFC000  }
0x83: {  	[hbm4b:s11+s3] =	stream.linear.scatter [tilespmem:s19], [sflag:$0x3], $0x4000, $0x38;
	[tilespmem:$0x18100] =	vst v63  }
0x84: {  	_ =	swait.ge [sflag:s20], $0x4000  }
0x85: {  	[sflag:s20] =	ssyncset.done $0x0  }
0x86: {  	[sflag:s20] =	ssyncadd.s32 $0xFFFFC000  }
0x87: {  	[tilespmem:s3], [sflag:$0x3] =	stream.linear.gather [hbm4b:s7+s3], $0x80, $0x38;
	[tilespmem:$0x18100] =	vst v63  }
0x88: {  	_ =	swait.ge [sflag:s20], $0x80  }
0x89: {  	[sflag:s20] =	ssyncset.done $0x0  }
0x8a: {  	[sflag:s20] =	ssyncadd.s32 $0xFFFFFF80  }
0x8b: {  	[tilespmem:s19], [sflag:$0x3] =	stream.indirect.gather [spmem:s2], $0x80, s3, s21, $0xb8;
	[tilespmem:$0x18100] =	vst v63  }
0x8c: {  	_ =	swait.ge [sflag:s20], $0x4000  }
0x8d: {  	[sflag:s20] =	ssyncset.done $0x0  }
0x8e: {  	[sflag:s20] =	ssyncadd.s32 $0xFFFFC000  }
0x8f: {  	[hbm4b:s12+s3] =	stream.linear.scatter [tilespmem:s19], [sflag:$0x3], $0x4000, $0x38;
	[tilespmem:$0x18100] =	vst v63  }
0x90: {  	_ =	swait.ge [sflag:s20], $0x4000  }
0x91: {  	[sflag:s20] =	ssyncset.done $0x0  }
0x92: {  	[sflag:s20] =	ssyncadd.s32 $0xFFFFC000  }
0x93: {  	[tilespmem:s3], [sflag:$0x3] =	stream.linear.gather [hbm4b:s8+s3], $0x80, $0x38;
	[tilespmem:$0x18100] =	vst v63  }
0x94: {  	_ =	swait.ge [sflag:s20], $0x80  }
0x95: {  	[sflag:s20] =	ssyncset.done $0x0  }
0x96: {  	[sflag:s20] =	ssyncadd.s32 $0xFFFFFF80  }
0x97: {  	[tilespmem:s19], [sflag:$0x3] =	stream.indirect.gather [spmem:s2], $0x80, s3, s21, $0xb8;
	[tilespmem:$0x18100] =	vst v63  }
0x98: {  	_ =	swait.ge [sflag:s20], $0x4000  }
0x99: {  	[sflag:s20] =	ssyncset.done $0x0  }
0x9a: {  	[sflag:s20] =	ssyncadd.s32 $0xFFFFC000  }
0x9b: {  	[hbm4b:s13+s3] =	stream.linear.scatter [tilespmem:s19], [sflag:$0x3], $0x4000, $0x38;
	[tilespmem:$0x18100] =	vst v63  }
0x9c: {  	_ =	swait.ge [sflag:s20], $0x4000  }
0x9d: {  	[sflag:s20] =	ssyncset.done $0x0  }
0x9e: {  	[sflag:s20] =	ssyncadd.s32 $0xFFFFC000  }
0x9f: {  	[tilespmem:s3], [sflag:$0x3] =	stream.linear.gather [hbm4b:s9+s3], $0x80, $0x38;
	[tilespmem:$0x18100] =	vst v63  }
0xa0: {  	_ =	swait.ge [sflag:s20], $0x80  }
0xa1: {  	[sflag:s20] =	ssyncset.done $0x0  }
0xa2: {  	[sflag:s20] =	ssyncadd.s32 $0xFFFFFF80  }
0xa3: {  	[tilespmem:s19], [sflag:$0x3] =	stream.indirect.gather [spmem:s2], $0x80, s3, s21, $0xb8;
	[tilespmem:$0x18100] =	vst v63  }
0xa4: {  	_ =	swait.ge [sflag:s20], $0x4000  }
0xa5: {  	[sflag:s20] =	ssyncset.done $0x0  }
0xa6: {  	[sflag:s20] =	ssyncadd.s32 $0xFFFFC000  }
0xa7: {  	[hbm4b:s14+s3] =	stream.linear.scatter [tilespmem:s19], [sflag:$0x3], $0x4000, $0x38;
	[tilespmem:$0x18100] =	vst v63  }
0xa8: {  	_ =	swait.ge [sflag:s20], $0x4000  }
0xa9: {  	[sflag:s20] =	ssyncset.done $0x0  }
0xaa: {  	[sflag:s20] =	ssyncadd.s32 $0xFFFFC000  }
0xab: {  	[tilespmem:s3], [sflag:$0x3] =	stream.linear.gather [hbm4b:s10+s3], $0x80, $0x38;
	[tilespmem:$0x18100] =	vst v63  }
0xac: {  	_ =	swait.ge [sflag:s20], $0x80  }
0xad: {  	[sflag:s20] =	ssyncset.done $0x0  }
0xae: {  	[sflag:s20] =	ssyncadd.s32 $0xFFFFFF80  }
0xaf: {  	[tilespmem:s19], [sflag:$0x3] =	stream.indirect.gather [spmem:s2], $0x80, s3, s21, $0xb8;
	[tilespmem:$0x18100] =	vst v63  }
0xb0: {  	s24 =	sadd.s32 $0x1, s24;
	_ =	swait.ge [sflag:s20], $0x4000  }
0xb1: {  	p0 =	sne.s32 s24, s16;
	[sflag:s20] =	ssyncset.done $0x0  }
.Ltmp1:
0xb2: {  	[sflag:s20] =	ssyncadd.s32 $0xFFFFC000;
	(pc) =	sbr.rel @p0 .LBB2_1-.Ltmp1, $4  }
0xb3: {  	[hbm4b:s15+s3] =	stream.linear.scatter [tilespmem:s19], [sflag:$0x3], $0x4000, $0x38;
	[tilespmem:$0x18100] =	vst v63  }
0xb4: {  	_ =	swait.ge [sflag:s20], $0x4000  }
0xb5: {  	[sflag:s20] =	ssyncset.done $0x0  }
0xb6: {  	[sflag:s20] =	ssyncadd.s32 $0xFFFFC000  }
0xb7: {  	_ =	sfence.sel $0x180000  }
0xb8: {  	[bflag:$0x0] =	sbarrier.arrive $0xFFFF  }
0xb9: {  	p0 =	sne.s32 s4, $0x0;
	_ =	strace $0x9000004D  }
0xba: {  	s0 =	sadd.s32 @!p0 $0x100000, s0;
	[bflag:$0x2] =	sbarrier.arrive $0xFFFF  }
0xbb: {  	[sflag:s0] =	ssyncadd.tile.s32 @!p0 $0x1;
	_ =	shalt  }
.Lfunc_end2:
_tile_overlayer_lowered:
.L_overlay_start_2:
0xbc: {  	(tag) =	ssettag $0x2  }
0xbd: {  	s0 =	rddreg [dreg:$0x0];
	s2 =	stileid.u32  }
0xbe: {  	s1 =	rddreg [dreg:$0x1];
	p0 =	sne.s32 s2, $0x0  }
0xbf: {  	s3 =	rddreg [dreg:$0x2];
	[bflag:$0x3] =	sbarrier.arrive $0xFFFF;
	s2 =	simm.s32 @!p0 $0x1C03  }
0xc0: {  	[timem:s3], [sflag:s2] =	dma.local @!p0 [hbm:s0], s1  }
0xc1: {  	s0 =	simm.s32 @!p0 $0x3  }
0xc2: {  	_ =	swait.ge @!p0 [sflag:s0], s1  }
0xc3: {  	s1 =	ssub.s32 @!p0 $0x0, s1;
	[sflag:s0] =	ssyncset.done @!p0 $0x0  }
0xc4: {  	[sflag:s0] =	ssyncadd.s32 @!p0 s1  }
0xc5: {  	[bflag:$0x3] =	sbarrier.arrive $0xFFFF  }
0xc6: {  	_ =	shalt  }

</sc_bundles>
